<compile_context>
chip_gen: v7x
topology: tpu7x:2x2x1
jax: 0.10.2.dev20260603
libtpu: 0.0.44.dev20260713+nightly
codegen_flags: <defaults>
</compile_context>

<pallas_src>
import functools
import math

import jax
import jax.numpy as jnp
from jax import lax
from jax.experimental import pallas as pl
from jax.experimental.pallas import tpu as pltpu
from jax.experimental.pallas import tpu_sc as plsc

D_MODEL = 512
SCALE = float(math.sqrt(D_MODEL))
LANES = 16
NBUF = 4
CHUNK = 40


def _build_sc_kernel(n_rows: int):
    info = plsc.get_sparse_core_info()
    nw = info.num_cores * info.num_subcores
    rows_per_w = n_rows // nw
    n_chunks = rows_per_w // CHUNK
    n_outer = n_chunks // NBUF

    mesh = plsc.VectorSubcoreMesh(core_axis_name="c", subcore_axis_name="s")

    @functools.partial(
        pl.kernel,
        mesh=mesh,
        out_type=jax.ShapeDtypeStruct((n_rows, D_MODEL), jnp.float32),
        scratch_types=(
            [pltpu.VMEM((rows_per_w,), jnp.int32)]
            + [pltpu.VMEM((CHUNK, D_MODEL), jnp.float32) for _ in range(NBUF)]
            + [pltpu.SemaphoreType.DMA for _ in range(NBUF)]
            + [pltpu.SemaphoreType.DMA]
        ),
    )
    def sc_kernel(idx_hbm, table_hbm, out_hbm, idx_v, *bufs_and_sems):
        bufs = bufs_and_sems[:NBUF]
        gsem = bufs_and_sems[NBUF:2 * NBUF]
        ssem = bufs_and_sems[2 * NBUF]

        wid = lax.axis_index("s") * info.num_cores + lax.axis_index("c")
        base = wid * rows_per_w
        pltpu.sync_copy(idx_hbm.at[pl.ds(base, rows_per_w)], idx_v)

        def gather(chunk_id, b):
            pltpu.make_async_copy(
                table_hbm.at[idx_v.at[pl.ds(chunk_id * CHUNK, CHUNK)]],
                bufs[b], gsem[b],
            ).start()

        def gather_wait(chunk_id, b):
            pltpu.make_async_copy(
                table_hbm.at[idx_v.at[pl.ds(chunk_id * CHUNK, CHUNK)]],
                bufs[b], gsem[b],
            ).wait()

        def scatter(chunk_id, b):
            pltpu.make_async_copy(
                bufs[b], out_hbm.at[pl.ds(base + chunk_id * CHUNK, CHUNK)],
                ssem,
            ).start()

        def scatter_wait(chunk_id, b):
            pltpu.make_async_copy(
                bufs[b], out_hbm.at[pl.ds(base + chunk_id * CHUNK, CHUNK)],
                ssem,
            ).wait()

        for b in range(NBUF - 1):
            gather(b, b)

        def outer_body(o, _):
            for b in range(NBUF):
                g = o * NBUF + b
                gather_wait(g, b)

                def scale_row(r, _):
                    for j in range(D_MODEL // LANES):
                        sl = pl.ds(j * LANES, LANES)
                        bufs[b][r, sl] = bufs[b][r, sl] * SCALE
                    return 0

                lax.fori_loop(0, CHUNK, scale_row, 0)
                pb = (b - 1) % NBUF
                if b == 0:
                    @pl.when(o > 0)
                    def _():
                        scatter_wait(g - 1, pb)
                else:
                    scatter_wait(g - 1, pb)
                scatter(g, b)
                if b == 0:
                    gather(g + NBUF - 1, pb)
                else:
                    @pl.when(o < n_outer - 1)
                    def _():
                        gather(g + NBUF - 1, pb)
            return 0

        lax.fori_loop(0, n_outer, outer_body, 0)
        scatter_wait(n_chunks - 1, NBUF - 1)

    return sc_kernel


def kernel(inputs, table):
    b, s = inputs.shape
    n_rows = b * s
    idx_flat = jnp.transpose(inputs).reshape(n_rows).astype(jnp.int32)
    out = _build_sc_kernel(n_rows)(idx_flat, table)
    return out.reshape(s, b, D_MODEL).transpose(1, 0, 2)

# --- scband reference (transcript-rebuilt; emitter-appended) ---
"""Pipeline reference for scband-embedding-10368051053070 (READ-ONLY COPY).

The authoritative reference and input builder live on the scoring server;
editing this copy changes nothing except your own understanding.
"""

import math
import jax, jax.numpy as jnp
import numpy as np

NUM_EMBEDDINGS = 100000
D_MODEL = 512
BATCH = 4096
SEQ = 50

def setup_inputs(seed: int = 0) -> dict:
    key = jax.random.key(seed)
    k_idx, k_tab = jax.random.split(key)
    inputs = jax.random.randint(k_idx, (BATCH, SEQ), 0, NUM_EMBEDDINGS, dtype=jnp.int64 if jax.config.read('jax_enable_x64') else jnp.int32)
    table = jax.random.normal(k_tab, (NUM_EMBEDDINGS, D_MODEL), dtype=jnp.float32) * 0.02
    return {"inputs": inputs, "table": table}

def reference(inputs, table):
    sqrt_dim = math.sqrt(D_MODEL)
    emb = jnp.take(table, inputs, axis=0)
    return emb * sqrt_dim

if __name__ == "__main__":
    import jax
    _d = setup_inputs()
    print(jax.jit(kernel)(*tuple(_d.values())))

</pallas_src>

<mosaic_0001>
#map = affine_map<(d0, d1) -> (0)>
#map1 = affine_map<(d0, d1) -> (0, 0)>
module attributes {stable_mosaic.version = 14 : i64} {
  func.func @sc_kernel(%arg0: i32, %arg1: i32, %arg2: memref<204800xi32, #tpu.memory_space<hbm>>, %arg3: memref<100000x512xf32, #tpu.memory_space<hbm>>, %arg4: memref<204800x512xf32, #tpu.memory_space<hbm>>, %arg5: memref<6400xi32, #tpu.memory_space<vmem>>, %arg6: memref<40x512xf32, #tpu.memory_space<vmem>>, %arg7: memref<40x512xf32, #tpu.memory_space<vmem>>, %arg8: memref<40x512xf32, #tpu.memory_space<vmem>>, %arg9: memref<40x512xf32, #tpu.memory_space<vmem>>, %arg10: memref<!tpu.dma_semaphore, #tpu.memory_space<semaphore_mem>>, %arg11: memref<!tpu.dma_semaphore, #tpu.memory_space<semaphore_mem>>, %arg12: memref<!tpu.dma_semaphore, #tpu.memory_space<semaphore_mem>>, %arg13: memref<!tpu.dma_semaphore, #tpu.memory_space<semaphore_mem>>, %arg14: memref<!tpu.dma_semaphore, #tpu.memory_space<semaphore_mem>>) attributes {dimension_semantics = [#tpu.dimension_semantics<core_parallel>, #tpu.dimension_semantics<subcore_parallel>], iteration_bounds = array<i64: 2, 16>, scalar_prefetch = 0 : i64, scratch_operands = 10 : i64, tpu.core_type = #tpu.core_type<sc_vector_subcore>, window_params = [{transform_indices = #map}, {transform_indices = #map1}, {transform_indices = #map1}]} {
    %mul3A = arith.constant 2 : i32
    %mul3A_0 = arith.muli %arg1, %mul3A : i32
    %add3A = arith.addi %mul3A_0, %arg0 : i32
    %mul3A_1 = arith.constant 6400 : i32
    %mul3A_2 = arith.muli %add3A, %mul3A_1 : i32
    "tpu.region"() ({
      %run_scoped3A = tpu.sem_alloc : memref<!tpu.dma_semaphore, #tpu.memory_space<semaphore_mem>>
      %dma_start3A_28 = tpu.memref_slice %arg2[%mul3A_2] : memref<204800xi32, #tpu.memory_space<hbm>> -> memref<6400xi32, #tpu.memory_space<hbm>>
      %dma_start3A_29 = tpu.memref_slice %arg2[%mul3A_2] : memref<204800xi32, #tpu.memory_space<hbm>> -> memref<6400xi32, #tpu.memory_space<hbm>>
      tpu.enqueue_dma source(%dma_start3A_29 : memref<6400xi32, #tpu.memory_space<hbm>>) target(%arg5 : memref<6400xi32, #tpu.memory_space<vmem>>) target_semaphore(%run_scoped3A : memref<!tpu.dma_semaphore, #tpu.memory_space<semaphore_mem>>)
      %dma_wait3A_30 = tpu.memref_slice %arg2[%mul3A_2] : memref<204800xi32, #tpu.memory_space<hbm>> -> memref<6400xi32, #tpu.memory_space<hbm>>
      %dma_wait3A_31 = tpu.memref_slice %arg2[%mul3A_2] : memref<204800xi32, #tpu.memory_space<hbm>> -> memref<6400xi32, #tpu.memory_space<hbm>>
      tpu.wait_dma2 semaphore(%run_scoped3A : memref<!tpu.dma_semaphore, #tpu.memory_space<semaphore_mem>>) src(%dma_wait3A_31 : memref<6400xi32, #tpu.memory_space<hbm>>) dst(%arg5 : memref<6400xi32, #tpu.memory_space<vmem>>)
      tpu.yield
    }) : () -> ()
    %dma_start3A = arith.constant 0 : i32
    %dma_start3A_3 = tpu.memref_slice %arg5[%dma_start3A] : memref<6400xi32, #tpu.memory_space<vmem>> -> memref<40xi32, #tpu.memory_space<vmem>>
    %dma_start3A_4 = arith.constant 0 : i32
    %dma_start3A_5 = arith.constant 0 : i32
    %dma_start3A_6 = tpu.memref_slice %arg3[%dma_start3A_4, %dma_start3A_5] : memref<100000x512xf32, #tpu.memory_space<hbm>> -> memref<100000x512xf32, #tpu.memory_space<hbm>>
    tpu.enqueue_indirect_dma source(%dma_start3A_6 : memref<100000x512xf32, #tpu.memory_space<hbm>>) target(%arg6 : memref<40x512xf32, #tpu.memory_space<vmem>>) offsets(%dma_start3A_3 : memref<40xi32, #tpu.memory_space<vmem>>) semaphore(%arg10 : memref<!tpu.dma_semaphore, #tpu.memory_space<semaphore_mem>>)
    %dma_start3A_7 = arith.constant 40 : i32
    %dma_start3A_8 = tpu.memref_slice %arg5[%dma_start3A_7] : memref<6400xi32, #tpu.memory_space<vmem>> -> memref<40xi32, #tpu.memory_space<vmem>>
    %dma_start3A_9 = arith.constant 0 : i32
    %dma_start3A_10 = arith.constant 0 : i32
    %dma_start3A_11 = tpu.memref_slice %arg3[%dma_start3A_9, %dma_start3A_10] : memref<100000x512xf32, #tpu.memory_space<hbm>> -> memref<100000x512xf32, #tpu.memory_space<hbm>>
    tpu.enqueue_indirect_dma source(%dma_start3A_11 : memref<100000x512xf32, #tpu.memory_space<hbm>>) target(%arg7 : memref<40x512xf32, #tpu.memory_space<vmem>>) offsets(%dma_start3A_8 : memref<40xi32, #tpu.memory_space<vmem>>) semaphore(%arg11 : memref<!tpu.dma_semaphore, #tpu.memory_space<semaphore_mem>>)
    %dma_start3A_12 = arith.constant 80 : i32
    %dma_start3A_13 = tpu.memref_slice %arg5[%dma_start3A_12] : memref<6400xi32, #tpu.memory_space<vmem>> -> memref<40xi32, #tpu.memory_space<vmem>>
    %dma_start3A_14 = arith.constant 0 : i32
    %dma_start3A_15 = arith.constant 0 : i32
    %dma_start3A_16 = tpu.memref_slice %arg3[%dma_start3A_14, %dma_start3A_15] : memref<100000x512xf32, #tpu.memory_space<hbm>> -> memref<100000x512xf32, #tpu.memory_space<hbm>>
    tpu.enqueue_indirect_dma source(%dma_start3A_16 : memref<100000x512xf32, #tpu.memory_space<hbm>>) target(%arg8 : memref<40x512xf32, #tpu.memory_space<vmem>>) offsets(%dma_start3A_13 : memref<40xi32, #tpu.memory_space<vmem>>) semaphore(%arg12 : memref<!tpu.dma_semaphore, #tpu.memory_space<semaphore_mem>>)
    %scan3A = arith.constant 0 : i32
    %scan3A_17 = arith.constant 0 : i32
    %scan3A_18 = arith.constant 40 : i32
    %scan3A_19 = arith.addi %scan3A_17, %scan3A_18 : i32
    %scan3A_20 = arith.constant 1 : i32
    %scan3A_21 = scf.for %scan3A_28 = %scan3A_17 to %scan3A_19 step %scan3A_20 iter_args(%scan3A_29 = %scan3A) -> (i32)  : i32 {
      %mul3A_30 = arith.constant 4 : i32
      %mul3A_31 = arith.muli %scan3A_28, %mul3A_30 : i32
      %add3A_32 = arith.constant 0 : i32
      %add3A_33 = arith.addi %mul3A_31, %add3A_32 : i32
      %mul3A_34 = arith.constant 40 : i32
      %mul3A_35 = arith.muli %add3A_33, %mul3A_34 : i32
      %dma_wait3A_36 = tpu.memref_slice %arg5[%mul3A_35] : memref<6400xi32, #tpu.memory_space<vmem>> -> memref<40xi32, #tpu.memory_space<vmem>>
      %dma_wait3A_37 = arith.constant 0 : i32
      %dma_wait3A_38 = arith.constant 0 : i32
      %dma_wait3A_39 = tpu.memref_slice %arg3[%dma_wait3A_37, %dma_wait3A_38] : memref<100000x512xf32, #tpu.memory_space<hbm>> -> memref<100000x512xf32, #tpu.memory_space<hbm>>
      tpu.wait_indirect_dma semaphore(%arg10 : memref<!tpu.dma_semaphore, #tpu.memory_space<semaphore_mem>>) src(%dma_wait3A_39 : memref<100000x512xf32, #tpu.memory_space<hbm>>) dst(%arg6 : memref<40x512xf32, #tpu.memory_space<vmem>>)
      %scan3A_40 = arith.constant 0 : i32
      %scan3A_41 = arith.constant 0 : i32
      %scan3A_42 = arith.constant 40 : i32
      %scan3A_43 = arith.addi %scan3A_41, %scan3A_42 : i32
      %scan3A_44 = arith.constant 1 : i32
      %scan3A_45 = scf.for %scan3A_179 = %scan3A_41 to %scan3A_43 step %scan3A_44 iter_args(%scan3A_180 = %scan3A_40) -> (i32)  : i32 {
        %get3A = arith.index_cast %scan3A_179 : i32 to index
        %get3A_181 = arith.constant 0 : index
        %get3A_182 = tpu.vector_load %arg6[%get3A, %get3A_181] {strides = array<i32>} : memref<40x512xf32, #tpu.memory_space<vmem>>, vector<1x16xf32>,
        %get3A_183 = vector.shape_cast %get3A_182 : vector<1x16xf32> to vector<16xf32>
        %mul3A_184 = arith.constant 22.6274166 : f32
        %mul3A_185 = vector.broadcast %mul3A_184 : f32 to vector<16xf32>
        %mul3A_186 = arith.mulf %get3A_183, %mul3A_185 : vector<16xf32>
        %swap3A = arith.index_cast %scan3A_179 : i32 to index
        %swap3A_187 = arith.constant 0 : index
        %swap3A_188 = tpu.vector_load %arg6[%swap3A, %swap3A_187] {strides = array<i32>} : memref<40x512xf32, #tpu.memory_space<vmem>>, vector<1x16xf32>,
        %swap3A_189 = vector.shape_cast %swap3A_188 : vector<1x16xf32> to vector<16xf32>
        %swap3A_190 = vector.shape_cast %mul3A_186 : vector<16xf32> to vector<1x16xf32>
        tpu.vector_store %arg6[%swap3A, %swap3A_187], %swap3A_190 {strides = array<i32>} : memref<40x512xf32, #tpu.memory_space<vmem>>, vector<1x16xf32>,
        %get3A_191 = arith.index_cast %scan3A_179 : i32 to index
        %get3A_192 = arith.constant 16 : index
        %get3A_193 = tpu.vector_load %arg6[%get3A_191, %get3A_192] {strides = array<i32>} : memref<40x512xf32, #tpu.memory_space<vmem>>, vector<1x16xf32>,
        %get3A_194 = vector.shape_cast %get3A_193 : vector<1x16xf32> to vector<16xf32>
        %mul3A_195 = arith.constant 22.6274166 : f32
        %mul3A_196 = vector.broadcast %mul3A_195 : f32 to vector<16xf32>
        %mul3A_197 = arith.mulf %get3A_194, %mul3A_196 : vector<16xf32>
        %swap3A_198 = arith.index_cast %scan3A_179 : i32 to index
        %swap3A_199 = arith.constant 16 : index
        %swap3A_200 = tpu.vector_load %arg6[%swap3A_198, %swap3A_199] {strides = array<i32>} : memref<40x512xf32, #tpu.memory_space<vmem>>, vector<1x16xf32>,
        %swap3A_201 = vector.shape_cast %swap3A_200 : vector<1x16xf32> to vector<16xf32>
        %swap3A_202 = vector.shape_cast %mul3A_197 : vector<16xf32> to vector<1x16xf32>
        tpu.vector_store %arg6[%swap3A_198, %swap3A_199], %swap3A_202 {strides = array<i32>} : memref<40x512xf32, #tpu.memory_space<vmem>>, vector<1x16xf32>,
        %get3A_203 = arith.index_cast %scan3A_179 : i32 to index
        %get3A_204 = arith.constant 32 : index
        %get3A_205 = tpu.vector_load %arg6[%get3A_203, %get3A_204] {strides = array<i32>} : memref<40x512xf32, #tpu.memory_space<vmem>>, vector<1x16xf32>,
        %get3A_206 = vector.shape_cast %get3A_205 : vector<1x16xf32> to vector<16xf32>
        %mul3A_207 = arith.constant 22.6274166 : f32
        %mul3A_208 = vector.broadcast %mul3A_207 : f32 to vector<16xf32>
        %mul3A_209 = arith.mulf %get3A_206, %mul3A_208 : vector<16xf32>
        %swap3A_210 = arith.index_cast %scan3A_179 : i32 to index
        %swap3A_211 = arith.constant 32 : index
        %swap3A_212 = tpu.vector_load %arg6[%swap3A_210, %swap3A_211] {strides = array<i32>} : memref<40x512xf32, #tpu.memory_space<vmem>>, vector<1x16xf32>,
        %swap3A_213 = vector.shape_cast %swap3A_212 : vector<1x16xf32> to vector<16xf32>
        %swap3A_214 = vector.shape_cast %mul3A_209 : vector<16xf32> to vector<1x16xf32>
        tpu.vector_store %arg6[%swap3A_210, %swap3A_211], %swap3A_214 {strides = array<i32>} : memref<40x512xf32, #tpu.memory_space<vmem>>, vector<1x16xf32>,
        %get3A_215 = arith.index_cast %scan3A_179 : i32 to index
        %get3A_216 = arith.constant 48 : index
        %get3A_217 = tpu.vector_load %arg6[%get3A_215, %get3A_216] {strides = array<i32>} : memref<40x512xf32, #tpu.memory_space<vmem>>, vector<1x16xf32>,
        %get3A_218 = vector.shape_cast %get3A_217 : vector<1x16xf32> to vector<16xf32>
        %mul3A_219 = arith.constant 22.6274166 : f32
        %mul3A_220 = vector.broadcast %mul3A_219 : f32 to vector<16xf32>
        %mul3A_221 = arith.mulf %get3A_218, %mul3A_220 : vector<16xf32>
        %swap3A_222 = arith.index_cast %scan3A_179 : i32 to index
        %swap3A_223 = arith.constant 48 : index
        %swap3A_224 = tpu.vector_load %arg6[%swap3A_222, %swap3A_223] {strides = array<i32>} : memref<40x512xf32, #tpu.memory_space<vmem>>, vector<1x16xf32>,
        %swap3A_225 = vector.shape_cast %swap3A_224 : vector<1x16xf32> to vector<16xf32>
        %swap3A_226 = vector.shape_cast %mul3A_221 : vector<16xf32> to vector<1x16xf32>
        tpu.vector_store %arg6[%swap3A_222, %swap3A_223], %swap3A_226 {strides = array<i32>} : memref<40x512xf32, #tpu.memory_space<vmem>>, vector<1x16xf32>,
        %get3A_227 = arith.index_cast %scan3A_179 : i32 to index
        %get3A_228 = arith.constant 64 : index
        %get3A_229 = tpu.vector_load %arg6[%get3A_227, %get3A_228] {strides = array<i32>} : memref<40x512xf32, #tpu.memory_space<vmem>>, vector<1x16xf32>,
        %get3A_230 = vector.shape_cast %get3A_229 : vector<1x16xf32> to vector<16xf32>
        %mul3A_231 = arith.constant 22.6274166 : f32
        %mul3A_232 = vector.broadcast %mul3A_231 : f32 to vector<16xf32>
        %mul3A_233 = arith.mulf %get3A_230, %mul3A_232 : vector<16xf32>
        %swap3A_234 = arith.index_cast %scan3A_179 : i32 to index
        %swap3A_235 = arith.constant 64 : index
        %swap3A_236 = tpu.vector_load %arg6[%swap3A_234, %swap3A_235] {strides = array<i32>} : memref<40x512xf32, #tpu.memory_space<vmem>>, vector<1x16xf32>,
        %swap3A_237 = vector.shape_cast %swap3A_236 : vector<1x16xf32> to vector<16xf32>
        %swap3A_238 = vector.shape_cast %mul3A_233 : vector<16xf32> to vector<1x16xf32>
        tpu.vector_store %arg6[%swap3A_234, %swap3A_235], %swap3A_238 {strides = array<i32>} : memref<40x512xf32, #tpu.memory_space<vmem>>, vector<1x16xf32>,
        %get3A_239 = arith.index_cast %scan3A_179 : i32 to index
        %get3A_240 = arith.constant 80 : index
        %get3A_241 = tpu.vector_load %arg6[%get3A_239, %get3A_240] {strides = array<i32>} : memref<40x512xf32, #tpu.memory_space<vmem>>, vector<1x16xf32>,
        %get3A_242 = vector.shape_cast %get3A_241 : vector<1x16xf32> to vector<16xf32>
        %mul3A_243 = arith.constant 22.6274166 : f32
        %mul3A_244 = vector.broadcast %mul3A_243 : f32 to vector<16xf32>
        %mul3A_245 = arith.mulf %get3A_242, %mul3A_244 : vector<16xf32>
        %swap3A_246 = arith.index_cast %scan3A_179 : i32 to index
        %swap3A_247 = arith.constant 80 : index
        %swap3A_248 = tpu.vector_load %arg6[%swap3A_246, %swap3A_247] {strides = array<i32>} : memref<40x512xf32, #tpu.memory_space<vmem>>, vector<1x16xf32>,
        %swap3A_249 = vector.shape_cast %swap3A_248 : vector<1x16xf32> to vector<16xf32>
        %swap3A_250 = vector.shape_cast %mul3A_245 : vector<16xf32> to vector<1x16xf32>
        tpu.vector_store %arg6[%swap3A_246, %swap3A_247], %swap3A_250 {strides = array<i32>} : memref<40x512xf32, #tpu.memory_space<vmem>>, vector<1x16xf32>,
        %get3A_251 = arith.index_cast %scan3A_179 : i32 to index
        %get3A_252 = arith.constant 96 : index
        %get3A_253 = tpu.vector_load %arg6[%get3A_251, %get3A_252] {strides = array<i32>} : memref<40x512xf32, #tpu.memory_space<vmem>>, vector<1x16xf32>,
        %get3A_254 = vector.shape_cast %get3A_253 : vector<1x16xf32> to vector<16xf32>
        %mul3A_255 = arith.constant 22.6274166 : f32
        %mul3A_256 = vector.broadcast %mul3A_255 : f32 to vector<16xf32>
        %mul3A_257 = arith.mulf %get3A_254, %mul3A_256 : vector<16xf32>
        %swap3A_258 = arith.index_cast %scan3A_179 : i32 to index
        %swap3A_259 = arith.constant 96 : index
        %swap3A_260 = tpu.vector_load %arg6[%swap3A_258, %swap3A_259] {strides = array<i32>} : memref<40x512xf32, #tpu.memory_space<vmem>>, vector<1x16xf32>,
        %swap3A_261 = vector.shape_cast %swap3A_260 : vector<1x16xf32> to vector<16xf32>
        %swap3A_262 = vector.shape_cast %mul3A_257 : vector<16xf32> to vector<1x16xf32>
        tpu.vector_store %arg6[%swap3A_258, %swap3A_259], %swap3A_262 {strides = array<i32>} : memref<40x512xf32, #tpu.memory_space<vmem>>, vector<1x16xf32>,
        %get3A_263 = arith.index_cast %scan3A_179 : i32 to index
        %get3A_264 = arith.constant 112 : index
        %get3A_265 = tpu.vector_load %arg6[%get3A_263, %get3A_264] {strides = array<i32>} : memref<40x512xf32, #tpu.memory_space<vmem>>, vector<1x16xf32>,
        %get3A_266 = vector.shape_cast %get3A_265 : vector<1x16xf32> to vector<16xf32>
        %mul3A_267 = arith.constant 22.6274166 : f32
        %mul3A_268 = vector.broadcast %mul3A_267 : f32 to vector<16xf32>
        %mul3A_269 = arith.mulf %get3A_266, %mul3A_268 : vector<16xf32>
        %swap3A_270 = arith.index_cast %scan3A_179 : i32 to index
        %swap3A_271 = arith.constant 112 : index
        %swap3A_272 = tpu.vector_load %arg6[%swap3A_270, %swap3A_271] {strides = array<i32>} : memref<40x512xf32, #tpu.memory_space<vmem>>, vector<1x16xf32>,
        %swap3A_273 = vector.shape_cast %swap3A_272 : vector<1x16xf32> to vector<16xf32>
        %swap3A_274 = vector.shape_cast %mul3A_269 : vector<16xf32> to vector<1x16xf32>
        tpu.vector_store %arg6[%swap3A_270, %swap3A_271], %swap3A_274 {strides = array<i32>} : memref<40x512xf32, #tpu.memory_space<vmem>>, vector<1x16xf32>,
        %get3A_275 = arith.index_cast %scan3A_179 : i32 to index
        %get3A_276 = arith.constant 128 : index
        %get3A_277 = tpu.vector_load %arg6[%get3A_275, %get3A_276] {strides = array<i32>} : memref<40x512xf32, #tpu.memory_space<vmem>>, vector<1x16xf32>,
        %get3A_278 = vector.shape_cast %get3A_277 : vector<1x16xf32> to vector<16xf32>
        %mul3A_279 = arith.constant 22.6274166 : f32
        %mul3A_280 = vector.broadcast %mul3A_279 : f32 to vector<16xf32>
        %mul3A_281 = arith.mulf %get3A_278, %mul3A_280 : vector<16xf32>
        %swap3A_282 = arith.index_cast %scan3A_179 : i32 to index
        %swap3A_283 = arith.constant 128 : index
        %swap3A_284 = tpu.vector_load %arg6[%swap3A_282, %swap3A_283] {strides = array<i32>} : memref<40x512xf32, #tpu.memory_space<vmem>>, vector<1x16xf32>,
        %swap3A_285 = vector.shape_cast %swap3A_284 : vector<1x16xf32> to vector<16xf32>
        %swap3A_286 = vector.shape_cast %mul3A_281 : vector<16xf32> to vector<1x16xf32>
        tpu.vector_store %arg6[%swap3A_282, %swap3A_283], %swap3A_286 {strides = array<i32>} : memref<40x512xf32, #tpu.memory_space<vmem>>, vector<1x16xf32>,
        %get3A_287 = arith.index_cast %scan3A_179 : i32 to index
        %get3A_288 = arith.constant 144 : index
        %get3A_289 = tpu.vector_load %arg6[%get3A_287, %get3A_288] {strides = array<i32>} : memref<40x512xf32, #tpu.memory_space<vmem>>, vector<1x16xf32>,
        %get3A_290 = vector.shape_cast %get3A_289 : vector<1x16xf32> to vector<16xf32>
        %mul3A_291 = arith.constant 22.6274166 : f32
        %mul3A_292 = vector.broadcast %mul3A_291 : f32 to vector<16xf32>
        %mul3A_293 = arith.mulf %get3A_290, %mul3A_292 : vector<16xf32>
        %swap3A_294 = arith.index_cast %scan3A_179 : i32 to index
        %swap3A_295 = arith.constant 144 : index
        %swap3A_296 = tpu.vector_load %arg6[%swap3A_294, %swap3A_295] {strides = array<i32>} : memref<40x512xf32, #tpu.memory_space<vmem>>, vector<1x16xf32>,
        %swap3A_297 = vector.shape_cast %swap3A_296 : vector<1x16xf32> to vector<16xf32>
        %swap3A_298 = vector.shape_cast %mul3A_293 : vector<16xf32> to vector<1x16xf32>
        tpu.vector_store %arg6[%swap3A_294, %swap3A_295], %swap3A_298 {strides = array<i32>} : memref<40x512xf32, #tpu.memory_space<vmem>>, vector<1x16xf32>,
        %get3A_299 = arith.index_cast %scan3A_179 : i32 to index
        %get3A_300 = arith.constant 160 : index
        %get3A_301 = tpu.vector_load %arg6[%get3A_299, %get3A_300] {strides = array<i32>} : memref<40x512xf32, #tpu.memory_space<vmem>>, vector<1x16xf32>,
        %get3A_302 = vector.shape_cast %get3A_301 : vector<1x16xf32> to vector<16xf32>
        %mul3A_303 = arith.constant 22.6274166 : f32
        %mul3A_304 = vector.broadcast %mul3A_303 : f32 to vector<16xf32>
        %mul3A_305 = arith.mulf %get3A_302, %mul3A_304 : vector<16xf32>
        %swap3A_306 = arith.index_cast %scan3A_179 : i32 to index
        %swap3A_307 = arith.constant 160 : index
        %swap3A_308 = tpu.vector_load %arg6[%swap3A_306, %swap3A_307] {strides = array<i32>} : memref<40x512xf32, #tpu.memory_space<vmem>>, vector<1x16xf32>,
        %swap3A_309 = vector.shape_cast %swap3A_308 : vector<1x16xf32> to vector<16xf32>
        %swap3A_310 = vector.shape_cast %mul3A_305 : vector<16xf32> to vector<1x16xf32>
        tpu.vector_store %arg6[%swap3A_306, %swap3A_307], %swap3A_310 {strides = array<i32>} : memref<40x512xf32, #tpu.memory_space<vmem>>, vector<1x16xf32>,
        %get3A_311 = arith.index_cast %scan3A_179 : i32 to index
        %get3A_312 = arith.constant 176 : index
        %get3A_313 = tpu.vector_load %arg6[%get3A_311, %get3A_312] {strides = array<i32>} : memref<40x512xf32, #tpu.memory_space<vmem>>, vector<1x16xf32>,
        %get3A_314 = vector.shape_cast %get3A_313 : vector<1x16xf32> to vector<16xf32>
        %mul3A_315 = arith.constant 22.6274166 : f32
        %mul3A_316 = vector.broadcast %mul3A_315 : f32 to vector<16xf32>
        %mul3A_317 = arith.mulf %get3A_314, %mul3A_316 : vector<16xf32>
        %swap3A_318 = arith.index_cast %scan3A_179 : i32 to index
        %swap3A_319 = arith.constant 176 : index
        %swap3A_320 = tpu.vector_load %arg6[%swap3A_318, %swap3A_319] {strides = array<i32>} : memref<40x512xf32, #tpu.memory_space<vmem>>, vector<1x16xf32>,
        %swap3A_321 = vector.shape_cast %swap3A_320 : vector<1x16xf32> to vector<16xf32>
        %swap3A_322 = vector.shape_cast %mul3A_317 : vector<16xf32> to vector<1x16xf32>
        tpu.vector_store %arg6[%swap3A_318, %swap3A_319], %swap3A_322 {strides = array<i32>} : memref<40x512xf32, #tpu.memory_space<vmem>>, vector<1x16xf32>,
        %get3A_323 = arith.index_cast %scan3A_179 : i32 to index
        %get3A_324 = arith.constant 192 : index
        %get3A_325 = tpu.vector_load %arg6[%get3A_323, %get3A_324] {strides = array<i32>} : memref<40x512xf32, #tpu.memory_space<vmem>>, vector<1x16xf32>,
        %get3A_326 = vector.shape_cast %get3A_325 : vector<1x16xf32> to vector<16xf32>
        %mul3A_327 = arith.constant 22.6274166 : f32
        %mul3A_328 = vector.broadcast %mul3A_327 : f32 to vector<16xf32>
        %mul3A_329 = arith.mulf %get3A_326, %mul3A_328 : vector<16xf32>
        %swap3A_330 = arith.index_cast %scan3A_179 : i32 to index
        %swap3A_331 = arith.constant 192 : index
        %swap3A_332 = tpu.vector_load %arg6[%swap3A_330, %swap3A_331] {strides = array<i32>} : memref<40x512xf32, #tpu.memory_space<vmem>>, vector<1x16xf32>,
        %swap3A_333 = vector.shape_cast %swap3A_332 : vector<1x16xf32> to vector<16xf32>
        %swap3A_334 = vector.shape_cast %mul3A_329 : vector<16xf32> to vector<1x16xf32>
        tpu.vector_store %arg6[%swap3A_330, %swap3A_331], %swap3A_334 {strides = array<i32>} : memref<40x512xf32, #tpu.memory_space<vmem>>, vector<1x16xf32>,
        %get3A_335 = arith.index_cast %scan3A_179 : i32 to index
        %get3A_336 = arith.constant 208 : index
        %get3A_337 = tpu.vector_load %arg6[%get3A_335, %get3A_336] {strides = array<i32>} : memref<40x512xf32, #tpu.memory_space<vmem>>, vector<1x16xf32>,
        %get3A_338 = vector.shape_cast %get3A_337 : vector<1x16xf32> to vector<16xf32>
        %mul3A_339 = arith.constant 22.6274166 : f32
        %mul3A_340 = vector.broadcast %mul3A_339 : f32 to vector<16xf32>
        %mul3A_341 = arith.mulf %get3A_338, %mul3A_340 : vector<16xf32>
        %swap3A_342 = arith.index_cast %scan3A_179 : i32 to index
        %swap3A_343 = arith.constant 208 : index
        %swap3A_344 = tpu.vector_load %arg6[%swap3A_342, %swap3A_343] {strides = array<i32>} : memref<40x512xf32, #tpu.memory_space<vmem>>, vector<1x16xf32>,
        %swap3A_345 = vector.shape_cast %swap3A_344 : vector<1x16xf32> to vector<16xf32>
        %swap3A_346 = vector.shape_cast %mul3A_341 : vector<16xf32> to vector<1x16xf32>
        tpu.vector_store %arg6[%swap3A_342, %swap3A_343], %swap3A_346 {strides = array<i32>} : memref<40x512xf32, #tpu.memory_space<vmem>>, vector<1x16xf32>,
        %get3A_347 = arith.index_cast %scan3A_179 : i32 to index
        %get3A_348 = arith.constant 224 : index
        %get3A_349 = tpu.vector_load %arg6[%get3A_347, %get3A_348] {strides = array<i32>} : memref<40x512xf32, #tpu.memory_space<vmem>>, vector<1x16xf32>,
        %get3A_350 = vector.shape_cast %get3A_349 : vector<1x16xf32> to vector<16xf32>
        %mul3A_351 = arith.constant 22.6274166 : f32
        %mul3A_352 = vector.broadcast %mul3A_351 : f32 to vector<16xf32>
        %mul3A_353 = arith.mulf %get3A_350, %mul3A_352 : vector<16xf32>
        %swap3A_354 = arith.index_cast %scan3A_179 : i32 to index
        %swap3A_355 = arith.constant 224 : index
        %swap3A_356 = tpu.vector_load %arg6[%swap3A_354, %swap3A_355] {strides = array<i32>} : memref<40x512xf32, #tpu.memory_space<vmem>>, vector<1x16xf32>,
        %swap3A_357 = vector.shape_cast %swap3A_356 : vector<1x16xf32> to vector<16xf32>
        %swap3A_358 = vector.shape_cast %mul3A_353 : vector<16xf32> to vector<1x16xf32>
        tpu.vector_store %arg6[%swap3A_354, %swap3A_355], %swap3A_358 {strides = array<i32>} : memref<40x512xf32, #tpu.memory_space<vmem>>, vector<1x16xf32>,
        %get3A_359 = arith.index_cast %scan3A_179 : i32 to index
        %get3A_360 = arith.constant 240 : index
        %get3A_361 = tpu.vector_load %arg6[%get3A_359, %get3A_360] {strides = array<i32>} : memref<40x512xf32, #tpu.memory_space<vmem>>, vector<1x16xf32>,
        %get3A_362 = vector.shape_cast %get3A_361 : vector<1x16xf32> to vector<16xf32>
        %mul3A_363 = arith.constant 22.6274166 : f32
        %mul3A_364 = vector.broadcast %mul3A_363 : f32 to vector<16xf32>
        %mul3A_365 = arith.mulf %get3A_362, %mul3A_364 : vector<16xf32>
        %swap3A_366 = arith.index_cast %scan3A_179 : i32 to index
        %swap3A_367 = arith.constant 240 : index
        %swap3A_368 = tpu.vector_load %arg6[%swap3A_366, %swap3A_367] {strides = array<i32>} : memref<40x512xf32, #tpu.memory_space<vmem>>, vector<1x16xf32>,
        %swap3A_369 = vector.shape_cast %swap3A_368 : vector<1x16xf32> to vector<16xf32>
        %swap3A_370 = vector.shape_cast %mul3A_365 : vector<16xf32> to vector<1x16xf32>
        tpu.vector_store %arg6[%swap3A_366, %swap3A_367], %swap3A_370 {strides = array<i32>} : memref<40x512xf32, #tpu.memory_space<vmem>>, vector<1x16xf32>,
        %get3A_371 = arith.index_cast %scan3A_179 : i32 to index
        %get3A_372 = arith.constant 256 : index
        %get3A_373 = tpu.vector_load %arg6[%get3A_371, %get3A_372] {strides = array<i32>} : memref<40x512xf32, #tpu.memory_space<vmem>>, vector<1x16xf32>,
        %get3A_374 = vector.shape_cast %get3A_373 : vector<1x16xf32> to vector<16xf32>
        %mul3A_375 = arith.constant 22.6274166 : f32
        %mul3A_376 = vector.broadcast %mul3A_375 : f32 to vector<16xf32>
        %mul3A_377 = arith.mulf %get3A_374, %mul3A_376 : vector<16xf32>
        %swap3A_378 = arith.index_cast %scan3A_179 : i32 to index
        %swap3A_379 = arith.constant 256 : index
        %swap3A_380 = tpu.vector_load %arg6[%swap3A_378, %swap3A_379] {strides = array<i32>} : memref<40x512xf32, #tpu.memory_space<vmem>>, vector<1x16xf32>,
        %swap3A_381 = vector.shape_cast %swap3A_380 : vector<1x16xf32> to vector<16xf32>
        %swap3A_382 = vector.shape_cast %mul3A_377 : vector<16xf32> to vector<1x16xf32>
        tpu.vector_store %arg6[%swap3A_378, %swap3A_379], %swap3A_382 {strides = array<i32>} : memref<40x512xf32, #tpu.memory_space<vmem>>, vector<1x16xf32>,
        %get3A_383 = arith.index_cast %scan3A_179 : i32 to index
        %get3A_384 = arith.constant 272 : index
        %get3A_385 = tpu.vector_load %arg6[%get3A_383, %get3A_384] {strides = array<i32>} : memref<40x512xf32, #tpu.memory_space<vmem>>, vector<1x16xf32>,
        %get3A_386 = vector.shape_cast %get3A_385 : vector<1x16xf32> to vector<16xf32>
        %mul3A_387 = arith.constant 22.6274166 : f32
        %mul3A_388 = vector.broadcast %mul3A_387 : f32 to vector<16xf32>
        %mul3A_389 = arith.mulf %get3A_386, %mul3A_388 : vector<16xf32>
        %swap3A_390 = arith.index_cast %scan3A_179 : i32 to index
        %swap3A_391 = arith.constant 272 : index
        %swap3A_392 = tpu.vector_load %arg6[%swap3A_390, %swap3A_391] {strides = array<i32>} : memref<40x512xf32, #tpu.memory_space<vmem>>, vector<1x16xf32>,
        %swap3A_393 = vector.shape_cast %swap3A_392 : vector<1x16xf32> to vector<16xf32>
        %swap3A_394 = vector.shape_cast %mul3A_389 : vector<16xf32> to vector<1x16xf32>
        tpu.vector_store %arg6[%swap3A_390, %swap3A_391], %swap3A_394 {strides = array<i32>} : memref<40x512xf32, #tpu.memory_space<vmem>>, vector<1x16xf32>,
        %get3A_395 = arith.index_cast %scan3A_179 : i32 to index
        %get3A_396 = arith.constant 288 : index
        %get3A_397 = tpu.vector_load %arg6[%get3A_395, %get3A_396] {strides = array<i32>} : memref<40x512xf32, #tpu.memory_space<vmem>>, vector<1x16xf32>,
        %get3A_398 = vector.shape_cast %get3A_397 : vector<1x16xf32> to vector<16xf32>
        %mul3A_399 = arith.constant 22.6274166 : f32
        %mul3A_400 = vector.broadcast %mul3A_399 : f32 to vector<16xf32>
        %mul3A_401 = arith.mulf %get3A_398, %mul3A_400 : vector<16xf32>
        %swap3A_402 = arith.index_cast %scan3A_179 : i32 to index
        %swap3A_403 = arith.constant 288 : index
        %swap3A_404 = tpu.vector_load %arg6[%swap3A_402, %swap3A_403] {strides = array<i32>} : memref<40x512xf32, #tpu.memory_space<vmem>>, vector<1x16xf32>,
        %swap3A_405 = vector.shape_cast %swap3A_404 : vector<1x16xf32> to vector<16xf32>
        %swap3A_406 = vector.shape_cast %mul3A_401 : vector<16xf32> to vector<1x16xf32>
        tpu.vector_store %arg6[%swap3A_402, %swap3A_403], %swap3A_406 {strides = array<i32>} : memref<40x512xf32, #tpu.memory_space<vmem>>, vector<1x16xf32>,
        %get3A_407 = arith.index_cast %scan3A_179 : i32 to index
        %get3A_408 = arith.constant 304 : index
        %get3A_409 = tpu.vector_load %arg6[%get3A_407, %get3A_408] {strides = array<i32>} : memref<40x512xf32, #tpu.memory_space<vmem>>, vector<1x16xf32>,
        %get3A_410 = vector.shape_cast %get3A_409 : vector<1x16xf32> to vector<16xf32>
        %mul3A_411 = arith.constant 22.6274166 : f32
        %mul3A_412 = vector.broadcast %mul3A_411 : f32 to vector<16xf32>
        %mul3A_413 = arith.mulf %get3A_410, %mul3A_412 : vector<16xf32>
        %swap3A_414 = arith.index_cast %scan3A_179 : i32 to index
        %swap3A_415 = arith.constant 304 : index
        %swap3A_416 = tpu.vector_load %arg6[%swap3A_414, %swap3A_415] {strides = array<i32>} : memref<40x512xf32, #tpu.memory_space<vmem>>, vector<1x16xf32>,
        %swap3A_417 = vector.shape_cast %swap3A_416 : vector<1x16xf32> to vector<16xf32>
        %swap3A_418 = vector.shape_cast %mul3A_413 : vector<16xf32> to vector<1x16xf32>
        tpu.vector_store %arg6[%swap3A_414, %swap3A_415], %swap3A_418 {strides = array<i32>} : memref<40x512xf32, #tpu.memory_space<vmem>>, vector<1x16xf32>,
        %get3A_419 = arith.index_cast %scan3A_179 : i32 to index
        %get3A_420 = arith.constant 320 : index
        %get3A_421 = tpu.vector_load %arg6[%get3A_419, %get3A_420] {strides = array<i32>} : memref<40x512xf32, #tpu.memory_space<vmem>>, vector<1x16xf32>,
        %get3A_422 = vector.shape_cast %get3A_421 : vector<1x16xf32> to vector<16xf32>
        %mul3A_423 = arith.constant 22.6274166 : f32
        %mul3A_424 = vector.broadcast %mul3A_423 : f32 to vector<16xf32>
        %mul3A_425 = arith.mulf %get3A_422, %mul3A_424 : vector<16xf32>
        %swap3A_426 = arith.index_cast %scan3A_179 : i32 to index
        %swap3A_427 = arith.constant 320 : index
        %swap3A_428 = tpu.vector_load %arg6[%swap3A_426, %swap3A_427] {strides = array<i32>} : memref<40x512xf32, #tpu.memory_space<vmem>>, vector<1x16xf32>,
        %swap3A_429 = vector.shape_cast %swap3A_428 : vector<1x16xf32> to vector<16xf32>
        %swap3A_430 = vector.shape_cast %mul3A_425 : vector<16xf32> to vector<1x16xf32>
        tpu.vector_store %arg6[%swap3A_426, %swap3A_427], %swap3A_430 {strides = array<i32>} : memref<40x512xf32, #tpu.memory_space<vmem>>, vector<1x16xf32>,
        %get3A_431 = arith.index_cast %scan3A_179 : i32 to index
        %get3A_432 = arith.constant 336 : index
        %get3A_433 = tpu.vector_load %arg6[%get3A_431, %get3A_432] {strides = array<i32>} : memref<40x512xf32, #tpu.memory_space<vmem>>, vector<1x16xf32>,
        %get3A_434 = vector.shape_cast %get3A_433 : vector<1x16xf32> to vector<16xf32>
        %mul3A_435 = arith.constant 22.6274166 : f32
        %mul3A_436 = vector.broadcast %mul3A_435 : f32 to vector<16xf32>
        %mul3A_437 = arith.mulf %get3A_434, %mul3A_436 : vector<16xf32>
        %swap3A_438 = arith.index_cast %scan3A_179 : i32 to index
        %swap3A_439 = arith.constant 336 : index
        %swap3A_440 = tpu.vector_load %arg6[%swap3A_438, %swap3A_439] {strides = array<i32>} : memref<40x512xf32, #tpu.memory_space<vmem>>, vector<1x16xf32>,
        %swap3A_441 = vector.shape_cast %swap3A_440 : vector<1x16xf32> to vector<16xf32>
        %swap3A_442 = vector.shape_cast %mul3A_437 : vector<16xf32> to vector<1x16xf32>
        tpu.vector_store %arg6[%swap3A_438, %swap3A_439], %swap3A_442 {strides = array<i32>} : memref<40x512xf32, #tpu.memory_space<vmem>>, vector<1x16xf32>,
        %get3A_443 = arith.index_cast %scan3A_179 : i32 to index
        %get3A_444 = arith.constant 352 : index
        %get3A_445 = tpu.vector_load %arg6[%get3A_443, %get3A_444] {strides = array<i32>} : memref<40x512xf32, #tpu.memory_space<vmem>>, vector<1x16xf32>,
        %get3A_446 = vector.shape_cast %get3A_445 : vector<1x16xf32> to vector<16xf32>
        %mul3A_447 = arith.constant 22.6274166 : f32
        %mul3A_448 = vector.broadcast %mul3A_447 : f32 to vector<16xf32>
        %mul3A_449 = arith.mulf %get3A_446, %mul3A_448 : vector<16xf32>
        %swap3A_450 = arith.index_cast %scan3A_179 : i32 to index
        %swap3A_451 = arith.constant 352 : index
        %swap3A_452 = tpu.vector_load %arg6[%swap3A_450, %swap3A_451] {strides = array<i32>} : memref<40x512xf32, #tpu.memory_space<vmem>>, vector<1x16xf32>,
        %swap3A_453 = vector.shape_cast %swap3A_452 : vector<1x16xf32> to vector<16xf32>
        %swap3A_454 = vector.shape_cast %mul3A_449 : vector<16xf32> to vector<1x16xf32>
        tpu.vector_store %arg6[%swap3A_450, %swap3A_451], %swap3A_454 {strides = array<i32>} : memref<40x512xf32, #tpu.memory_space<vmem>>, vector<1x16xf32>,
        %get3A_455 = arith.index_cast %scan3A_179 : i32 to index
        %get3A_456 = arith.constant 368 : index
        %get3A_457 = tpu.vector_load %arg6[%get3A_455, %get3A_456] {strides = array<i32>} : memref<40x512xf32, #tpu.memory_space<vmem>>, vector<1x16xf32>,
        %get3A_458 = vector.shape_cast %get3A_457 : vector<1x16xf32> to vector<16xf32>
        %mul3A_459 = arith.constant 22.6274166 : f32
        %mul3A_460 = vector.broadcast %mul3A_459 : f32 to vector<16xf32>
        %mul3A_461 = arith.mulf %get3A_458, %mul3A_460 : vector<16xf32>
        %swap3A_462 = arith.index_cast %scan3A_179 : i32 to index
        %swap3A_463 = arith.constant 368 : index
        %swap3A_464 = tpu.vector_load %arg6[%swap3A_462, %swap3A_463] {strides = array<i32>} : memref<40x512xf32, #tpu.memory_space<vmem>>, vector<1x16xf32>,
        %swap3A_465 = vector.shape_cast %swap3A_464 : vector<1x16xf32> to vector<16xf32>
        %swap3A_466 = vector.shape_cast %mul3A_461 : vector<16xf32> to vector<1x16xf32>
        tpu.vector_store %arg6[%swap3A_462, %swap3A_463], %swap3A_466 {strides = array<i32>} : memref<40x512xf32, #tpu.memory_space<vmem>>, vector<1x16xf32>,
        %get3A_467 = arith.index_cast %scan3A_179 : i32 to index
        %get3A_468 = arith.constant 384 : index
        %get3A_469 = tpu.vector_load %arg6[%get3A_467, %get3A_468] {strides = array<i32>} : memref<40x512xf32, #tpu.memory_space<vmem>>, vector<1x16xf32>,
        %get3A_470 = vector.shape_cast %get3A_469 : vector<1x16xf32> to vector<16xf32>
        %mul3A_471 = arith.constant 22.6274166 : f32
        %mul3A_472 = vector.broadcast %mul3A_471 : f32 to vector<16xf32>
        %mul3A_473 = arith.mulf %get3A_470, %mul3A_472 : vector<16xf32>
        %swap3A_474 = arith.index_cast %scan3A_179 : i32 to index
        %swap3A_475 = arith.constant 384 : index
        %swap3A_476 = tpu.vector_load %arg6[%swap3A_474, %swap3A_475] {strides = array<i32>} : memref<40x512xf32, #tpu.memory_space<vmem>>, vector<1x16xf32>,
        %swap3A_477 = vector.shape_cast %swap3A_476 : vector<1x16xf32> to vector<16xf32>
        %swap3A_478 = vector.shape_cast %mul3A_473 : vector<16xf32> to vector<1x16xf32>
        tpu.vector_store %arg6[%swap3A_474, %swap3A_475], %swap3A_478 {strides = array<i32>} : memref<40x512xf32, #tpu.memory_space<vmem>>, vector<1x16xf32>,
        %get3A_479 = arith.index_cast %scan3A_179 : i32 to index
        %get3A_480 = arith.constant 400 : index
        %get3A_481 = tpu.vector_load %arg6[%get3A_479, %get3A_480] {strides = array<i32>} : memref<40x512xf32, #tpu.memory_space<vmem>>, vector<1x16xf32>,
        %get3A_482 = vector.shape_cast %get3A_481 : vector<1x16xf32> to vector<16xf32>
        %mul3A_483 = arith.constant 22.6274166 : f32
        %mul3A_484 = vector.broadcast %mul3A_483 : f32 to vector<16xf32>
        %mul3A_485 = arith.mulf %get3A_482, %mul3A_484 : vector<16xf32>
        %swap3A_486 = arith.index_cast %scan3A_179 : i32 to index
        %swap3A_487 = arith.constant 400 : index
        %swap3A_488 = tpu.vector_load %arg6[%swap3A_486, %swap3A_487] {strides = array<i32>} : memref<40x512xf32, #tpu.memory_space<vmem>>, vector<1x16xf32>,
        %swap3A_489 = vector.shape_cast %swap3A_488 : vector<1x16xf32> to vector<16xf32>
        %swap3A_490 = vector.shape_cast %mul3A_485 : vector<16xf32> to vector<1x16xf32>
        tpu.vector_store %arg6[%swap3A_486, %swap3A_487], %swap3A_490 {strides = array<i32>} : memref<40x512xf32, #tpu.memory_space<vmem>>, vector<1x16xf32>,
        %get3A_491 = arith.index_cast %scan3A_179 : i32 to index
        %get3A_492 = arith.constant 416 : index
        %get3A_493 = tpu.vector_load %arg6[%get3A_491, %get3A_492] {strides = array<i32>} : memref<40x512xf32, #tpu.memory_space<vmem>>, vector<1x16xf32>,
        %get3A_494 = vector.shape_cast %get3A_493 : vector<1x16xf32> to vector<16xf32>
        %mul3A_495 = arith.constant 22.6274166 : f32
        %mul3A_496 = vector.broadcast %mul3A_495 : f32 to vector<16xf32>
        %mul3A_497 = arith.mulf %get3A_494, %mul3A_496 : vector<16xf32>
        %swap3A_498 = arith.index_cast %scan3A_179 : i32 to index
        %swap3A_499 = arith.constant 416 : index
        %swap3A_500 = tpu.vector_load %arg6[%swap3A_498, %swap3A_499] {strides = array<i32>} : memref<40x512xf32, #tpu.memory_space<vmem>>, vector<1x16xf32>,
        %swap3A_501 = vector.shape_cast %swap3A_500 : vector<1x16xf32> to vector<16xf32>
        %swap3A_502 = vector.shape_cast %mul3A_497 : vector<16xf32> to vector<1x16xf32>
        tpu.vector_store %arg6[%swap3A_498, %swap3A_499], %swap3A_502 {strides = array<i32>} : memref<40x512xf32, #tpu.memory_space<vmem>>, vector<1x16xf32>,
        %get3A_503 = arith.index_cast %scan3A_179 : i32 to index
        %get3A_504 = arith.constant 432 : index
        %get3A_505 = tpu.vector_load %arg6[%get3A_503, %get3A_504] {strides = array<i32>} : memref<40x512xf32, #tpu.memory_space<vmem>>, vector<1x16xf32>,
        %get3A_506 = vector.shape_cast %get3A_505 : vector<1x16xf32> to vector<16xf32>
        %mul3A_507 = arith.constant 22.6274166 : f32
        %mul3A_508 = vector.broadcast %mul3A_507 : f32 to vector<16xf32>
        %mul3A_509 = arith.mulf %get3A_506, %mul3A_508 : vector<16xf32>
        %swap3A_510 = arith.index_cast %scan3A_179 : i32 to index
        %swap3A_511 = arith.constant 432 : index
        %swap3A_512 = tpu.vector_load %arg6[%swap3A_510, %swap3A_511] {strides = array<i32>} : memref<40x512xf32, #tpu.memory_space<vmem>>, vector<1x16xf32>,
        %swap3A_513 = vector.shape_cast %swap3A_512 : vector<1x16xf32> to vector<16xf32>
        %swap3A_514 = vector.shape_cast %mul3A_509 : vector<16xf32> to vector<1x16xf32>
        tpu.vector_store %arg6[%swap3A_510, %swap3A_511], %swap3A_514 {strides = array<i32>} : memref<40x512xf32, #tpu.memory_space<vmem>>, vector<1x16xf32>,
        %get3A_515 = arith.index_cast %scan3A_179 : i32 to index
        %get3A_516 = arith.constant 448 : index
        %get3A_517 = tpu.vector_load %arg6[%get3A_515, %get3A_516] {strides = array<i32>} : memref<40x512xf32, #tpu.memory_space<vmem>>, vector<1x16xf32>,
        %get3A_518 = vector.shape_cast %get3A_517 : vector<1x16xf32> to vector<16xf32>
        %mul3A_519 = arith.constant 22.6274166 : f32
        %mul3A_520 = vector.broadcast %mul3A_519 : f32 to vector<16xf32>
        %mul3A_521 = arith.mulf %get3A_518, %mul3A_520 : vector<16xf32>
        %swap3A_522 = arith.index_cast %scan3A_179 : i32 to index
        %swap3A_523 = arith.constant 448 : index
        %swap3A_524 = tpu.vector_load %arg6[%swap3A_522, %swap3A_523] {strides = array<i32>} : memref<40x512xf32, #tpu.memory_space<vmem>>, vector<1x16xf32>,
        %swap3A_525 = vector.shape_cast %swap3A_524 : vector<1x16xf32> to vector<16xf32>
        %swap3A_526 = vector.shape_cast %mul3A_521 : vector<16xf32> to vector<1x16xf32>
        tpu.vector_store %arg6[%swap3A_522, %swap3A_523], %swap3A_526 {strides = array<i32>} : memref<40x512xf32, #tpu.memory_space<vmem>>, vector<1x16xf32>,
        %get3A_527 = arith.index_cast %scan3A_179 : i32 to index
        %get3A_528 = arith.constant 464 : index
        %get3A_529 = tpu.vector_load %arg6[%get3A_527, %get3A_528] {strides = array<i32>} : memref<40x512xf32, #tpu.memory_space<vmem>>, vector<1x16xf32>,
        %get3A_530 = vector.shape_cast %get3A_529 : vector<1x16xf32> to vector<16xf32>
        %mul3A_531 = arith.constant 22.6274166 : f32
        %mul3A_532 = vector.broadcast %mul3A_531 : f32 to vector<16xf32>
        %mul3A_533 = arith.mulf %get3A_530, %mul3A_532 : vector<16xf32>
        %swap3A_534 = arith.index_cast %scan3A_179 : i32 to index
        %swap3A_535 = arith.constant 464 : index
        %swap3A_536 = tpu.vector_load %arg6[%swap3A_534, %swap3A_535] {strides = array<i32>} : memref<40x512xf32, #tpu.memory_space<vmem>>, vector<1x16xf32>,
        %swap3A_537 = vector.shape_cast %swap3A_536 : vector<1x16xf32> to vector<16xf32>
        %swap3A_538 = vector.shape_cast %mul3A_533 : vector<16xf32> to vector<1x16xf32>
        tpu.vector_store %arg6[%swap3A_534, %swap3A_535], %swap3A_538 {strides = array<i32>} : memref<40x512xf32, #tpu.memory_space<vmem>>, vector<1x16xf32>,
        %get3A_539 = arith.index_cast %scan3A_179 : i32 to index
        %get3A_540 = arith.constant 480 : index
        %get3A_541 = tpu.vector_load %arg6[%get3A_539, %get3A_540] {strides = array<i32>} : memref<40x512xf32, #tpu.memory_space<vmem>>, vector<1x16xf32>,
        %get3A_542 = vector.shape_cast %get3A_541 : vector<1x16xf32> to vector<16xf32>
        %mul3A_543 = arith.constant 22.6274166 : f32
        %mul3A_544 = vector.broadcast %mul3A_543 : f32 to vector<16xf32>
        %mul3A_545 = arith.mulf %get3A_542, %mul3A_544 : vector<16xf32>
        %swap3A_546 = arith.index_cast %scan3A_179 : i32 to index
        %swap3A_547 = arith.constant 480 : index
        %swap3A_548 = tpu.vector_load %arg6[%swap3A_546, %swap3A_547] {strides = array<i32>} : memref<40x512xf32, #tpu.memory_space<vmem>>, vector<1x16xf32>,
        %swap3A_549 = vector.shape_cast %swap3A_548 : vector<1x16xf32> to vector<16xf32>
        %swap3A_550 = vector.shape_cast %mul3A_545 : vector<16xf32> to vector<1x16xf32>
        tpu.vector_store %arg6[%swap3A_546, %swap3A_547], %swap3A_550 {strides = array<i32>} : memref<40x512xf32, #tpu.memory_space<vmem>>, vector<1x16xf32>,
        %get3A_551 = arith.index_cast %scan3A_179 : i32 to index
        %get3A_552 = arith.constant 496 : index
        %get3A_553 = tpu.vector_load %arg6[%get3A_551, %get3A_552] {strides = array<i32>} : memref<40x512xf32, #tpu.memory_space<vmem>>, vector<1x16xf32>,
        %get3A_554 = vector.shape_cast %get3A_553 : vector<1x16xf32> to vector<16xf32>
        %mul3A_555 = arith.constant 22.6274166 : f32
        %mul3A_556 = vector.broadcast %mul3A_555 : f32 to vector<16xf32>
        %mul3A_557 = arith.mulf %get3A_554, %mul3A_556 : vector<16xf32>
        %swap3A_558 = arith.index_cast %scan3A_179 : i32 to index
        %swap3A_559 = arith.constant 496 : index
        %swap3A_560 = tpu.vector_load %arg6[%swap3A_558, %swap3A_559] {strides = array<i32>} : memref<40x512xf32, #tpu.memory_space<vmem>>, vector<1x16xf32>,
        %swap3A_561 = vector.shape_cast %swap3A_560 : vector<1x16xf32> to vector<16xf32>
        %swap3A_562 = vector.shape_cast %mul3A_557 : vector<16xf32> to vector<1x16xf32>
        tpu.vector_store %arg6[%swap3A_558, %swap3A_559], %swap3A_562 {strides = array<i32>} : memref<40x512xf32, #tpu.memory_space<vmem>>, vector<1x16xf32>,
        %scan3A_563 = arith.constant 0 : i32
        scf.yield %scan3A_563 : i32
      }
      %scan3A_46 = arith.constant 40 : i32
      %gt3A = arith.constant 0 : i32
      %gt3A_47 = arith.cmpi sgt, %scan3A_28, %gt3A : i32
      %convert_element_type3A = arith.extui %gt3A_47 : i1 to i32
      %cond3A = arith.constant 0 : i32
      %cond3A_48 = arith.cmpi ne, %convert_element_type3A, %cond3A : i32
      scf.if %cond3A_48 {
        %sub3A_179 = arith.constant 1 : i32
        %sub3A_180 = arith.subi %add3A_33, %sub3A_179 : i32
        %mul3A_181 = arith.constant 40 : i32
        %mul3A_182 = arith.muli %sub3A_180, %mul3A_181 : i32
        %add3A_183 = arith.addi %mul3A_2, %mul3A_182 : i32
        %dma_wait3A_184 = arith.constant 0 : i32
        %dma_wait3A_185 = tpu.memref_slice %arg4[%add3A_183, %dma_wait3A_184] : memref<204800x512xf32, #tpu.memory_space<hbm>> -> memref<40x512xf32, #tpu.memory_space<hbm>>
        %dma_wait3A_186 = arith.constant 0 : i32
        %dma_wait3A_187 = tpu.memref_slice %arg4[%add3A_183, %dma_wait3A_186] : memref<204800x512xf32, #tpu.memory_space<hbm>> -> memref<40x512xf32, #tpu.memory_space<hbm>>
        tpu.wait_dma2 semaphore(%arg14 : memref<!tpu.dma_semaphore, #tpu.memory_space<semaphore_mem>>) src(%arg9 : memref<40x512xf32, #tpu.memory_space<vmem>>) dst(%dma_wait3A_187 : memref<40x512xf32, #tpu.memory_space<hbm>>)
      } else {
      }
      %mul3A_49 = arith.constant 40 : i32
      %mul3A_50 = arith.muli %add3A_33, %mul3A_49 : i32
      %add3A_51 = arith.addi %mul3A_2, %mul3A_50 : i32
      %dma_start3A_52 = arith.constant 0 : i32
      %dma_start3A_53 = tpu.memref_slice %arg4[%add3A_51, %dma_start3A_52] : memref<204800x512xf32, #tpu.memory_space<hbm>> -> memref<40x512xf32, #tpu.memory_space<hbm>>
      %dma_start3A_54 = arith.constant 0 : i32
      %dma_start3A_55 = tpu.memref_slice %arg4[%add3A_51, %dma_start3A_54] : memref<204800x512xf32, #tpu.memory_space<hbm>> -> memref<40x512xf32, #tpu.memory_space<hbm>>
      tpu.enqueue_dma source(%arg6 : memref<40x512xf32, #tpu.memory_space<vmem>>) target(%dma_start3A_55 : memref<40x512xf32, #tpu.memory_space<hbm>>) target_semaphore(%arg14 : memref<!tpu.dma_semaphore, #tpu.memory_space<semaphore_mem>>)
      %add3A_56 = arith.constant 4 : i32
      %add3A_57 = arith.addi %add3A_33, %add3A_56 : i32
      %sub3A = arith.constant 1 : i32
      %sub3A_58 = arith.subi %add3A_57, %sub3A : i32
      %mul3A_59 = arith.constant 40 : i32
      %mul3A_60 = arith.muli %sub3A_58, %mul3A_59 : i32
      %dma_start3A_61 = tpu.memref_slice %arg5[%mul3A_60] : memref<6400xi32, #tpu.memory_space<vmem>> -> memref<40xi32, #tpu.memory_space<vmem>>
      %dma_start3A_62 = arith.constant 0 : i32
      %dma_start3A_63 = arith.constant 0 : i32
      %dma_start3A_64 = tpu.memref_slice %arg3[%dma_start3A_62, %dma_start3A_63] : memref<100000x512xf32, #tpu.memory_space<hbm>> -> memref<100000x512xf32, #tpu.memory_space<hbm>>
      tpu.enqueue_indirect_dma source(%dma_start3A_64 : memref<100000x512xf32, #tpu.memory_space<hbm>>) target(%arg9 : memref<40x512xf32, #tpu.memory_space<vmem>>) offsets(%dma_start3A_61 : memref<40xi32, #tpu.memory_space<vmem>>) semaphore(%arg13 : memref<!tpu.dma_semaphore, #tpu.memory_space<semaphore_mem>>)
      %mul3A_65 = arith.constant 4 : i32
      %mul3A_66 = arith.muli %scan3A_28, %mul3A_65 : i32
      %add3A_67 = arith.constant 1 : i32
      %add3A_68 = arith.addi %mul3A_66, %add3A_67 : i32
      %mul3A_69 = arith.constant 40 : i32
      %mul3A_70 = arith.muli %add3A_68, %mul3A_69 : i32
      %dma_wait3A_71 = tpu.memref_slice %arg5[%mul3A_70] : memref<6400xi32, #tpu.memory_space<vmem>> -> memref<40xi32, #tpu.memory_space<vmem>>
      %dma_wait3A_72 = arith.constant 0 : i32
      %dma_wait3A_73 = arith.constant 0 : i32
      %dma_wait3A_74 = tpu.memref_slice %arg3[%dma_wait3A_72, %dma_wait3A_73] : memref<100000x512xf32, #tpu.memory_space<hbm>> -> memref<100000x512xf32, #tpu.memory_space<hbm>>
      tpu.wait_indirect_dma semaphore(%arg11 : memref<!tpu.dma_semaphore, #tpu.memory_space<semaphore_mem>>) src(%dma_wait3A_74 : memref<100000x512xf32, #tpu.memory_space<hbm>>) dst(%arg7 : memref<40x512xf32, #tpu.memory_space<vmem>>)
      %scan3A_75 = arith.constant 0 : i32
      %scan3A_76 = arith.constant 0 : i32
      %scan3A_77 = arith.constant 40 : i32
      %scan3A_78 = arith.addi %scan3A_76, %scan3A_77 : i32
      %scan3A_79 = arith.constant 1 : i32
      %scan3A_80 = scf.for %scan3A_179 = %scan3A_76 to %scan3A_78 step %scan3A_79 iter_args(%scan3A_180 = %scan3A_75) -> (i32)  : i32 {
        %get3A = arith.index_cast %scan3A_179 : i32 to index
        %get3A_181 = arith.constant 0 : index
        %get3A_182 = tpu.vector_load %arg7[%get3A, %get3A_181] {strides = array<i32>} : memref<40x512xf32, #tpu.memory_space<vmem>>, vector<1x16xf32>,
        %get3A_183 = vector.shape_cast %get3A_182 : vector<1x16xf32> to vector<16xf32>
        %mul3A_184 = arith.constant 22.6274166 : f32
        %mul3A_185 = vector.broadcast %mul3A_184 : f32 to vector<16xf32>
        %mul3A_186 = arith.mulf %get3A_183, %mul3A_185 : vector<16xf32>
        %swap3A = arith.index_cast %scan3A_179 : i32 to index
        %swap3A_187 = arith.constant 0 : index
        %swap3A_188 = tpu.vector_load %arg7[%swap3A, %swap3A_187] {strides = array<i32>} : memref<40x512xf32, #tpu.memory_space<vmem>>, vector<1x16xf32>,
        %swap3A_189 = vector.shape_cast %swap3A_188 : vector<1x16xf32> to vector<16xf32>
        %swap3A_190 = vector.shape_cast %mul3A_186 : vector<16xf32> to vector<1x16xf32>
        tpu.vector_store %arg7[%swap3A, %swap3A_187], %swap3A_190 {strides = array<i32>} : memref<40x512xf32, #tpu.memory_space<vmem>>, vector<1x16xf32>,
        %get3A_191 = arith.index_cast %scan3A_179 : i32 to index
        %get3A_192 = arith.constant 16 : index
        %get3A_193 = tpu.vector_load %arg7[%get3A_191, %get3A_192] {strides = array<i32>} : memref<40x512xf32, #tpu.memory_space<vmem>>, vector<1x16xf32>,
        %get3A_194 = vector.shape_cast %get3A_193 : vector<1x16xf32> to vector<16xf32>
        %mul3A_195 = arith.constant 22.6274166 : f32
        %mul3A_196 = vector.broadcast %mul3A_195 : f32 to vector<16xf32>
        %mul3A_197 = arith.mulf %get3A_194, %mul3A_196 : vector<16xf32>
        %swap3A_198 = arith.index_cast %scan3A_179 : i32 to index
        %swap3A_199 = arith.constant 16 : index
        %swap3A_200 = tpu.vector_load %arg7[%swap3A_198, %swap3A_199] {strides = array<i32>} : memref<40x512xf32, #tpu.memory_space<vmem>>, vector<1x16xf32>,
        %swap3A_201 = vector.shape_cast %swap3A_200 : vector<1x16xf32> to vector<16xf32>
        %swap3A_202 = vector.shape_cast %mul3A_197 : vector<16xf32> to vector<1x16xf32>
        tpu.vector_store %arg7[%swap3A_198, %swap3A_199], %swap3A_202 {strides = array<i32>} : memref<40x512xf32, #tpu.memory_space<vmem>>, vector<1x16xf32>,
        %get3A_203 = arith.index_cast %scan3A_179 : i32 to index
        %get3A_204 = arith.constant 32 : index
        %get3A_205 = tpu.vector_load %arg7[%get3A_203, %get3A_204] {strides = array<i32>} : memref<40x512xf32, #tpu.memory_space<vmem>>, vector<1x16xf32>,
        %get3A_206 = vector.shape_cast %get3A_205 : vector<1x16xf32> to vector<16xf32>
        %mul3A_207 = arith.constant 22.6274166 : f32
        %mul3A_208 = vector.broadcast %mul3A_207 : f32 to vector<16xf32>
        %mul3A_209 = arith.mulf %get3A_206, %mul3A_208 : vector<16xf32>
        %swap3A_210 = arith.index_cast %scan3A_179 : i32 to index
        %swap3A_211 = arith.constant 32 : index
        %swap3A_212 = tpu.vector_load %arg7[%swap3A_210, %swap3A_211] {strides = array<i32>} : memref<40x512xf32, #tpu.memory_space<vmem>>, vector<1x16xf32>,
        %swap3A_213 = vector.shape_cast %swap3A_212 : vector<1x16xf32> to vector<16xf32>
        %swap3A_214 = vector.shape_cast %mul3A_209 : vector<16xf32> to vector<1x16xf32>
        tpu.vector_store %arg7[%swap3A_210, %swap3A_211], %swap3A_214 {strides = array<i32>} : memref<40x512xf32, #tpu.memory_space<vmem>>, vector<1x16xf32>,
        %get3A_215 = arith.index_cast %scan3A_179 : i32 to index
        %get3A_216 = arith.constant 48 : index
        %get3A_217 = tpu.vector_load %arg7[%get3A_215, %get3A_216] {strides = array<i32>} : memref<40x512xf32, #tpu.memory_space<vmem>>, vector<1x16xf32>,
        %get3A_218 = vector.shape_cast %get3A_217 : vector<1x16xf32> to vector<16xf32>
        %mul3A_219 = arith.constant 22.6274166 : f32
        %mul3A_220 = vector.broadcast %mul3A_219 : f32 to vector<16xf32>
        %mul3A_221 = arith.mulf %get3A_218, %mul3A_220 : vector<16xf32>
        %swap3A_222 = arith.index_cast %scan3A_179 : i32 to index
        %swap3A_223 = arith.constant 48 : index
        %swap3A_224 = tpu.vector_load %arg7[%swap3A_222, %swap3A_223] {strides = array<i32>} : memref<40x512xf32, #tpu.memory_space<vmem>>, vector<1x16xf32>,
        %swap3A_225 = vector.shape_cast %swap3A_224 : vector<1x16xf32> to vector<16xf32>
        %swap3A_226 = vector.shape_cast %mul3A_221 : vector<16xf32> to vector<1x16xf32>
        tpu.vector_store %arg7[%swap3A_222, %swap3A_223], %swap3A_226 {strides = array<i32>} : memref<40x512xf32, #tpu.memory_space<vmem>>, vector<1x16xf32>,
        %get3A_227 = arith.index_cast %scan3A_179 : i32 to index
        %get3A_228 = arith.constant 64 : index
        %get3A_229 = tpu.vector_load %arg7[%get3A_227, %get3A_228] {strides = array<i32>} : memref<40x512xf32, #tpu.memory_space<vmem>>, vector<1x16xf32>,
        %get3A_230 = vector.shape_cast %get3A_229 : vector<1x16xf32> to vector<16xf32>
        %mul3A_231 = arith.constant 22.6274166 : f32
        %mul3A_232 = vector.broadcast %mul3A_231 : f32 to vector<16xf32>
        %mul3A_233 = arith.mulf %get3A_230, %mul3A_232 : vector<16xf32>
        %swap3A_234 = arith.index_cast %scan3A_179 : i32 to index
        %swap3A_235 = arith.constant 64 : index
        %swap3A_236 = tpu.vector_load %arg7[%swap3A_234, %swap3A_235] {strides = array<i32>} : memref<40x512xf32, #tpu.memory_space<vmem>>, vector<1x16xf32>,
        %swap3A_237 = vector.shape_cast %swap3A_236 : vector<1x16xf32> to vector<16xf32>
        %swap3A_238 = vector.shape_cast %mul3A_233 : vector<16xf32> to vector<1x16xf32>
        tpu.vector_store %arg7[%swap3A_234, %swap3A_235], %swap3A_238 {strides = array<i32>} : memref<40x512xf32, #tpu.memory_space<vmem>>, vector<1x16xf32>,
        %get3A_239 = arith.index_cast %scan3A_179 : i32 to index
        %get3A_240 = arith.constant 80 : index
        %get3A_241 = tpu.vector_load %arg7[%get3A_239, %get3A_240] {strides = array<i32>} : memref<40x512xf32, #tpu.memory_space<vmem>>, vector<1x16xf32>,
        %get3A_242 = vector.shape_cast %get3A_241 : vector<1x16xf32> to vector<16xf32>
        %mul3A_243 = arith.constant 22.6274166 : f32
        %mul3A_244 = vector.broadcast %mul3A_243 : f32 to vector<16xf32>
        %mul3A_245 = arith.mulf %get3A_242, %mul3A_244 : vector<16xf32>
        %swap3A_246 = arith.index_cast %scan3A_179 : i32 to index
        %swap3A_247 = arith.constant 80 : index
        %swap3A_248 = tpu.vector_load %arg7[%swap3A_246, %swap3A_247] {strides = array<i32>} : memref<40x512xf32, #tpu.memory_space<vmem>>, vector<1x16xf32>,
        %swap3A_249 = vector.shape_cast %swap3A_248 : vector<1x16xf32> to vector<16xf32>
        %swap3A_250 = vector.shape_cast %mul3A_245 : vector<16xf32> to vector<1x16xf32>
        tpu.vector_store %arg7[%swap3A_246, %swap3A_247], %swap3A_250 {strides = array<i32>} : memref<40x512xf32, #tpu.memory_space<vmem>>, vector<1x16xf32>,
        %get3A_251 = arith.index_cast %scan3A_179 : i32 to index
        %get3A_252 = arith.constant 96 : index
        %get3A_253 = tpu.vector_load %arg7[%get3A_251, %get3A_252] {strides = array<i32>} : memref<40x512xf32, #tpu.memory_space<vmem>>, vector<1x16xf32>,
        %get3A_254 = vector.shape_cast %get3A_253 : vector<1x16xf32> to vector<16xf32>
        %mul3A_255 = arith.constant 22.6274166 : f32
        %mul3A_256 = vector.broadcast %mul3A_255 : f32 to vector<16xf32>
        %mul3A_257 = arith.mulf %get3A_254, %mul3A_256 : vector<16xf32>
        %swap3A_258 = arith.index_cast %scan3A_179 : i32 to index
        %swap3A_259 = arith.constant 96 : index
        %swap3A_260 = tpu.vector_load %arg7[%swap3A_258, %swap3A_259] {strides = array<i32>} : memref<40x512xf32, #tpu.memory_space<vmem>>, vector<1x16xf32>,
        %swap3A_261 = vector.shape_cast %swap3A_260 : vector<1x16xf32> to vector<16xf32>
        %swap3A_262 = vector.shape_cast %mul3A_257 : vector<16xf32> to vector<1x16xf32>
        tpu.vector_store %arg7[%swap3A_258, %swap3A_259], %swap3A_262 {strides = array<i32>} : memref<40x512xf32, #tpu.memory_space<vmem>>, vector<1x16xf32>,
        %get3A_263 = arith.index_cast %scan3A_179 : i32 to index
        %get3A_264 = arith.constant 112 : index
        %get3A_265 = tpu.vector_load %arg7[%get3A_263, %get3A_264] {strides = array<i32>} : memref<40x512xf32, #tpu.memory_space<vmem>>, vector<1x16xf32>,
        %get3A_266 = vector.shape_cast %get3A_265 : vector<1x16xf32> to vector<16xf32>
        %mul3A_267 = arith.constant 22.6274166 : f32
        %mul3A_268 = vector.broadcast %mul3A_267 : f32 to vector<16xf32>
        %mul3A_269 = arith.mulf %get3A_266, %mul3A_268 : vector<16xf32>
        %swap3A_270 = arith.index_cast %scan3A_179 : i32 to index
        %swap3A_271 = arith.constant 112 : index
        %swap3A_272 = tpu.vector_load %arg7[%swap3A_270, %swap3A_271] {strides = array<i32>} : memref<40x512xf32, #tpu.memory_space<vmem>>, vector<1x16xf32>,
        %swap3A_273 = vector.shape_cast %swap3A_272 : vector<1x16xf32> to vector<16xf32>
        %swap3A_274 = vector.shape_cast %mul3A_269 : vector<16xf32> to vector<1x16xf32>
        tpu.vector_store %arg7[%swap3A_270, %swap3A_271], %swap3A_274 {strides = array<i32>} : memref<40x512xf32, #tpu.memory_space<vmem>>, vector<1x16xf32>,
        %get3A_275 = arith.index_cast %scan3A_179 : i32 to index
        %get3A_276 = arith.constant 128 : index
        %get3A_277 = tpu.vector_load %arg7[%get3A_275, %get3A_276] {strides = array<i32>} : memref<40x512xf32, #tpu.memory_space<vmem>>, vector<1x16xf32>,
        %get3A_278 = vector.shape_cast %get3A_277 : vector<1x16xf32> to vector<16xf32>
        %mul3A_279 = arith.constant 22.6274166 : f32
        %mul3A_280 = vector.broadcast %mul3A_279 : f32 to vector<16xf32>
        %mul3A_281 = arith.mulf %get3A_278, %mul3A_280 : vector<16xf32>
        %swap3A_282 = arith.index_cast %scan3A_179 : i32 to index
        %swap3A_283 = arith.constant 128 : index
        %swap3A_284 = tpu.vector_load %arg7[%swap3A_282, %swap3A_283] {strides = array<i32>} : memref<40x512xf32, #tpu.memory_space<vmem>>, vector<1x16xf32>,
        %swap3A_285 = vector.shape_cast %swap3A_284 : vector<1x16xf32> to vector<16xf32>
        %swap3A_286 = vector.shape_cast %mul3A_281 : vector<16xf32> to vector<1x16xf32>
        tpu.vector_store %arg7[%swap3A_282, %swap3A_283], %swap3A_286 {strides = array<i32>} : memref<40x512xf32, #tpu.memory_space<vmem>>, vector<1x16xf32>,
        %get3A_287 = arith.index_cast %scan3A_179 : i32 to index
        %get3A_288 = arith.constant 144 : index
        %get3A_289 = tpu.vector_load %arg7[%get3A_287, %get3A_288] {strides = array<i32>} : memref<40x512xf32, #tpu.memory_space<vmem>>, vector<1x16xf32>,
        %get3A_290 = vector.shape_cast %get3A_289 : vector<1x16xf32> to vector<16xf32>
        %mul3A_291 = arith.constant 22.6274166 : f32
        %mul3A_292 = vector.broadcast %mul3A_291 : f32 to vector<16xf32>
        %mul3A_293 = arith.mulf %get3A_290, %mul3A_292 : vector<16xf32>
        %swap3A_294 = arith.index_cast %scan3A_179 : i32 to index
        %swap3A_295 = arith.constant 144 : index
        %swap3A_296 = tpu.vector_load %arg7[%swap3A_294, %swap3A_295] {strides = array<i32>} : memref<40x512xf32, #tpu.memory_space<vmem>>, vector<1x16xf32>,
        %swap3A_297 = vector.shape_cast %swap3A_296 : vector<1x16xf32> to vector<16xf32>
        %swap3A_298 = vector.shape_cast %mul3A_293 : vector<16xf32> to vector<1x16xf32>
        tpu.vector_store %arg7[%swap3A_294, %swap3A_295], %swap3A_298 {strides = array<i32>} : memref<40x512xf32, #tpu.memory_space<vmem>>, vector<1x16xf32>,
        %get3A_299 = arith.index_cast %scan3A_179 : i32 to index
        %get3A_300 = arith.constant 160 : index
        %get3A_301 = tpu.vector_load %arg7[%get3A_299, %get3A_300] {strides = array<i32>} : memref<40x512xf32, #tpu.memory_space<vmem>>, vector<1x16xf32>,
        %get3A_302 = vector.shape_cast %get3A_301 : vector<1x16xf32> to vector<16xf32>
        %mul3A_303 = arith.constant 22.6274166 : f32
        %mul3A_304 = vector.broadcast %mul3A_303 : f32 to vector<16xf32>
        %mul3A_305 = arith.mulf %get3A_302, %mul3A_304 : vector<16xf32>
        %swap3A_306 = arith.index_cast %scan3A_179 : i32 to index
        %swap3A_307 = arith.constant 160 : index
        %swap3A_308 = tpu.vector_load %arg7[%swap3A_306, %swap3A_307] {strides = array<i32>} : memref<40x512xf32, #tpu.memory_space<vmem>>, vector<1x16xf32>,
        %swap3A_309 = vector.shape_cast %swap3A_308 : vector<1x16xf32> to vector<16xf32>
        %swap3A_310 = vector.shape_cast %mul3A_305 : vector<16xf32> to vector<1x16xf32>
        tpu.vector_store %arg7[%swap3A_306, %swap3A_307], %swap3A_310 {strides = array<i32>} : memref<40x512xf32, #tpu.memory_space<vmem>>, vector<1x16xf32>,
        %get3A_311 = arith.index_cast %scan3A_179 : i32 to index
        %get3A_312 = arith.constant 176 : index
        %get3A_313 = tpu.vector_load %arg7[%get3A_311, %get3A_312] {strides = array<i32>} : memref<40x512xf32, #tpu.memory_space<vmem>>, vector<1x16xf32>,
        %get3A_314 = vector.shape_cast %get3A_313 : vector<1x16xf32> to vector<16xf32>
        %mul3A_315 = arith.constant 22.6274166 : f32
        %mul3A_316 = vector.broadcast %mul3A_315 : f32 to vector<16xf32>
        %mul3A_317 = arith.mulf %get3A_314, %mul3A_316 : vector<16xf32>
        %swap3A_318 = arith.index_cast %scan3A_179 : i32 to index
        %swap3A_319 = arith.constant 176 : index
        %swap3A_320 = tpu.vector_load %arg7[%swap3A_318, %swap3A_319] {strides = array<i32>} : memref<40x512xf32, #tpu.memory_space<vmem>>, vector<1x16xf32>,
        %swap3A_321 = vector.shape_cast %swap3A_320 : vector<1x16xf32> to vector<16xf32>
        %swap3A_322 = vector.shape_cast %mul3A_317 : vector<16xf32> to vector<1x16xf32>
        tpu.vector_store %arg7[%swap3A_318, %swap3A_319], %swap3A_322 {strides = array<i32>} : memref<40x512xf32, #tpu.memory_space<vmem>>, vector<1x16xf32>,
        %get3A_323 = arith.index_cast %scan3A_179 : i32 to index
        %get3A_324 = arith.constant 192 : index
        %get3A_325 = tpu.vector_load %arg7[%get3A_323, %get3A_324] {strides = array<i32>} : memref<40x512xf32, #tpu.memory_space<vmem>>, vector<1x16xf32>,
        %get3A_326 = vector.shape_cast %get3A_325 : vector<1x16xf32> to vector<16xf32>
        %mul3A_327 = arith.constant 22.6274166 : f32
        %mul3A_328 = vector.broadcast %mul3A_327 : f32 to vector<16xf32>
        %mul3A_329 = arith.mulf %get3A_326, %mul3A_328 : vector<16xf32>
        %swap3A_330 = arith.index_cast %scan3A_179 : i32 to index
        %swap3A_331 = arith.constant 192 : index
        %swap3A_332 = tpu.vector_load %arg7[%swap3A_330, %swap3A_331] {strides = array<i32>} : memref<40x512xf32, #tpu.memory_space<vmem>>, vector<1x16xf32>,
        %swap3A_333 = vector.shape_cast %swap3A_332 : vector<1x16xf32> to vector<16xf32>
        %swap3A_334 = vector.shape_cast %mul3A_329 : vector<16xf32> to vector<1x16xf32>
        tpu.vector_store %arg7[%swap3A_330, %swap3A_331], %swap3A_334 {strides = array<i32>} : memref<40x512xf32, #tpu.memory_space<vmem>>, vector<1x16xf32>,
        %get3A_335 = arith.index_cast %scan3A_179 : i32 to index
        %get3A_336 = arith.constant 208 : index
        %get3A_337 = tpu.vector_load %arg7[%get3A_335, %get3A_336] {strides = array<i32>} : memref<40x512xf32, #tpu.memory_space<vmem>>, vector<1x16xf32>,
        %get3A_338 = vector.shape_cast %get3A_337 : vector<1x16xf32> to vector<16xf32>
        %mul3A_339 = arith.constant 22.6274166 : f32
        %mul3A_340 = vector.broadcast %mul3A_339 : f32 to vector<16xf32>
        %mul3A_341 = arith.mulf %get3A_338, %mul3A_340 : vector<16xf32>
        %swap3A_342 = arith.index_cast %scan3A_179 : i32 to index
        %swap3A_343 = arith.constant 208 : index
        %swap3A_344 = tpu.vector_load %arg7[%swap3A_342, %swap3A_343] {strides = array<i32>} : memref<40x512xf32, #tpu.memory_space<vmem>>, vector<1x16xf32>,
        %swap3A_345 = vector.shape_cast %swap3A_344 : vector<1x16xf32> to vector<16xf32>
        %swap3A_346 = vector.shape_cast %mul3A_341 : vector<16xf32> to vector<1x16xf32>
        tpu.vector_store %arg7[%swap3A_342, %swap3A_343], %swap3A_346 {strides = array<i32>} : memref<40x512xf32, #tpu.memory_space<vmem>>, vector<1x16xf32>,
        %get3A_347 = arith.index_cast %scan3A_179 : i32 to index
        %get3A_348 = arith.constant 224 : index
        %get3A_349 = tpu.vector_load %arg7[%get3A_347, %get3A_348] {strides = array<i32>} : memref<40x512xf32, #tpu.memory_space<vmem>>, vector<1x16xf32>,
        %get3A_350 = vector.shape_cast %get3A_349 : vector<1x16xf32> to vector<16xf32>
        %mul3A_351 = arith.constant 22.6274166 : f32
        %mul3A_352 = vector.broadcast %mul3A_351 : f32 to vector<16xf32>
        %mul3A_353 = arith.mulf %get3A_350, %mul3A_352 : vector<16xf32>
        %swap3A_354 = arith.index_cast %scan3A_179 : i32 to index
        %swap3A_355 = arith.constant 224 : index
        %swap3A_356 = tpu.vector_load %arg7[%swap3A_354, %swap3A_355] {strides = array<i32>} : memref<40x512xf32, #tpu.memory_space<vmem>>, vector<1x16xf32>,
        %swap3A_357 = vector.shape_cast %swap3A_356 : vector<1x16xf32> to vector<16xf32>
        %swap3A_358 = vector.shape_cast %mul3A_353 : vector<16xf32> to vector<1x16xf32>
        tpu.vector_store %arg7[%swap3A_354, %swap3A_355], %swap3A_358 {strides = array<i32>} : memref<40x512xf32, #tpu.memory_space<vmem>>, vector<1x16xf32>,
        %get3A_359 = arith.index_cast %scan3A_179 : i32 to index
        %get3A_360 = arith.constant 240 : index
        %get3A_361 = tpu.vector_load %arg7[%get3A_359, %get3A_360] {strides = array<i32>} : memref<40x512xf32, #tpu.memory_space<vmem>>, vector<1x16xf32>,
        %get3A_362 = vector.shape_cast %get3A_361 : vector<1x16xf32> to vector<16xf32>
        %mul3A_363 = arith.constant 22.6274166 : f32
        %mul3A_364 = vector.broadcast %mul3A_363 : f32 to vector<16xf32>
        %mul3A_365 = arith.mulf %get3A_362, %mul3A_364 : vector<16xf32>
        %swap3A_366 = arith.index_cast %scan3A_179 : i32 to index
        %swap3A_367 = arith.constant 240 : index
        %swap3A_368 = tpu.vector_load %arg7[%swap3A_366, %swap3A_367] {strides = array<i32>} : memref<40x512xf32, #tpu.memory_space<vmem>>, vector<1x16xf32>,
        %swap3A_369 = vector.shape_cast %swap3A_368 : vector<1x16xf32> to vector<16xf32>
        %swap3A_370 = vector.shape_cast %mul3A_365 : vector<16xf32> to vector<1x16xf32>
        tpu.vector_store %arg7[%swap3A_366, %swap3A_367], %swap3A_370 {strides = array<i32>} : memref<40x512xf32, #tpu.memory_space<vmem>>, vector<1x16xf32>,
        %get3A_371 = arith.index_cast %scan3A_179 : i32 to index
        %get3A_372 = arith.constant 256 : index
        %get3A_373 = tpu.vector_load %arg7[%get3A_371, %get3A_372] {strides = array<i32>} : memref<40x512xf32, #tpu.memory_space<vmem>>, vector<1x16xf32>,
        %get3A_374 = vector.shape_cast %get3A_373 : vector<1x16xf32> to vector<16xf32>
        %mul3A_375 = arith.constant 22.6274166 : f32
        %mul3A_376 = vector.broadcast %mul3A_375 : f32 to vector<16xf32>
        %mul3A_377 = arith.mulf %get3A_374, %mul3A_376 : vector<16xf32>
        %swap3A_378 = arith.index_cast %scan3A_179 : i32 to index
        %swap3A_379 = arith.constant 256 : index
        %swap3A_380 = tpu.vector_load %arg7[%swap3A_378, %swap3A_379] {strides = array<i32>} : memref<40x512xf32, #tpu.memory_space<vmem>>, vector<1x16xf32>,
        %swap3A_381 = vector.shape_cast %swap3A_380 : vector<1x16xf32> to vector<16xf32>
        %swap3A_382 = vector.shape_cast %mul3A_377 : vector<16xf32> to vector<1x16xf32>
        tpu.vector_store %arg7[%swap3A_378, %swap3A_379], %swap3A_382 {strides = array<i32>} : memref<40x512xf32, #tpu.memory_space<vmem>>, vector<1x16xf32>,
        %get3A_383 = arith.index_cast %scan3A_179 : i32 to index
        %get3A_384 = arith.constant 272 : index
        %get3A_385 = tpu.vector_load %arg7[%get3A_383, %get3A_384] {strides = array<i32>} : memref<40x512xf32, #tpu.memory_space<vmem>>, vector<1x16xf32>,
        %get3A_386 = vector.shape_cast %get3A_385 : vector<1x16xf32> to vector<16xf32>
        %mul3A_387 = arith.constant 22.6274166 : f32
        %mul3A_388 = vector.broadcast %mul3A_387 : f32 to vector<16xf32>
        %mul3A_389 = arith.mulf %get3A_386, %mul3A_388 : vector<16xf32>
        %swap3A_390 = arith.index_cast %scan3A_179 : i32 to index
        %swap3A_391 = arith.constant 272 : index
        %swap3A_392 = tpu.vector_load %arg7[%swap3A_390, %swap3A_391] {strides = array<i32>} : memref<40x512xf32, #tpu.memory_space<vmem>>, vector<1x16xf32>,
        %swap3A_393 = vector.shape_cast %swap3A_392 : vector<1x16xf32> to vector<16xf32>
        %swap3A_394 = vector.shape_cast %mul3A_389 : vector<16xf32> to vector<1x16xf32>
        tpu.vector_store %arg7[%swap3A_390, %swap3A_391], %swap3A_394 {strides = array<i32>} : memref<40x512xf32, #tpu.memory_space<vmem>>, vector<1x16xf32>,
        %get3A_395 = arith.index_cast %scan3A_179 : i32 to index
        %get3A_396 = arith.constant 288 : index
        %get3A_397 = tpu.vector_load %arg7[%get3A_395, %get3A_396] {strides = array<i32>} : memref<40x512xf32, #tpu.memory_space<vmem>>, vector<1x16xf32>,
        %get3A_398 = vector.shape_cast %get3A_397 : vector<1x16xf32> to vector<16xf32>
        %mul3A_399 = arith.constant 22.6274166 : f32
        %mul3A_400 = vector.broadcast %mul3A_399 : f32 to vector<16xf32>
        %mul3A_401 = arith.mulf %get3A_398, %mul3A_400 : vector<16xf32>
        %swap3A_402 = arith.index_cast %scan3A_179 : i32 to index
        %swap3A_403 = arith.constant 288 : index
        %swap3A_404 = tpu.vector_load %arg7[%swap3A_402, %swap3A_403] {strides = array<i32>} : memref<40x512xf32, #tpu.memory_space<vmem>>, vector<1x16xf32>,
        %swap3A_405 = vector.shape_cast %swap3A_404 : vector<1x16xf32> to vector<16xf32>
        %swap3A_406 = vector.shape_cast %mul3A_401 : vector<16xf32> to vector<1x16xf32>
        tpu.vector_store %arg7[%swap3A_402, %swap3A_403], %swap3A_406 {strides = array<i32>} : memref<40x512xf32, #tpu.memory_space<vmem>>, vector<1x16xf32>,
        %get3A_407 = arith.index_cast %scan3A_179 : i32 to index
        %get3A_408 = arith.constant 304 : index
        %get3A_409 = tpu.vector_load %arg7[%get3A_407, %get3A_408] {strides = array<i32>} : memref<40x512xf32, #tpu.memory_space<vmem>>, vector<1x16xf32>,
        %get3A_410 = vector.shape_cast %get3A_409 : vector<1x16xf32> to vector<16xf32>
        %mul3A_411 = arith.constant 22.6274166 : f32
        %mul3A_412 = vector.broadcast %mul3A_411 : f32 to vector<16xf32>
        %mul3A_413 = arith.mulf %get3A_410, %mul3A_412 : vector<16xf32>
        %swap3A_414 = arith.index_cast %scan3A_179 : i32 to index
        %swap3A_415 = arith.constant 304 : index
        %swap3A_416 = tpu.vector_load %arg7[%swap3A_414, %swap3A_415] {strides = array<i32>} : memref<40x512xf32, #tpu.memory_space<vmem>>, vector<1x16xf32>,
        %swap3A_417 = vector.shape_cast %swap3A_416 : vector<1x16xf32> to vector<16xf32>
        %swap3A_418 = vector.shape_cast %mul3A_413 : vector<16xf32> to vector<1x16xf32>
        tpu.vector_store %arg7[%swap3A_414, %swap3A_415], %swap3A_418 {strides = array<i32>} : memref<40x512xf32, #tpu.memory_space<vmem>>, vector<1x16xf32>,
        %get3A_419 = arith.index_cast %scan3A_179 : i32 to index
        %get3A_420 = arith.constant 320 : index
        %get3A_421 = tpu.vector_load %arg7[%get3A_419, %get3A_420] {strides = array<i32>} : memref<40x512xf32, #tpu.memory_space<vmem>>, vector<1x16xf32>,
        %get3A_422 = vector.shape_cast %get3A_421 : vector<1x16xf32> to vector<16xf32>
        %mul3A_423 = arith.constant 22.6274166 : f32
        %mul3A_424 = vector.broadcast %mul3A_423 : f32 to vector<16xf32>
        %mul3A_425 = arith.mulf %get3A_422, %mul3A_424 : vector<16xf32>
        %swap3A_426 = arith.index_cast %scan3A_179 : i32 to index
        %swap3A_427 = arith.constant 320 : index
        %swap3A_428 = tpu.vector_load %arg7[%swap3A_426, %swap3A_427] {strides = array<i32>} : memref<40x512xf32, #tpu.memory_space<vmem>>, vector<1x16xf32>,
        %swap3A_429 = vector.shape_cast %swap3A_428 : vector<1x16xf32> to vector<16xf32>
        %swap3A_430 = vector.shape_cast %mul3A_425 : vector<16xf32> to vector<1x16xf32>
        tpu.vector_store %arg7[%swap3A_426, %swap3A_427], %swap3A_430 {strides = array<i32>} : memref<40x512xf32, #tpu.memory_space<vmem>>, vector<1x16xf32>,
        %get3A_431 = arith.index_cast %scan3A_179 : i32 to index
        %get3A_432 = arith.constant 336 : index
        %get3A_433 = tpu.vector_load %arg7[%get3A_431, %get3A_432] {strides = array<i32>} : memref<40x512xf32, #tpu.memory_space<vmem>>, vector<1x16xf32>,
        %get3A_434 = vector.shape_cast %get3A_433 : vector<1x16xf32> to vector<16xf32>
        %mul3A_435 = arith.constant 22.6274166 : f32
        %mul3A_436 = vector.broadcast %mul3A_435 : f32 to vector<16xf32>
        %mul3A_437 = arith.mulf %get3A_434, %mul3A_436 : vector<16xf32>
        %swap3A_438 = arith.index_cast %scan3A_179 : i32 to index
        %swap3A_439 = arith.constant 336 : index
        %swap3A_440 = tpu.vector_load %arg7[%swap3A_438, %swap3A_439] {strides = array<i32>} : memref<40x512xf32, #tpu.memory_space<vmem>>, vector<1x16xf32>,
        %swap3A_441 = vector.shape_cast %swap3A_440 : vector<1x16xf32> to vector<16xf32>
        %swap3A_442 = vector.shape_cast %mul3A_437 : vector<16xf32> to vector<1x16xf32>
        tpu.vector_store %arg7[%swap3A_438, %swap3A_439], %swap3A_442 {strides = array<i32>} : memref<40x512xf32, #tpu.memory_space<vmem>>, vector<1x16xf32>,
        %get3A_443 = arith.index_cast %scan3A_179 : i32 to index
        %get3A_444 = arith.constant 352 : index
        %get3A_445 = tpu.vector_load %arg7[%get3A_443, %get3A_444] {strides = array<i32>} : memref<40x512xf32, #tpu.memory_space<vmem>>, vector<1x16xf32>,
        %get3A_446 = vector.shape_cast %get3A_445 : vector<1x16xf32> to vector<16xf32>
        %mul3A_447 = arith.constant 22.6274166 : f32
        %mul3A_448 = vector.broadcast %mul3A_447 : f32 to vector<16xf32>
        %mul3A_449 = arith.mulf %get3A_446, %mul3A_448 : vector<16xf32>
        %swap3A_450 = arith.index_cast %scan3A_179 : i32 to index
        %swap3A_451 = arith.constant 352 : index
        %swap3A_452 = tpu.vector_load %arg7[%swap3A_450, %swap3A_451] {strides = array<i32>} : memref<40x512xf32, #tpu.memory_space<vmem>>, vector<1x16xf32>,
        %swap3A_453 = vector.shape_cast %swap3A_452 : vector<1x16xf32> to vector<16xf32>
        %swap3A_454 = vector.shape_cast %mul3A_449 : vector<16xf32> to vector<1x16xf32>
        tpu.vector_store %arg7[%swap3A_450, %swap3A_451], %swap3A_454 {strides = array<i32>} : memref<40x512xf32, #tpu.memory_space<vmem>>, vector<1x16xf32>,
        %get3A_455 = arith.index_cast %scan3A_179 : i32 to index
        %get3A_456 = arith.constant 368 : index
        %get3A_457 = tpu.vector_load %arg7[%get3A_455, %get3A_456] {strides = array<i32>} : memref<40x512xf32, #tpu.memory_space<vmem>>, vector<1x16xf32>,
        %get3A_458 = vector.shape_cast %get3A_457 : vector<1x16xf32> to vector<16xf32>
        %mul3A_459 = arith.constant 22.6274166 : f32
        %mul3A_460 = vector.broadcast %mul3A_459 : f32 to vector<16xf32>
        %mul3A_461 = arith.mulf %get3A_458, %mul3A_460 : vector<16xf32>
        %swap3A_462 = arith.index_cast %scan3A_179 : i32 to index
        %swap3A_463 = arith.constant 368 : index
        %swap3A_464 = tpu.vector_load %arg7[%swap3A_462, %swap3A_463] {strides = array<i32>} : memref<40x512xf32, #tpu.memory_space<vmem>>, vector<1x16xf32>,
        %swap3A_465 = vector.shape_cast %swap3A_464 : vector<1x16xf32> to vector<16xf32>
        %swap3A_466 = vector.shape_cast %mul3A_461 : vector<16xf32> to vector<1x16xf32>
        tpu.vector_store %arg7[%swap3A_462, %swap3A_463], %swap3A_466 {strides = array<i32>} : memref<40x512xf32, #tpu.memory_space<vmem>>, vector<1x16xf32>,
        %get3A_467 = arith.index_cast %scan3A_179 : i32 to index
        %get3A_468 = arith.constant 384 : index
        %get3A_469 = tpu.vector_load %arg7[%get3A_467, %get3A_468] {strides = array<i32>} : memref<40x512xf32, #tpu.memory_space<vmem>>, vector<1x16xf32>,
        %get3A_470 = vector.shape_cast %get3A_469 : vector<1x16xf32> to vector<16xf32>
        %mul3A_471 = arith.constant 22.6274166 : f32
        %mul3A_472 = vector.broadcast %mul3A_471 : f32 to vector<16xf32>
        %mul3A_473 = arith.mulf %get3A_470, %mul3A_472 : vector<16xf32>
        %swap3A_474 = arith.index_cast %scan3A_179 : i32 to index
        %swap3A_475 = arith.constant 384 : index
        %swap3A_476 = tpu.vector_load %arg7[%swap3A_474, %swap3A_475] {strides = array<i32>} : memref<40x512xf32, #tpu.memory_space<vmem>>, vector<1x16xf32>,
        %swap3A_477 = vector.shape_cast %swap3A_476 : vector<1x16xf32> to vector<16xf32>
        %swap3A_478 = vector.shape_cast %mul3A_473 : vector<16xf32> to vector<1x16xf32>
        tpu.vector_store %arg7[%swap3A_474, %swap3A_475], %swap3A_478 {strides = array<i32>} : memref<40x512xf32, #tpu.memory_space<vmem>>, vector<1x16xf32>,
        %get3A_479 = arith.index_cast %scan3A_179 : i32 to index
        %get3A_480 = arith.constant 400 : index
        %get3A_481 = tpu.vector_load %arg7[%get3A_479, %get3A_480] {strides = array<i32>} : memref<40x512xf32, #tpu.memory_space<vmem>>, vector<1x16xf32>,
        %get3A_482 = vector.shape_cast %get3A_481 : vector<1x16xf32> to vector<16xf32>
        %mul3A_483 = arith.constant 22.6274166 : f32
        %mul3A_484 = vector.broadcast %mul3A_483 : f32 to vector<16xf32>
        %mul3A_485 = arith.mulf %get3A_482, %mul3A_484 : vector<16xf32>
        %swap3A_486 = arith.index_cast %scan3A_179 : i32 to index
        %swap3A_487 = arith.constant 400 : index
        %swap3A_488 = tpu.vector_load %arg7[%swap3A_486, %swap3A_487] {strides = array<i32>} : memref<40x512xf32, #tpu.memory_space<vmem>>, vector<1x16xf32>,
        %swap3A_489 = vector.shape_cast %swap3A_488 : vector<1x16xf32> to vector<16xf32>
        %swap3A_490 = vector.shape_cast %mul3A_485 : vector<16xf32> to vector<1x16xf32>
        tpu.vector_store %arg7[%swap3A_486, %swap3A_487], %swap3A_490 {strides = array<i32>} : memref<40x512xf32, #tpu.memory_space<vmem>>, vector<1x16xf32>,
        %get3A_491 = arith.index_cast %scan3A_179 : i32 to index
        %get3A_492 = arith.constant 416 : index
        %get3A_493 = tpu.vector_load %arg7[%get3A_491, %get3A_492] {strides = array<i32>} : memref<40x512xf32, #tpu.memory_space<vmem>>, vector<1x16xf32>,
        %get3A_494 = vector.shape_cast %get3A_493 : vector<1x16xf32> to vector<16xf32>
        %mul3A_495 = arith.constant 22.6274166 : f32
        %mul3A_496 = vector.broadcast %mul3A_495 : f32 to vector<16xf32>
        %mul3A_497 = arith.mulf %get3A_494, %mul3A_496 : vector<16xf32>
        %swap3A_498 = arith.index_cast %scan3A_179 : i32 to index
        %swap3A_499 = arith.constant 416 : index
        %swap3A_500 = tpu.vector_load %arg7[%swap3A_498, %swap3A_499] {strides = array<i32>} : memref<40x512xf32, #tpu.memory_space<vmem>>, vector<1x16xf32>,
        %swap3A_501 = vector.shape_cast %swap3A_500 : vector<1x16xf32> to vector<16xf32>
        %swap3A_502 = vector.shape_cast %mul3A_497 : vector<16xf32> to vector<1x16xf32>
        tpu.vector_store %arg7[%swap3A_498, %swap3A_499], %swap3A_502 {strides = array<i32>} : memref<40x512xf32, #tpu.memory_space<vmem>>, vector<1x16xf32>,
        %get3A_503 = arith.index_cast %scan3A_179 : i32 to index
        %get3A_504 = arith.constant 432 : index
        %get3A_505 = tpu.vector_load %arg7[%get3A_503, %get3A_504] {strides = array<i32>} : memref<40x512xf32, #tpu.memory_space<vmem>>, vector<1x16xf32>,
        %get3A_506 = vector.shape_cast %get3A_505 : vector<1x16xf32> to vector<16xf32>
        %mul3A_507 = arith.constant 22.6274166 : f32
        %mul3A_508 = vector.broadcast %mul3A_507 : f32 to vector<16xf32>
        %mul3A_509 = arith.mulf %get3A_506, %mul3A_508 : vector<16xf32>
        %swap3A_510 = arith.index_cast %scan3A_179 : i32 to index
        %swap3A_511 = arith.constant 432 : index
        %swap3A_512 = tpu.vector_load %arg7[%swap3A_510, %swap3A_511] {strides = array<i32>} : memref<40x512xf32, #tpu.memory_space<vmem>>, vector<1x16xf32>,
        %swap3A_513 = vector.shape_cast %swap3A_512 : vector<1x16xf32> to vector<16xf32>
        %swap3A_514 = vector.shape_cast %mul3A_509 : vector<16xf32> to vector<1x16xf32>
        tpu.vector_store %arg7[%swap3A_510, %swap3A_511], %swap3A_514 {strides = array<i32>} : memref<40x512xf32, #tpu.memory_space<vmem>>, vector<1x16xf32>,
        %get3A_515 = arith.index_cast %scan3A_179 : i32 to index
        %get3A_516 = arith.constant 448 : index
        %get3A_517 = tpu.vector_load %arg7[%get3A_515, %get3A_516] {strides = array<i32>} : memref<40x512xf32, #tpu.memory_space<vmem>>, vector<1x16xf32>,
        %get3A_518 = vector.shape_cast %get3A_517 : vector<1x16xf32> to vector<16xf32>
        %mul3A_519 = arith.constant 22.6274166 : f32
        %mul3A_520 = vector.broadcast %mul3A_519 : f32 to vector<16xf32>
        %mul3A_521 = arith.mulf %get3A_518, %mul3A_520 : vector<16xf32>
        %swap3A_522 = arith.index_cast %scan3A_179 : i32 to index
        %swap3A_523 = arith.constant 448 : index
        %swap3A_524 = tpu.vector_load %arg7[%swap3A_522, %swap3A_523] {strides = array<i32>} : memref<40x512xf32, #tpu.memory_space<vmem>>, vector<1x16xf32>,
        %swap3A_525 = vector.shape_cast %swap3A_524 : vector<1x16xf32> to vector<16xf32>
        %swap3A_526 = vector.shape_cast %mul3A_521 : vector<16xf32> to vector<1x16xf32>
        tpu.vector_store %arg7[%swap3A_522, %swap3A_523], %swap3A_526 {strides = array<i32>} : memref<40x512xf32, #tpu.memory_space<vmem>>, vector<1x16xf32>,
        %get3A_527 = arith.index_cast %scan3A_179 : i32 to index
        %get3A_528 = arith.constant 464 : index
        %get3A_529 = tpu.vector_load %arg7[%get3A_527, %get3A_528] {strides = array<i32>} : memref<40x512xf32, #tpu.memory_space<vmem>>, vector<1x16xf32>,
        %get3A_530 = vector.shape_cast %get3A_529 : vector<1x16xf32> to vector<16xf32>
        %mul3A_531 = arith.constant 22.6274166 : f32
        %mul3A_532 = vector.broadcast %mul3A_531 : f32 to vector<16xf32>
        %mul3A_533 = arith.mulf %get3A_530, %mul3A_532 : vector<16xf32>
        %swap3A_534 = arith.index_cast %scan3A_179 : i32 to index
        %swap3A_535 = arith.constant 464 : index
        %swap3A_536 = tpu.vector_load %arg7[%swap3A_534, %swap3A_535] {strides = array<i32>} : memref<40x512xf32, #tpu.memory_space<vmem>>, vector<1x16xf32>,
        %swap3A_537 = vector.shape_cast %swap3A_536 : vector<1x16xf32> to vector<16xf32>
        %swap3A_538 = vector.shape_cast %mul3A_533 : vector<16xf32> to vector<1x16xf32>
        tpu.vector_store %arg7[%swap3A_534, %swap3A_535], %swap3A_538 {strides = array<i32>} : memref<40x512xf32, #tpu.memory_space<vmem>>, vector<1x16xf32>,
        %get3A_539 = arith.index_cast %scan3A_179 : i32 to index
        %get3A_540 = arith.constant 480 : index
        %get3A_541 = tpu.vector_load %arg7[%get3A_539, %get3A_540] {strides = array<i32>} : memref<40x512xf32, #tpu.memory_space<vmem>>, vector<1x16xf32>,
        %get3A_542 = vector.shape_cast %get3A_541 : vector<1x16xf32> to vector<16xf32>
        %mul3A_543 = arith.constant 22.6274166 : f32
        %mul3A_544 = vector.broadcast %mul3A_543 : f32 to vector<16xf32>
        %mul3A_545 = arith.mulf %get3A_542, %mul3A_544 : vector<16xf32>
        %swap3A_546 = arith.index_cast %scan3A_179 : i32 to index
        %swap3A_547 = arith.constant 480 : index
        %swap3A_548 = tpu.vector_load %arg7[%swap3A_546, %swap3A_547] {strides = array<i32>} : memref<40x512xf32, #tpu.memory_space<vmem>>, vector<1x16xf32>,
        %swap3A_549 = vector.shape_cast %swap3A_548 : vector<1x16xf32> to vector<16xf32>
        %swap3A_550 = vector.shape_cast %mul3A_545 : vector<16xf32> to vector<1x16xf32>
        tpu.vector_store %arg7[%swap3A_546, %swap3A_547], %swap3A_550 {strides = array<i32>} : memref<40x512xf32, #tpu.memory_space<vmem>>, vector<1x16xf32>,
        %get3A_551 = arith.index_cast %scan3A_179 : i32 to index
        %get3A_552 = arith.constant 496 : index
        %get3A_553 = tpu.vector_load %arg7[%get3A_551, %get3A_552] {strides = array<i32>} : memref<40x512xf32, #tpu.memory_space<vmem>>, vector<1x16xf32>,
        %get3A_554 = vector.shape_cast %get3A_553 : vector<1x16xf32> to vector<16xf32>
        %mul3A_555 = arith.constant 22.6274166 : f32
        %mul3A_556 = vector.broadcast %mul3A_555 : f32 to vector<16xf32>
        %mul3A_557 = arith.mulf %get3A_554, %mul3A_556 : vector<16xf32>
        %swap3A_558 = arith.index_cast %scan3A_179 : i32 to index
        %swap3A_559 = arith.constant 496 : index
        %swap3A_560 = tpu.vector_load %arg7[%swap3A_558, %swap3A_559] {strides = array<i32>} : memref<40x512xf32, #tpu.memory_space<vmem>>, vector<1x16xf32>,
        %swap3A_561 = vector.shape_cast %swap3A_560 : vector<1x16xf32> to vector<16xf32>
        %swap3A_562 = vector.shape_cast %mul3A_557 : vector<16xf32> to vector<1x16xf32>
        tpu.vector_store %arg7[%swap3A_558, %swap3A_559], %swap3A_562 {strides = array<i32>} : memref<40x512xf32, #tpu.memory_space<vmem>>, vector<1x16xf32>,
        %scan3A_563 = arith.constant 0 : i32
        scf.yield %scan3A_563 : i32
      }
      %scan3A_81 = arith.constant 40 : i32
      %sub3A_82 = arith.constant 1 : i32
      %sub3A_83 = arith.subi %add3A_68, %sub3A_82 : i32
      %mul3A_84 = arith.constant 40 : i32
      %mul3A_85 = arith.muli %sub3A_83, %mul3A_84 : i32
      %add3A_86 = arith.addi %mul3A_2, %mul3A_85 : i32
      %dma_wait3A_87 = arith.constant 0 : i32
      %dma_wait3A_88 = tpu.memref_slice %arg4[%add3A_86, %dma_wait3A_87] : memref<204800x512xf32, #tpu.memory_space<hbm>> -> memref<40x512xf32, #tpu.memory_space<hbm>>
      %dma_wait3A_89 = arith.constant 0 : i32
      %dma_wait3A_90 = tpu.memref_slice %arg4[%add3A_86, %dma_wait3A_89] : memref<204800x512xf32, #tpu.memory_space<hbm>> -> memref<40x512xf32, #tpu.memory_space<hbm>>
      tpu.wait_dma2 semaphore(%arg14 : memref<!tpu.dma_semaphore, #tpu.memory_space<semaphore_mem>>) src(%arg6 : memref<40x512xf32, #tpu.memory_space<vmem>>) dst(%dma_wait3A_90 : memref<40x512xf32, #tpu.memory_space<hbm>>)
      %mul3A_91 = arith.constant 40 : i32
      %mul3A_92 = arith.muli %add3A_68, %mul3A_91 : i32
      %add3A_93 = arith.addi %mul3A_2, %mul3A_92 : i32
      %dma_start3A_94 = arith.constant 0 : i32
      %dma_start3A_95 = tpu.memref_slice %arg4[%add3A_93, %dma_start3A_94] : memref<204800x512xf32, #tpu.memory_space<hbm>> -> memref<40x512xf32, #tpu.memory_space<hbm>>
      %dma_start3A_96 = arith.constant 0 : i32
      %dma_start3A_97 = tpu.memref_slice %arg4[%add3A_93, %dma_start3A_96] : memref<204800x512xf32, #tpu.memory_space<hbm>> -> memref<40x512xf32, #tpu.memory_space<hbm>>
      tpu.enqueue_dma source(%arg7 : memref<40x512xf32, #tpu.memory_space<vmem>>) target(%dma_start3A_97 : memref<40x512xf32, #tpu.memory_space<hbm>>) target_semaphore(%arg14 : memref<!tpu.dma_semaphore, #tpu.memory_space<semaphore_mem>>)
      %lt3A = arith.constant 39 : i32
      %lt3A_98 = arith.cmpi slt, %scan3A_28, %lt3A : i32
      %convert_element_type3A_99 = arith.extui %lt3A_98 : i1 to i32
      %cond3A_100 = arith.constant 0 : i32
      %cond3A_101 = arith.cmpi ne, %convert_element_type3A_99, %cond3A_100 : i32
      scf.if %cond3A_101 {
        %add3A_179 = arith.constant 4 : i32
        %add3A_180 = arith.addi %add3A_68, %add3A_179 : i32
        %sub3A_181 = arith.constant 1 : i32
        %sub3A_182 = arith.subi %add3A_180, %sub3A_181 : i32
        %mul3A_183 = arith.constant 40 : i32
        %mul3A_184 = arith.muli %sub3A_182, %mul3A_183 : i32
        %dma_start3A_185 = tpu.memref_slice %arg5[%mul3A_184] : memref<6400xi32, #tpu.memory_space<vmem>> -> memref<40xi32, #tpu.memory_space<vmem>>
        %dma_start3A_186 = arith.constant 0 : i32
        %dma_start3A_187 = arith.constant 0 : i32
        %dma_start3A_188 = tpu.memref_slice %arg3[%dma_start3A_186, %dma_start3A_187] : memref<100000x512xf32, #tpu.memory_space<hbm>> -> memref<100000x512xf32, #tpu.memory_space<hbm>>
        tpu.enqueue_indirect_dma source(%dma_start3A_188 : memref<100000x512xf32, #tpu.memory_space<hbm>>) target(%arg6 : memref<40x512xf32, #tpu.memory_space<vmem>>) offsets(%dma_start3A_185 : memref<40xi32, #tpu.memory_space<vmem>>) semaphore(%arg10 : memref<!tpu.dma_semaphore, #tpu.memory_space<semaphore_mem>>)
      } else {
      }
      %mul3A_102 = arith.constant 4 : i32
      %mul3A_103 = arith.muli %scan3A_28, %mul3A_102 : i32
      %add3A_104 = arith.constant 2 : i32
      %add3A_105 = arith.addi %mul3A_103, %add3A_104 : i32
      %mul3A_106 = arith.constant 40 : i32
      %mul3A_107 = arith.muli %add3A_105, %mul3A_106 : i32
      %dma_wait3A_108 = tpu.memref_slice %arg5[%mul3A_107] : memref<6400xi32, #tpu.memory_space<vmem>> -> memref<40xi32, #tpu.memory_space<vmem>>
      %dma_wait3A_109 = arith.constant 0 : i32
      %dma_wait3A_110 = arith.constant 0 : i32
      %dma_wait3A_111 = tpu.memref_slice %arg3[%dma_wait3A_109, %dma_wait3A_110] : memref<100000x512xf32, #tpu.memory_space<hbm>> -> memref<100000x512xf32, #tpu.memory_space<hbm>>
      tpu.wait_indirect_dma semaphore(%arg12 : memref<!tpu.dma_semaphore, #tpu.memory_space<semaphore_mem>>) src(%dma_wait3A_111 : memref<100000x512xf32, #tpu.memory_space<hbm>>) dst(%arg8 : memref<40x512xf32, #tpu.memory_space<vmem>>)
      %scan3A_112 = arith.constant 0 : i32
      %scan3A_113 = arith.constant 0 : i32
      %scan3A_114 = arith.constant 40 : i32
      %scan3A_115 = arith.addi %scan3A_113, %scan3A_114 : i32
      %scan3A_116 = arith.constant 1 : i32
      %scan3A_117 = scf.for %scan3A_179 = %scan3A_113 to %scan3A_115 step %scan3A_116 iter_args(%scan3A_180 = %scan3A_112) -> (i32)  : i32 {
        %get3A = arith.index_cast %scan3A_179 : i32 to index
        %get3A_181 = arith.constant 0 : index
        %get3A_182 = tpu.vector_load %arg8[%get3A, %get3A_181] {strides = array<i32>} : memref<40x512xf32, #tpu.memory_space<vmem>>, vector<1x16xf32>,
        %get3A_183 = vector.shape_cast %get3A_182 : vector<1x16xf32> to vector<16xf32>
        %mul3A_184 = arith.constant 22.6274166 : f32
        %mul3A_185 = vector.broadcast %mul3A_184 : f32 to vector<16xf32>
        %mul3A_186 = arith.mulf %get3A_183, %mul3A_185 : vector<16xf32>
        %swap3A = arith.index_cast %scan3A_179 : i32 to index
        %swap3A_187 = arith.constant 0 : index
        %swap3A_188 = tpu.vector_load %arg8[%swap3A, %swap3A_187] {strides = array<i32>} : memref<40x512xf32, #tpu.memory_space<vmem>>, vector<1x16xf32>,
        %swap3A_189 = vector.shape_cast %swap3A_188 : vector<1x16xf32> to vector<16xf32>
        %swap3A_190 = vector.shape_cast %mul3A_186 : vector<16xf32> to vector<1x16xf32>
        tpu.vector_store %arg8[%swap3A, %swap3A_187], %swap3A_190 {strides = array<i32>} : memref<40x512xf32, #tpu.memory_space<vmem>>, vector<1x16xf32>,
        %get3A_191 = arith.index_cast %scan3A_179 : i32 to index
        %get3A_192 = arith.constant 16 : index
        %get3A_193 = tpu.vector_load %arg8[%get3A_191, %get3A_192] {strides = array<i32>} : memref<40x512xf32, #tpu.memory_space<vmem>>, vector<1x16xf32>,
        %get3A_194 = vector.shape_cast %get3A_193 : vector<1x16xf32> to vector<16xf32>
        %mul3A_195 = arith.constant 22.6274166 : f32
        %mul3A_196 = vector.broadcast %mul3A_195 : f32 to vector<16xf32>
        %mul3A_197 = arith.mulf %get3A_194, %mul3A_196 : vector<16xf32>
        %swap3A_198 = arith.index_cast %scan3A_179 : i32 to index
        %swap3A_199 = arith.constant 16 : index
        %swap3A_200 = tpu.vector_load %arg8[%swap3A_198, %swap3A_199] {strides = array<i32>} : memref<40x512xf32, #tpu.memory_space<vmem>>, vector<1x16xf32>,
        %swap3A_201 = vector.shape_cast %swap3A_200 : vector<1x16xf32> to vector<16xf32>
        %swap3A_202 = vector.shape_cast %mul3A_197 : vector<16xf32> to vector<1x16xf32>
        tpu.vector_store %arg8[%swap3A_198, %swap3A_199], %swap3A_202 {strides = array<i32>} : memref<40x512xf32, #tpu.memory_space<vmem>>, vector<1x16xf32>,
        %get3A_203 = arith.index_cast %scan3A_179 : i32 to index
        %get3A_204 = arith.constant 32 : index
        %get3A_205 = tpu.vector_load %arg8[%get3A_203, %get3A_204] {strides = array<i32>} : memref<40x512xf32, #tpu.memory_space<vmem>>, vector<1x16xf32>,
        %get3A_206 = vector.shape_cast %get3A_205 : vector<1x16xf32> to vector<16xf32>
        %mul3A_207 = arith.constant 22.6274166 : f32
        %mul3A_208 = vector.broadcast %mul3A_207 : f32 to vector<16xf32>
        %mul3A_209 = arith.mulf %get3A_206, %mul3A_208 : vector<16xf32>
        %swap3A_210 = arith.index_cast %scan3A_179 : i32 to index
        %swap3A_211 = arith.constant 32 : index
        %swap3A_212 = tpu.vector_load %arg8[%swap3A_210, %swap3A_211] {strides = array<i32>} : memref<40x512xf32, #tpu.memory_space<vmem>>, vector<1x16xf32>,
        %swap3A_213 = vector.shape_cast %swap3A_212 : vector<1x16xf32> to vector<16xf32>
        %swap3A_214 = vector.shape_cast %mul3A_209 : vector<16xf32> to vector<1x16xf32>
        tpu.vector_store %arg8[%swap3A_210, %swap3A_211], %swap3A_214 {strides = array<i32>} : memref<40x512xf32, #tpu.memory_space<vmem>>, vector<1x16xf32>,
        %get3A_215 = arith.index_cast %scan3A_179 : i32 to index
        %get3A_216 = arith.constant 48 : index
        %get3A_217 = tpu.vector_load %arg8[%get3A_215, %get3A_216] {strides = array<i32>} : memref<40x512xf32, #tpu.memory_space<vmem>>, vector<1x16xf32>,
        %get3A_218 = vector.shape_cast %get3A_217 : vector<1x16xf32> to vector<16xf32>
        %mul3A_219 = arith.constant 22.6274166 : f32
        %mul3A_220 = vector.broadcast %mul3A_219 : f32 to vector<16xf32>
        %mul3A_221 = arith.mulf %get3A_218, %mul3A_220 : vector<16xf32>
        %swap3A_222 = arith.index_cast %scan3A_179 : i32 to index
        %swap3A_223 = arith.constant 48 : index
        %swap3A_224 = tpu.vector_load %arg8[%swap3A_222, %swap3A_223] {strides = array<i32>} : memref<40x512xf32, #tpu.memory_space<vmem>>, vector<1x16xf32>,
        %swap3A_225 = vector.shape_cast %swap3A_224 : vector<1x16xf32> to vector<16xf32>
        %swap3A_226 = vector.shape_cast %mul3A_221 : vector<16xf32> to vector<1x16xf32>
        tpu.vector_store %arg8[%swap3A_222, %swap3A_223], %swap3A_226 {strides = array<i32>} : memref<40x512xf32, #tpu.memory_space<vmem>>, vector<1x16xf32>,
        %get3A_227 = arith.index_cast %scan3A_179 : i32 to index
        %get3A_228 = arith.constant 64 : index
        %get3A_229 = tpu.vector_load %arg8[%get3A_227, %get3A_228] {strides = array<i32>} : memref<40x512xf32, #tpu.memory_space<vmem>>, vector<1x16xf32>,
        %get3A_230 = vector.shape_cast %get3A_229 : vector<1x16xf32> to vector<16xf32>
        %mul3A_231 = arith.constant 22.6274166 : f32
        %mul3A_232 = vector.broadcast %mul3A_231 : f32 to vector<16xf32>
        %mul3A_233 = arith.mulf %get3A_230, %mul3A_232 : vector<16xf32>
        %swap3A_234 = arith.index_cast %scan3A_179 : i32 to index
        %swap3A_235 = arith.constant 64 : index
        %swap3A_236 = tpu.vector_load %arg8[%swap3A_234, %swap3A_235] {strides = array<i32>} : memref<40x512xf32, #tpu.memory_space<vmem>>, vector<1x16xf32>,
        %swap3A_237 = vector.shape_cast %swap3A_236 : vector<1x16xf32> to vector<16xf32>
        %swap3A_238 = vector.shape_cast %mul3A_233 : vector<16xf32> to vector<1x16xf32>
        tpu.vector_store %arg8[%swap3A_234, %swap3A_235], %swap3A_238 {strides = array<i32>} : memref<40x512xf32, #tpu.memory_space<vmem>>, vector<1x16xf32>,
        %get3A_239 = arith.index_cast %scan3A_179 : i32 to index
        %get3A_240 = arith.constant 80 : index
        %get3A_241 = tpu.vector_load %arg8[%get3A_239, %get3A_240] {strides = array<i32>} : memref<40x512xf32, #tpu.memory_space<vmem>>, vector<1x16xf32>,
        %get3A_242 = vector.shape_cast %get3A_241 : vector<1x16xf32> to vector<16xf32>
        %mul3A_243 = arith.constant 22.6274166 : f32
        %mul3A_244 = vector.broadcast %mul3A_243 : f32 to vector<16xf32>
        %mul3A_245 = arith.mulf %get3A_242, %mul3A_244 : vector<16xf32>
        %swap3A_246 = arith.index_cast %scan3A_179 : i32 to index
        %swap3A_247 = arith.constant 80 : index
        %swap3A_248 = tpu.vector_load %arg8[%swap3A_246, %swap3A_247] {strides = array<i32>} : memref<40x512xf32, #tpu.memory_space<vmem>>, vector<1x16xf32>,
        %swap3A_249 = vector.shape_cast %swap3A_248 : vector<1x16xf32> to vector<16xf32>
        %swap3A_250 = vector.shape_cast %mul3A_245 : vector<16xf32> to vector<1x16xf32>
        tpu.vector_store %arg8[%swap3A_246, %swap3A_247], %swap3A_250 {strides = array<i32>} : memref<40x512xf32, #tpu.memory_space<vmem>>, vector<1x16xf32>,
        %get3A_251 = arith.index_cast %scan3A_179 : i32 to index
        %get3A_252 = arith.constant 96 : index
        %get3A_253 = tpu.vector_load %arg8[%get3A_251, %get3A_252] {strides = array<i32>} : memref<40x512xf32, #tpu.memory_space<vmem>>, vector<1x16xf32>,
        %get3A_254 = vector.shape_cast %get3A_253 : vector<1x16xf32> to vector<16xf32>
        %mul3A_255 = arith.constant 22.6274166 : f32
        %mul3A_256 = vector.broadcast %mul3A_255 : f32 to vector<16xf32>
        %mul3A_257 = arith.mulf %get3A_254, %mul3A_256 : vector<16xf32>
        %swap3A_258 = arith.index_cast %scan3A_179 : i32 to index
        %swap3A_259 = arith.constant 96 : index
        %swap3A_260 = tpu.vector_load %arg8[%swap3A_258, %swap3A_259] {strides = array<i32>} : memref<40x512xf32, #tpu.memory_space<vmem>>, vector<1x16xf32>,
        %swap3A_261 = vector.shape_cast %swap3A_260 : vector<1x16xf32> to vector<16xf32>
        %swap3A_262 = vector.shape_cast %mul3A_257 : vector<16xf32> to vector<1x16xf32>
        tpu.vector_store %arg8[%swap3A_258, %swap3A_259], %swap3A_262 {strides = array<i32>} : memref<40x512xf32, #tpu.memory_space<vmem>>, vector<1x16xf32>,
        %get3A_263 = arith.index_cast %scan3A_179 : i32 to index
        %get3A_264 = arith.constant 112 : index
        %get3A_265 = tpu.vector_load %arg8[%get3A_263, %get3A_264] {strides = array<i32>} : memref<40x512xf32, #tpu.memory_space<vmem>>, vector<1x16xf32>,
        %get3A_266 = vector.shape_cast %get3A_265 : vector<1x16xf32> to vector<16xf32>
        %mul3A_267 = arith.constant 22.6274166 : f32
        %mul3A_268 = vector.broadcast %mul3A_267 : f32 to vector<16xf32>
        %mul3A_269 = arith.mulf %get3A_266, %mul3A_268 : vector<16xf32>
        %swap3A_270 = arith.index_cast %scan3A_179 : i32 to index
        %swap3A_271 = arith.constant 112 : index
        %swap3A_272 = tpu.vector_load %arg8[%swap3A_270, %swap3A_271] {strides = array<i32>} : memref<40x512xf32, #tpu.memory_space<vmem>>, vector<1x16xf32>,
        %swap3A_273 = vector.shape_cast %swap3A_272 : vector<1x16xf32> to vector<16xf32>
        %swap3A_274 = vector.shape_cast %mul3A_269 : vector<16xf32> to vector<1x16xf32>
        tpu.vector_store %arg8[%swap3A_270, %swap3A_271], %swap3A_274 {strides = array<i32>} : memref<40x512xf32, #tpu.memory_space<vmem>>, vector<1x16xf32>,
        %get3A_275 = arith.index_cast %scan3A_179 : i32 to index
        %get3A_276 = arith.constant 128 : index
        %get3A_277 = tpu.vector_load %arg8[%get3A_275, %get3A_276] {strides = array<i32>} : memref<40x512xf32, #tpu.memory_space<vmem>>, vector<1x16xf32>,
        %get3A_278 = vector.shape_cast %get3A_277 : vector<1x16xf32> to vector<16xf32>
        %mul3A_279 = arith.constant 22.6274166 : f32
        %mul3A_280 = vector.broadcast %mul3A_279 : f32 to vector<16xf32>
        %mul3A_281 = arith.mulf %get3A_278, %mul3A_280 : vector<16xf32>
        %swap3A_282 = arith.index_cast %scan3A_179 : i32 to index
        %swap3A_283 = arith.constant 128 : index
        %swap3A_284 = tpu.vector_load %arg8[%swap3A_282, %swap3A_283] {strides = array<i32>} : memref<40x512xf32, #tpu.memory_space<vmem>>, vector<1x16xf32>,
        %swap3A_285 = vector.shape_cast %swap3A_284 : vector<1x16xf32> to vector<16xf32>
        %swap3A_286 = vector.shape_cast %mul3A_281 : vector<16xf32> to vector<1x16xf32>
        tpu.vector_store %arg8[%swap3A_282, %swap3A_283], %swap3A_286 {strides = array<i32>} : memref<40x512xf32, #tpu.memory_space<vmem>>, vector<1x16xf32>,
        %get3A_287 = arith.index_cast %scan3A_179 : i32 to index
        %get3A_288 = arith.constant 144 : index
        %get3A_289 = tpu.vector_load %arg8[%get3A_287, %get3A_288] {strides = array<i32>} : memref<40x512xf32, #tpu.memory_space<vmem>>, vector<1x16xf32>,
        %get3A_290 = vector.shape_cast %get3A_289 : vector<1x16xf32> to vector<16xf32>
        %mul3A_291 = arith.constant 22.6274166 : f32
        %mul3A_292 = vector.broadcast %mul3A_291 : f32 to vector<16xf32>
        %mul3A_293 = arith.mulf %get3A_290, %mul3A_292 : vector<16xf32>
        %swap3A_294 = arith.index_cast %scan3A_179 : i32 to index
        %swap3A_295 = arith.constant 144 : index
        %swap3A_296 = tpu.vector_load %arg8[%swap3A_294, %swap3A_295] {strides = array<i32>} : memref<40x512xf32, #tpu.memory_space<vmem>>, vector<1x16xf32>,
        %swap3A_297 = vector.shape_cast %swap3A_296 : vector<1x16xf32> to vector<16xf32>
        %swap3A_298 = vector.shape_cast %mul3A_293 : vector<16xf32> to vector<1x16xf32>
        tpu.vector_store %arg8[%swap3A_294, %swap3A_295], %swap3A_298 {strides = array<i32>} : memref<40x512xf32, #tpu.memory_space<vmem>>, vector<1x16xf32>,
        %get3A_299 = arith.index_cast %scan3A_179 : i32 to index
        %get3A_300 = arith.constant 160 : index
        %get3A_301 = tpu.vector_load %arg8[%get3A_299, %get3A_300] {strides = array<i32>} : memref<40x512xf32, #tpu.memory_space<vmem>>, vector<1x16xf32>,
        %get3A_302 = vector.shape_cast %get3A_301 : vector<1x16xf32> to vector<16xf32>
        %mul3A_303 = arith.constant 22.6274166 : f32
        %mul3A_304 = vector.broadcast %mul3A_303 : f32 to vector<16xf32>
        %mul3A_305 = arith.mulf %get3A_302, %mul3A_304 : vector<16xf32>
        %swap3A_306 = arith.index_cast %scan3A_179 : i32 to index
        %swap3A_307 = arith.constant 160 : index
        %swap3A_308 = tpu.vector_load %arg8[%swap3A_306, %swap3A_307] {strides = array<i32>} : memref<40x512xf32, #tpu.memory_space<vmem>>, vector<1x16xf32>,
        %swap3A_309 = vector.shape_cast %swap3A_308 : vector<1x16xf32> to vector<16xf32>
        %swap3A_310 = vector.shape_cast %mul3A_305 : vector<16xf32> to vector<1x16xf32>
        tpu.vector_store %arg8[%swap3A_306, %swap3A_307], %swap3A_310 {strides = array<i32>} : memref<40x512xf32, #tpu.memory_space<vmem>>, vector<1x16xf32>,
        %get3A_311 = arith.index_cast %scan3A_179 : i32 to index
        %get3A_312 = arith.constant 176 : index
        %get3A_313 = tpu.vector_load %arg8[%get3A_311, %get3A_312] {strides = array<i32>} : memref<40x512xf32, #tpu.memory_space<vmem>>, vector<1x16xf32>,
        %get3A_314 = vector.shape_cast %get3A_313 : vector<1x16xf32> to vector<16xf32>
        %mul3A_315 = arith.constant 22.6274166 : f32
        %mul3A_316 = vector.broadcast %mul3A_315 : f32 to vector<16xf32>
        %mul3A_317 = arith.mulf %get3A_314, %mul3A_316 : vector<16xf32>
        %swap3A_318 = arith.index_cast %scan3A_179 : i32 to index
        %swap3A_319 = arith.constant 176 : index
        %swap3A_320 = tpu.vector_load %arg8[%swap3A_318, %swap3A_319] {strides = array<i32>} : memref<40x512xf32, #tpu.memory_space<vmem>>, vector<1x16xf32>,
        %swap3A_321 = vector.shape_cast %swap3A_320 : vector<1x16xf32> to vector<16xf32>
        %swap3A_322 = vector.shape_cast %mul3A_317 : vector<16xf32> to vector<1x16xf32>
        tpu.vector_store %arg8[%swap3A_318, %swap3A_319], %swap3A_322 {strides = array<i32>} : memref<40x512xf32, #tpu.memory_space<vmem>>, vector<1x16xf32>,
        %get3A_323 = arith.index_cast %scan3A_179 : i32 to index
        %get3A_324 = arith.constant 192 : index
        %get3A_325 = tpu.vector_load %arg8[%get3A_323, %get3A_324] {strides = array<i32>} : memref<40x512xf32, #tpu.memory_space<vmem>>, vector<1x16xf32>,
        %get3A_326 = vector.shape_cast %get3A_325 : vector<1x16xf32> to vector<16xf32>
        %mul3A_327 = arith.constant 22.6274166 : f32
        %mul3A_328 = vector.broadcast %mul3A_327 : f32 to vector<16xf32>
        %mul3A_329 = arith.mulf %get3A_326, %mul3A_328 : vector<16xf32>
        %swap3A_330 = arith.index_cast %scan3A_179 : i32 to index
        %swap3A_331 = arith.constant 192 : index
        %swap3A_332 = tpu.vector_load %arg8[%swap3A_330, %swap3A_331] {strides = array<i32>} : memref<40x512xf32, #tpu.memory_space<vmem>>, vector<1x16xf32>,
        %swap3A_333 = vector.shape_cast %swap3A_332 : vector<1x16xf32> to vector<16xf32>
        %swap3A_334 = vector.shape_cast %mul3A_329 : vector<16xf32> to vector<1x16xf32>
        tpu.vector_store %arg8[%swap3A_330, %swap3A_331], %swap3A_334 {strides = array<i32>} : memref<40x512xf32, #tpu.memory_space<vmem>>, vector<1x16xf32>,
        %get3A_335 = arith.index_cast %scan3A_179 : i32 to index
        %get3A_336 = arith.constant 208 : index
        %get3A_337 = tpu.vector_load %arg8[%get3A_335, %get3A_336] {strides = array<i32>} : memref<40x512xf32, #tpu.memory_space<vmem>>, vector<1x16xf32>,
        %get3A_338 = vector.shape_cast %get3A_337 : vector<1x16xf32> to vector<16xf32>
        %mul3A_339 = arith.constant 22.6274166 : f32
        %mul3A_340 = vector.broadcast %mul3A_339 : f32 to vector<16xf32>
        %mul3A_341 = arith.mulf %get3A_338, %mul3A_340 : vector<16xf32>
        %swap3A_342 = arith.index_cast %scan3A_179 : i32 to index
        %swap3A_343 = arith.constant 208 : index
        %swap3A_344 = tpu.vector_load %arg8[%swap3A_342, %swap3A_343] {strides = array<i32>} : memref<40x512xf32, #tpu.memory_space<vmem>>, vector<1x16xf32>,
        %swap3A_345 = vector.shape_cast %swap3A_344 : vector<1x16xf32> to vector<16xf32>
        %swap3A_346 = vector.shape_cast %mul3A_341 : vector<16xf32> to vector<1x16xf32>
        tpu.vector_store %arg8[%swap3A_342, %swap3A_343], %swap3A_346 {strides = array<i32>} : memref<40x512xf32, #tpu.memory_space<vmem>>, vector<1x16xf32>,
        %get3A_347 = arith.index_cast %scan3A_179 : i32 to index
        %get3A_348 = arith.constant 224 : index
        %get3A_349 = tpu.vector_load %arg8[%get3A_347, %get3A_348] {strides = array<i32>} : memref<40x512xf32, #tpu.memory_space<vmem>>, vector<1x16xf32>,
        %get3A_350 = vector.shape_cast %get3A_349 : vector<1x16xf32> to vector<16xf32>
        %mul3A_351 = arith.constant 22.6274166 : f32
        %mul3A_352 = vector.broadcast %mul3A_351 : f32 to vector<16xf32>
        %mul3A_353 = arith.mulf %get3A_350, %mul3A_352 : vector<16xf32>
        %swap3A_354 = arith.index_cast %scan3A_179 : i32 to index
        %swap3A_355 = arith.constant 224 : index
        %swap3A_356 = tpu.vector_load %arg8[%swap3A_354, %swap3A_355] {strides = array<i32>} : memref<40x512xf32, #tpu.memory_space<vmem>>, vector<1x16xf32>,
        %swap3A_357 = vector.shape_cast %swap3A_356 : vector<1x16xf32> to vector<16xf32>
        %swap3A_358 = vector.shape_cast %mul3A_353 : vector<16xf32> to vector<1x16xf32>
        tpu.vector_store %arg8[%swap3A_354, %swap3A_355], %swap3A_358 {strides = array<i32>} : memref<40x512xf32, #tpu.memory_space<vmem>>, vector<1x16xf32>,
        %get3A_359 = arith.index_cast %scan3A_179 : i32 to index
        %get3A_360 = arith.constant 240 : index
        %get3A_361 = tpu.vector_load %arg8[%get3A_359, %get3A_360] {strides = array<i32>} : memref<40x512xf32, #tpu.memory_space<vmem>>, vector<1x16xf32>,
        %get3A_362 = vector.shape_cast %get3A_361 : vector<1x16xf32> to vector<16xf32>
        %mul3A_363 = arith.constant 22.6274166 : f32
        %mul3A_364 = vector.broadcast %mul3A_363 : f32 to vector<16xf32>
        %mul3A_365 = arith.mulf %get3A_362, %mul3A_364 : vector<16xf32>
        %swap3A_366 = arith.index_cast %scan3A_179 : i32 to index
        %swap3A_367 = arith.constant 240 : index
        %swap3A_368 = tpu.vector_load %arg8[%swap3A_366, %swap3A_367] {strides = array<i32>} : memref<40x512xf32, #tpu.memory_space<vmem>>, vector<1x16xf32>,
        %swap3A_369 = vector.shape_cast %swap3A_368 : vector<1x16xf32> to vector<16xf32>
        %swap3A_370 = vector.shape_cast %mul3A_365 : vector<16xf32> to vector<1x16xf32>
        tpu.vector_store %arg8[%swap3A_366, %swap3A_367], %swap3A_370 {strides = array<i32>} : memref<40x512xf32, #tpu.memory_space<vmem>>, vector<1x16xf32>,
        %get3A_371 = arith.index_cast %scan3A_179 : i32 to index
        %get3A_372 = arith.constant 256 : index
        %get3A_373 = tpu.vector_load %arg8[%get3A_371, %get3A_372] {strides = array<i32>} : memref<40x512xf32, #tpu.memory_space<vmem>>, vector<1x16xf32>,
        %get3A_374 = vector.shape_cast %get3A_373 : vector<1x16xf32> to vector<16xf32>
        %mul3A_375 = arith.constant 22.6274166 : f32
        %mul3A_376 = vector.broadcast %mul3A_375 : f32 to vector<16xf32>
        %mul3A_377 = arith.mulf %get3A_374, %mul3A_376 : vector<16xf32>
        %swap3A_378 = arith.index_cast %scan3A_179 : i32 to index
        %swap3A_379 = arith.constant 256 : index
        %swap3A_380 = tpu.vector_load %arg8[%swap3A_378, %swap3A_379] {strides = array<i32>} : memref<40x512xf32, #tpu.memory_space<vmem>>, vector<1x16xf32>,
        %swap3A_381 = vector.shape_cast %swap3A_380 : vector<1x16xf32> to vector<16xf32>
        %swap3A_382 = vector.shape_cast %mul3A_377 : vector<16xf32> to vector<1x16xf32>
        tpu.vector_store %arg8[%swap3A_378, %swap3A_379], %swap3A_382 {strides = array<i32>} : memref<40x512xf32, #tpu.memory_space<vmem>>, vector<1x16xf32>,
        %get3A_383 = arith.index_cast %scan3A_179 : i32 to index
        %get3A_384 = arith.constant 272 : index
        %get3A_385 = tpu.vector_load %arg8[%get3A_383, %get3A_384] {strides = array<i32>} : memref<40x512xf32, #tpu.memory_space<vmem>>, vector<1x16xf32>,
        %get3A_386 = vector.shape_cast %get3A_385 : vector<1x16xf32> to vector<16xf32>
        %mul3A_387 = arith.constant 22.6274166 : f32
        %mul3A_388 = vector.broadcast %mul3A_387 : f32 to vector<16xf32>
        %mul3A_389 = arith.mulf %get3A_386, %mul3A_388 : vector<16xf32>
        %swap3A_390 = arith.index_cast %scan3A_179 : i32 to index
        %swap3A_391 = arith.constant 272 : index
        %swap3A_392 = tpu.vector_load %arg8[%swap3A_390, %swap3A_391] {strides = array<i32>} : memref<40x512xf32, #tpu.memory_space<vmem>>, vector<1x16xf32>,
        %swap3A_393 = vector.shape_cast %swap3A_392 : vector<1x16xf32> to vector<16xf32>
        %swap3A_394 = vector.shape_cast %mul3A_389 : vector<16xf32> to vector<1x16xf32>
        tpu.vector_store %arg8[%swap3A_390, %swap3A_391], %swap3A_394 {strides = array<i32>} : memref<40x512xf32, #tpu.memory_space<vmem>>, vector<1x16xf32>,
        %get3A_395 = arith.index_cast %scan3A_179 : i32 to index
        %get3A_396 = arith.constant 288 : index
        %get3A_397 = tpu.vector_load %arg8[%get3A_395, %get3A_396] {strides = array<i32>} : memref<40x512xf32, #tpu.memory_space<vmem>>, vector<1x16xf32>,
        %get3A_398 = vector.shape_cast %get3A_397 : vector<1x16xf32> to vector<16xf32>
        %mul3A_399 = arith.constant 22.6274166 : f32
        %mul3A_400 = vector.broadcast %mul3A_399 : f32 to vector<16xf32>
        %mul3A_401 = arith.mulf %get3A_398, %mul3A_400 : vector<16xf32>
        %swap3A_402 = arith.index_cast %scan3A_179 : i32 to index
        %swap3A_403 = arith.constant 288 : index
        %swap3A_404 = tpu.vector_load %arg8[%swap3A_402, %swap3A_403] {strides = array<i32>} : memref<40x512xf32, #tpu.memory_space<vmem>>, vector<1x16xf32>,
        %swap3A_405 = vector.shape_cast %swap3A_404 : vector<1x16xf32> to vector<16xf32>
        %swap3A_406 = vector.shape_cast %mul3A_401 : vector<16xf32> to vector<1x16xf32>
        tpu.vector_store %arg8[%swap3A_402, %swap3A_403], %swap3A_406 {strides = array<i32>} : memref<40x512xf32, #tpu.memory_space<vmem>>, vector<1x16xf32>,
        %get3A_407 = arith.index_cast %scan3A_179 : i32 to index
        %get3A_408 = arith.constant 304 : index
        %get3A_409 = tpu.vector_load %arg8[%get3A_407, %get3A_408] {strides = array<i32>} : memref<40x512xf32, #tpu.memory_space<vmem>>, vector<1x16xf32>,
        %get3A_410 = vector.shape_cast %get3A_409 : vector<1x16xf32> to vector<16xf32>
        %mul3A_411 = arith.constant 22.6274166 : f32
        %mul3A_412 = vector.broadcast %mul3A_411 : f32 to vector<16xf32>
        %mul3A_413 = arith.mulf %get3A_410, %mul3A_412 : vector<16xf32>
        %swap3A_414 = arith.index_cast %scan3A_179 : i32 to index
        %swap3A_415 = arith.constant 304 : index
        %swap3A_416 = tpu.vector_load %arg8[%swap3A_414, %swap3A_415] {strides = array<i32>} : memref<40x512xf32, #tpu.memory_space<vmem>>, vector<1x16xf32>,
        %swap3A_417 = vector.shape_cast %swap3A_416 : vector<1x16xf32> to vector<16xf32>
        %swap3A_418 = vector.shape_cast %mul3A_413 : vector<16xf32> to vector<1x16xf32>
        tpu.vector_store %arg8[%swap3A_414, %swap3A_415], %swap3A_418 {strides = array<i32>} : memref<40x512xf32, #tpu.memory_space<vmem>>, vector<1x16xf32>,
        %get3A_419 = arith.index_cast %scan3A_179 : i32 to index
        %get3A_420 = arith.constant 320 : index
        %get3A_421 = tpu.vector_load %arg8[%get3A_419, %get3A_420] {strides = array<i32>} : memref<40x512xf32, #tpu.memory_space<vmem>>, vector<1x16xf32>,
        %get3A_422 = vector.shape_cast %get3A_421 : vector<1x16xf32> to vector<16xf32>
        %mul3A_423 = arith.constant 22.6274166 : f32
        %mul3A_424 = vector.broadcast %mul3A_423 : f32 to vector<16xf32>
        %mul3A_425 = arith.mulf %get3A_422, %mul3A_424 : vector<16xf32>
        %swap3A_426 = arith.index_cast %scan3A_179 : i32 to index
        %swap3A_427 = arith.constant 320 : index
        %swap3A_428 = tpu.vector_load %arg8[%swap3A_426, %swap3A_427] {strides = array<i32>} : memref<40x512xf32, #tpu.memory_space<vmem>>, vector<1x16xf32>,
        %swap3A_429 = vector.shape_cast %swap3A_428 : vector<1x16xf32> to vector<16xf32>
        %swap3A_430 = vector.shape_cast %mul3A_425 : vector<16xf32> to vector<1x16xf32>
        tpu.vector_store %arg8[%swap3A_426, %swap3A_427], %swap3A_430 {strides = array<i32>} : memref<40x512xf32, #tpu.memory_space<vmem>>, vector<1x16xf32>,
        %get3A_431 = arith.index_cast %scan3A_179 : i32 to index
        %get3A_432 = arith.constant 336 : index
        %get3A_433 = tpu.vector_load %arg8[%get3A_431, %get3A_432] {strides = array<i32>} : memref<40x512xf32, #tpu.memory_space<vmem>>, vector<1x16xf32>,
        %get3A_434 = vector.shape_cast %get3A_433 : vector<1x16xf32> to vector<16xf32>
        %mul3A_435 = arith.constant 22.6274166 : f32
        %mul3A_436 = vector.broadcast %mul3A_435 : f32 to vector<16xf32>
        %mul3A_437 = arith.mulf %get3A_434, %mul3A_436 : vector<16xf32>
        %swap3A_438 = arith.index_cast %scan3A_179 : i32 to index
        %swap3A_439 = arith.constant 336 : index
        %swap3A_440 = tpu.vector_load %arg8[%swap3A_438, %swap3A_439] {strides = array<i32>} : memref<40x512xf32, #tpu.memory_space<vmem>>, vector<1x16xf32>,
        %swap3A_441 = vector.shape_cast %swap3A_440 : vector<1x16xf32> to vector<16xf32>
        %swap3A_442 = vector.shape_cast %mul3A_437 : vector<16xf32> to vector<1x16xf32>
        tpu.vector_store %arg8[%swap3A_438, %swap3A_439], %swap3A_442 {strides = array<i32>} : memref<40x512xf32, #tpu.memory_space<vmem>>, vector<1x16xf32>,
        %get3A_443 = arith.index_cast %scan3A_179 : i32 to index
        %get3A_444 = arith.constant 352 : index
        %get3A_445 = tpu.vector_load %arg8[%get3A_443, %get3A_444] {strides = array<i32>} : memref<40x512xf32, #tpu.memory_space<vmem>>, vector<1x16xf32>,
        %get3A_446 = vector.shape_cast %get3A_445 : vector<1x16xf32> to vector<16xf32>
        %mul3A_447 = arith.constant 22.6274166 : f32
        %mul3A_448 = vector.broadcast %mul3A_447 : f32 to vector<16xf32>
        %mul3A_449 = arith.mulf %get3A_446, %mul3A_448 : vector<16xf32>
        %swap3A_450 = arith.index_cast %scan3A_179 : i32 to index
        %swap3A_451 = arith.constant 352 : index
        %swap3A_452 = tpu.vector_load %arg8[%swap3A_450, %swap3A_451] {strides = array<i32>} : memref<40x512xf32, #tpu.memory_space<vmem>>, vector<1x16xf32>,
        %swap3A_453 = vector.shape_cast %swap3A_452 : vector<1x16xf32> to vector<16xf32>
        %swap3A_454 = vector.shape_cast %mul3A_449 : vector<16xf32> to vector<1x16xf32>
        tpu.vector_store %arg8[%swap3A_450, %swap3A_451], %swap3A_454 {strides = array<i32>} : memref<40x512xf32, #tpu.memory_space<vmem>>, vector<1x16xf32>,
        %get3A_455 = arith.index_cast %scan3A_179 : i32 to index
        %get3A_456 = arith.constant 368 : index
        %get3A_457 = tpu.vector_load %arg8[%get3A_455, %get3A_456] {strides = array<i32>} : memref<40x512xf32, #tpu.memory_space<vmem>>, vector<1x16xf32>,
        %get3A_458 = vector.shape_cast %get3A_457 : vector<1x16xf32> to vector<16xf32>
        %mul3A_459 = arith.constant 22.6274166 : f32
        %mul3A_460 = vector.broadcast %mul3A_459 : f32 to vector<16xf32>
        %mul3A_461 = arith.mulf %get3A_458, %mul3A_460 : vector<16xf32>
        %swap3A_462 = arith.index_cast %scan3A_179 : i32 to index
        %swap3A_463 = arith.constant 368 : index
        %swap3A_464 = tpu.vector_load %arg8[%swap3A_462, %swap3A_463] {strides = array<i32>} : memref<40x512xf32, #tpu.memory_space<vmem>>, vector<1x16xf32>,
        %swap3A_465 = vector.shape_cast %swap3A_464 : vector<1x16xf32> to vector<16xf32>
        %swap3A_466 = vector.shape_cast %mul3A_461 : vector<16xf32> to vector<1x16xf32>
        tpu.vector_store %arg8[%swap3A_462, %swap3A_463], %swap3A_466 {strides = array<i32>} : memref<40x512xf32, #tpu.memory_space<vmem>>, vector<1x16xf32>,
        %get3A_467 = arith.index_cast %scan3A_179 : i32 to index
        %get3A_468 = arith.constant 384 : index
        %get3A_469 = tpu.vector_load %arg8[%get3A_467, %get3A_468] {strides = array<i32>} : memref<40x512xf32, #tpu.memory_space<vmem>>, vector<1x16xf32>,
        %get3A_470 = vector.shape_cast %get3A_469 : vector<1x16xf32> to vector<16xf32>
        %mul3A_471 = arith.constant 22.6274166 : f32
        %mul3A_472 = vector.broadcast %mul3A_471 : f32 to vector<16xf32>
        %mul3A_473 = arith.mulf %get3A_470, %mul3A_472 : vector<16xf32>
        %swap3A_474 = arith.index_cast %scan3A_179 : i32 to index
        %swap3A_475 = arith.constant 384 : index
        %swap3A_476 = tpu.vector_load %arg8[%swap3A_474, %swap3A_475] {strides = array<i32>} : memref<40x512xf32, #tpu.memory_space<vmem>>, vector<1x16xf32>,
        %swap3A_477 = vector.shape_cast %swap3A_476 : vector<1x16xf32> to vector<16xf32>
        %swap3A_478 = vector.shape_cast %mul3A_473 : vector<16xf32> to vector<1x16xf32>
        tpu.vector_store %arg8[%swap3A_474, %swap3A_475], %swap3A_478 {strides = array<i32>} : memref<40x512xf32, #tpu.memory_space<vmem>>, vector<1x16xf32>,
        %get3A_479 = arith.index_cast %scan3A_179 : i32 to index
        %get3A_480 = arith.constant 400 : index
        %get3A_481 = tpu.vector_load %arg8[%get3A_479, %get3A_480] {strides = array<i32>} : memref<40x512xf32, #tpu.memory_space<vmem>>, vector<1x16xf32>,
        %get3A_482 = vector.shape_cast %get3A_481 : vector<1x16xf32> to vector<16xf32>
        %mul3A_483 = arith.constant 22.6274166 : f32
        %mul3A_484 = vector.broadcast %mul3A_483 : f32 to vector<16xf32>
        %mul3A_485 = arith.mulf %get3A_482, %mul3A_484 : vector<16xf32>
        %swap3A_486 = arith.index_cast %scan3A_179 : i32 to index
        %swap3A_487 = arith.constant 400 : index
        %swap3A_488 = tpu.vector_load %arg8[%swap3A_486, %swap3A_487] {strides = array<i32>} : memref<40x512xf32, #tpu.memory_space<vmem>>, vector<1x16xf32>,
        %swap3A_489 = vector.shape_cast %swap3A_488 : vector<1x16xf32> to vector<16xf32>
        %swap3A_490 = vector.shape_cast %mul3A_485 : vector<16xf32> to vector<1x16xf32>
        tpu.vector_store %arg8[%swap3A_486, %swap3A_487], %swap3A_490 {strides = array<i32>} : memref<40x512xf32, #tpu.memory_space<vmem>>, vector<1x16xf32>,
        %get3A_491 = arith.index_cast %scan3A_179 : i32 to index
        %get3A_492 = arith.constant 416 : index
        %get3A_493 = tpu.vector_load %arg8[%get3A_491, %get3A_492] {strides = array<i32>} : memref<40x512xf32, #tpu.memory_space<vmem>>, vector<1x16xf32>,
        %get3A_494 = vector.shape_cast %get3A_493 : vector<1x16xf32> to vector<16xf32>
        %mul3A_495 = arith.constant 22.6274166 : f32
        %mul3A_496 = vector.broadcast %mul3A_495 : f32 to vector<16xf32>
        %mul3A_497 = arith.mulf %get3A_494, %mul3A_496 : vector<16xf32>
        %swap3A_498 = arith.index_cast %scan3A_179 : i32 to index
        %swap3A_499 = arith.constant 416 : index
        %swap3A_500 = tpu.vector_load %arg8[%swap3A_498, %swap3A_499] {strides = array<i32>} : memref<40x512xf32, #tpu.memory_space<vmem>>, vector<1x16xf32>,
        %swap3A_501 = vector.shape_cast %swap3A_500 : vector<1x16xf32> to vector<16xf32>
        %swap3A_502 = vector.shape_cast %mul3A_497 : vector<16xf32> to vector<1x16xf32>
        tpu.vector_store %arg8[%swap3A_498, %swap3A_499], %swap3A_502 {strides = array<i32>} : memref<40x512xf32, #tpu.memory_space<vmem>>, vector<1x16xf32>,
        %get3A_503 = arith.index_cast %scan3A_179 : i32 to index
        %get3A_504 = arith.constant 432 : index
        %get3A_505 = tpu.vector_load %arg8[%get3A_503, %get3A_504] {strides = array<i32>} : memref<40x512xf32, #tpu.memory_space<vmem>>, vector<1x16xf32>,
        %get3A_506 = vector.shape_cast %get3A_505 : vector<1x16xf32> to vector<16xf32>
        %mul3A_507 = arith.constant 22.6274166 : f32
        %mul3A_508 = vector.broadcast %mul3A_507 : f32 to vector<16xf32>
        %mul3A_509 = arith.mulf %get3A_506, %mul3A_508 : vector<16xf32>
        %swap3A_510 = arith.index_cast %scan3A_179 : i32 to index
        %swap3A_511 = arith.constant 432 : index
        %swap3A_512 = tpu.vector_load %arg8[%swap3A_510, %swap3A_511] {strides = array<i32>} : memref<40x512xf32, #tpu.memory_space<vmem>>, vector<1x16xf32>,
        %swap3A_513 = vector.shape_cast %swap3A_512 : vector<1x16xf32> to vector<16xf32>
        %swap3A_514 = vector.shape_cast %mul3A_509 : vector<16xf32> to vector<1x16xf32>
        tpu.vector_store %arg8[%swap3A_510, %swap3A_511], %swap3A_514 {strides = array<i32>} : memref<40x512xf32, #tpu.memory_space<vmem>>, vector<1x16xf32>,
        %get3A_515 = arith.index_cast %scan3A_179 : i32 to index
        %get3A_516 = arith.constant 448 : index
        %get3A_517 = tpu.vector_load %arg8[%get3A_515, %get3A_516] {strides = array<i32>} : memref<40x512xf32, #tpu.memory_space<vmem>>, vector<1x16xf32>,
        %get3A_518 = vector.shape_cast %get3A_517 : vector<1x16xf32> to vector<16xf32>
        %mul3A_519 = arith.constant 22.6274166 : f32
        %mul3A_520 = vector.broadcast %mul3A_519 : f32 to vector<16xf32>
        %mul3A_521 = arith.mulf %get3A_518, %mul3A_520 : vector<16xf32>
        %swap3A_522 = arith.index_cast %scan3A_179 : i32 to index
        %swap3A_523 = arith.constant 448 : index
        %swap3A_524 = tpu.vector_load %arg8[%swap3A_522, %swap3A_523] {strides = array<i32>} : memref<40x512xf32, #tpu.memory_space<vmem>>, vector<1x16xf32>,
        %swap3A_525 = vector.shape_cast %swap3A_524 : vector<1x16xf32> to vector<16xf32>
        %swap3A_526 = vector.shape_cast %mul3A_521 : vector<16xf32> to vector<1x16xf32>
        tpu.vector_store %arg8[%swap3A_522, %swap3A_523], %swap3A_526 {strides = array<i32>} : memref<40x512xf32, #tpu.memory_space<vmem>>, vector<1x16xf32>,
        %get3A_527 = arith.index_cast %scan3A_179 : i32 to index
        %get3A_528 = arith.constant 464 : index
        %get3A_529 = tpu.vector_load %arg8[%get3A_527, %get3A_528] {strides = array<i32>} : memref<40x512xf32, #tpu.memory_space<vmem>>, vector<1x16xf32>,
        %get3A_530 = vector.shape_cast %get3A_529 : vector<1x16xf32> to vector<16xf32>
        %mul3A_531 = arith.constant 22.6274166 : f32
        %mul3A_532 = vector.broadcast %mul3A_531 : f32 to vector<16xf32>
        %mul3A_533 = arith.mulf %get3A_530, %mul3A_532 : vector<16xf32>
        %swap3A_534 = arith.index_cast %scan3A_179 : i32 to index
        %swap3A_535 = arith.constant 464 : index
        %swap3A_536 = tpu.vector_load %arg8[%swap3A_534, %swap3A_535] {strides = array<i32>} : memref<40x512xf32, #tpu.memory_space<vmem>>, vector<1x16xf32>,
        %swap3A_537 = vector.shape_cast %swap3A_536 : vector<1x16xf32> to vector<16xf32>
        %swap3A_538 = vector.shape_cast %mul3A_533 : vector<16xf32> to vector<1x16xf32>
        tpu.vector_store %arg8[%swap3A_534, %swap3A_535], %swap3A_538 {strides = array<i32>} : memref<40x512xf32, #tpu.memory_space<vmem>>, vector<1x16xf32>,
        %get3A_539 = arith.index_cast %scan3A_179 : i32 to index
        %get3A_540 = arith.constant 480 : index
        %get3A_541 = tpu.vector_load %arg8[%get3A_539, %get3A_540] {strides = array<i32>} : memref<40x512xf32, #tpu.memory_space<vmem>>, vector<1x16xf32>,
        %get3A_542 = vector.shape_cast %get3A_541 : vector<1x16xf32> to vector<16xf32>
        %mul3A_543 = arith.constant 22.6274166 : f32
        %mul3A_544 = vector.broadcast %mul3A_543 : f32 to vector<16xf32>
        %mul3A_545 = arith.mulf %get3A_542, %mul3A_544 : vector<16xf32>
        %swap3A_546 = arith.index_cast %scan3A_179 : i32 to index
        %swap3A_547 = arith.constant 480 : index
        %swap3A_548 = tpu.vector_load %arg8[%swap3A_546, %swap3A_547] {strides = array<i32>} : memref<40x512xf32, #tpu.memory_space<vmem>>, vector<1x16xf32>,
        %swap3A_549 = vector.shape_cast %swap3A_548 : vector<1x16xf32> to vector<16xf32>
        %swap3A_550 = vector.shape_cast %mul3A_545 : vector<16xf32> to vector<1x16xf32>
        tpu.vector_store %arg8[%swap3A_546, %swap3A_547], %swap3A_550 {strides = array<i32>} : memref<40x512xf32, #tpu.memory_space<vmem>>, vector<1x16xf32>,
        %get3A_551 = arith.index_cast %scan3A_179 : i32 to index
        %get3A_552 = arith.constant 496 : index
        %get3A_553 = tpu.vector_load %arg8[%get3A_551, %get3A_552] {strides = array<i32>} : memref<40x512xf32, #tpu.memory_space<vmem>>, vector<1x16xf32>,
        %get3A_554 = vector.shape_cast %get3A_553 : vector<1x16xf32> to vector<16xf32>
        %mul3A_555 = arith.constant 22.6274166 : f32
        %mul3A_556 = vector.broadcast %mul3A_555 : f32 to vector<16xf32>
        %mul3A_557 = arith.mulf %get3A_554, %mul3A_556 : vector<16xf32>
        %swap3A_558 = arith.index_cast %scan3A_179 : i32 to index
        %swap3A_559 = arith.constant 496 : index
        %swap3A_560 = tpu.vector_load %arg8[%swap3A_558, %swap3A_559] {strides = array<i32>} : memref<40x512xf32, #tpu.memory_space<vmem>>, vector<1x16xf32>,
        %swap3A_561 = vector.shape_cast %swap3A_560 : vector<1x16xf32> to vector<16xf32>
        %swap3A_562 = vector.shape_cast %mul3A_557 : vector<16xf32> to vector<1x16xf32>
        tpu.vector_store %arg8[%swap3A_558, %swap3A_559], %swap3A_562 {strides = array<i32>} : memref<40x512xf32, #tpu.memory_space<vmem>>, vector<1x16xf32>,
        %scan3A_563 = arith.constant 0 : i32
        scf.yield %scan3A_563 : i32
      }
      %scan3A_118 = arith.constant 40 : i32
      %sub3A_119 = arith.constant 1 : i32
      %sub3A_120 = arith.subi %add3A_105, %sub3A_119 : i32
      %mul3A_121 = arith.constant 40 : i32
      %mul3A_122 = arith.muli %sub3A_120, %mul3A_121 : i32
      %add3A_123 = arith.addi %mul3A_2, %mul3A_122 : i32
      %dma_wait3A_124 = arith.constant 0 : i32
      %dma_wait3A_125 = tpu.memref_slice %arg4[%add3A_123, %dma_wait3A_124] : memref<204800x512xf32, #tpu.memory_space<hbm>> -> memref<40x512xf32, #tpu.memory_space<hbm>>
      %dma_wait3A_126 = arith.constant 0 : i32
      %dma_wait3A_127 = tpu.memref_slice %arg4[%add3A_123, %dma_wait3A_126] : memref<204800x512xf32, #tpu.memory_space<hbm>> -> memref<40x512xf32, #tpu.memory_space<hbm>>
      tpu.wait_dma2 semaphore(%arg14 : memref<!tpu.dma_semaphore, #tpu.memory_space<semaphore_mem>>) src(%arg7 : memref<40x512xf32, #tpu.memory_space<vmem>>) dst(%dma_wait3A_127 : memref<40x512xf32, #tpu.memory_space<hbm>>)
      %mul3A_128 = arith.constant 40 : i32
      %mul3A_129 = arith.muli %add3A_105, %mul3A_128 : i32
      %add3A_130 = arith.addi %mul3A_2, %mul3A_129 : i32
      %dma_start3A_131 = arith.constant 0 : i32
      %dma_start3A_132 = tpu.memref_slice %arg4[%add3A_130, %dma_start3A_131] : memref<204800x512xf32, #tpu.memory_space<hbm>> -> memref<40x512xf32, #tpu.memory_space<hbm>>
      %dma_start3A_133 = arith.constant 0 : i32
      %dma_start3A_134 = tpu.memref_slice %arg4[%add3A_130, %dma_start3A_133] : memref<204800x512xf32, #tpu.memory_space<hbm>> -> memref<40x512xf32, #tpu.memory_space<hbm>>
      tpu.enqueue_dma source(%arg8 : memref<40x512xf32, #tpu.memory_space<vmem>>) target(%dma_start3A_134 : memref<40x512xf32, #tpu.memory_space<hbm>>) target_semaphore(%arg14 : memref<!tpu.dma_semaphore, #tpu.memory_space<semaphore_mem>>)
      %lt3A_135 = arith.constant 39 : i32
      %lt3A_136 = arith.cmpi slt, %scan3A_28, %lt3A_135 : i32
      %convert_element_type3A_137 = arith.extui %lt3A_136 : i1 to i32
      %cond3A_138 = arith.constant 0 : i32
      %cond3A_139 = arith.cmpi ne, %convert_element_type3A_137, %cond3A_138 : i32
      scf.if %cond3A_139 {
        %add3A_179 = arith.constant 4 : i32
        %add3A_180 = arith.addi %add3A_105, %add3A_179 : i32
        %sub3A_181 = arith.constant 1 : i32
        %sub3A_182 = arith.subi %add3A_180, %sub3A_181 : i32
        %mul3A_183 = arith.constant 40 : i32
        %mul3A_184 = arith.muli %sub3A_182, %mul3A_183 : i32
        %dma_start3A_185 = tpu.memref_slice %arg5[%mul3A_184] : memref<6400xi32, #tpu.memory_space<vmem>> -> memref<40xi32, #tpu.memory_space<vmem>>
        %dma_start3A_186 = arith.constant 0 : i32
        %dma_start3A_187 = arith.constant 0 : i32
        %dma_start3A_188 = tpu.memref_slice %arg3[%dma_start3A_186, %dma_start3A_187] : memref<100000x512xf32, #tpu.memory_space<hbm>> -> memref<100000x512xf32, #tpu.memory_space<hbm>>
        tpu.enqueue_indirect_dma source(%dma_start3A_188 : memref<100000x512xf32, #tpu.memory_space<hbm>>) target(%arg7 : memref<40x512xf32, #tpu.memory_space<vmem>>) offsets(%dma_start3A_185 : memref<40xi32, #tpu.memory_space<vmem>>) semaphore(%arg11 : memref<!tpu.dma_semaphore, #tpu.memory_space<semaphore_mem>>)
      } else {
      }
      %mul3A_140 = arith.constant 4 : i32
      %mul3A_141 = arith.muli %scan3A_28, %mul3A_140 : i32
      %add3A_142 = arith.constant 3 : i32
      %add3A_143 = arith.addi %mul3A_141, %add3A_142 : i32
      %mul3A_144 = arith.constant 40 : i32
      %mul3A_145 = arith.muli %add3A_143, %mul3A_144 : i32
      %dma_wait3A_146 = tpu.memref_slice %arg5[%mul3A_145] : memref<6400xi32, #tpu.memory_space<vmem>> -> memref<40xi32, #tpu.memory_space<vmem>>
      %dma_wait3A_147 = arith.constant 0 : i32
      %dma_wait3A_148 = arith.constant 0 : i32
      %dma_wait3A_149 = tpu.memref_slice %arg3[%dma_wait3A_147, %dma_wait3A_148] : memref<100000x512xf32, #tpu.memory_space<hbm>> -> memref<100000x512xf32, #tpu.memory_space<hbm>>
      tpu.wait_indirect_dma semaphore(%arg13 : memref<!tpu.dma_semaphore, #tpu.memory_space<semaphore_mem>>) src(%dma_wait3A_149 : memref<100000x512xf32, #tpu.memory_space<hbm>>) dst(%arg9 : memref<40x512xf32, #tpu.memory_space<vmem>>)
      %scan3A_150 = arith.constant 0 : i32
      %scan3A_151 = arith.constant 0 : i32
      %scan3A_152 = arith.constant 40 : i32
      %scan3A_153 = arith.addi %scan3A_151, %scan3A_152 : i32
      %scan3A_154 = arith.constant 1 : i32
      %scan3A_155 = scf.for %scan3A_179 = %scan3A_151 to %scan3A_153 step %scan3A_154 iter_args(%scan3A_180 = %scan3A_150) -> (i32)  : i32 {
        %get3A = arith.index_cast %scan3A_179 : i32 to index
        %get3A_181 = arith.constant 0 : index
        %get3A_182 = tpu.vector_load %arg9[%get3A, %get3A_181] {strides = array<i32>} : memref<40x512xf32, #tpu.memory_space<vmem>>, vector<1x16xf32>,
        %get3A_183 = vector.shape_cast %get3A_182 : vector<1x16xf32> to vector<16xf32>
        %mul3A_184 = arith.constant 22.6274166 : f32
        %mul3A_185 = vector.broadcast %mul3A_184 : f32 to vector<16xf32>
        %mul3A_186 = arith.mulf %get3A_183, %mul3A_185 : vector<16xf32>
        %swap3A = arith.index_cast %scan3A_179 : i32 to index
        %swap3A_187 = arith.constant 0 : index
        %swap3A_188 = tpu.vector_load %arg9[%swap3A, %swap3A_187] {strides = array<i32>} : memref<40x512xf32, #tpu.memory_space<vmem>>, vector<1x16xf32>,
        %swap3A_189 = vector.shape_cast %swap3A_188 : vector<1x16xf32> to vector<16xf32>
        %swap3A_190 = vector.shape_cast %mul3A_186 : vector<16xf32> to vector<1x16xf32>
        tpu.vector_store %arg9[%swap3A, %swap3A_187], %swap3A_190 {strides = array<i32>} : memref<40x512xf32, #tpu.memory_space<vmem>>, vector<1x16xf32>,
        %get3A_191 = arith.index_cast %scan3A_179 : i32 to index
        %get3A_192 = arith.constant 16 : index
        %get3A_193 = tpu.vector_load %arg9[%get3A_191, %get3A_192] {strides = array<i32>} : memref<40x512xf32, #tpu.memory_space<vmem>>, vector<1x16xf32>,
        %get3A_194 = vector.shape_cast %get3A_193 : vector<1x16xf32> to vector<16xf32>
        %mul3A_195 = arith.constant 22.6274166 : f32
        %mul3A_196 = vector.broadcast %mul3A_195 : f32 to vector<16xf32>
        %mul3A_197 = arith.mulf %get3A_194, %mul3A_196 : vector<16xf32>
        %swap3A_198 = arith.index_cast %scan3A_179 : i32 to index
        %swap3A_199 = arith.constant 16 : index
        %swap3A_200 = tpu.vector_load %arg9[%swap3A_198, %swap3A_199] {strides = array<i32>} : memref<40x512xf32, #tpu.memory_space<vmem>>, vector<1x16xf32>,
        %swap3A_201 = vector.shape_cast %swap3A_200 : vector<1x16xf32> to vector<16xf32>
        %swap3A_202 = vector.shape_cast %mul3A_197 : vector<16xf32> to vector<1x16xf32>
        tpu.vector_store %arg9[%swap3A_198, %swap3A_199], %swap3A_202 {strides = array<i32>} : memref<40x512xf32, #tpu.memory_space<vmem>>, vector<1x16xf32>,
        %get3A_203 = arith.index_cast %scan3A_179 : i32 to index
        %get3A_204 = arith.constant 32 : index
        %get3A_205 = tpu.vector_load %arg9[%get3A_203, %get3A_204] {strides = array<i32>} : memref<40x512xf32, #tpu.memory_space<vmem>>, vector<1x16xf32>,
        %get3A_206 = vector.shape_cast %get3A_205 : vector<1x16xf32> to vector<16xf32>
        %mul3A_207 = arith.constant 22.6274166 : f32
        %mul3A_208 = vector.broadcast %mul3A_207 : f32 to vector<16xf32>
        %mul3A_209 = arith.mulf %get3A_206, %mul3A_208 : vector<16xf32>
        %swap3A_210 = arith.index_cast %scan3A_179 : i32 to index
        %swap3A_211 = arith.constant 32 : index
        %swap3A_212 = tpu.vector_load %arg9[%swap3A_210, %swap3A_211] {strides = array<i32>} : memref<40x512xf32, #tpu.memory_space<vmem>>, vector<1x16xf32>,
        %swap3A_213 = vector.shape_cast %swap3A_212 : vector<1x16xf32> to vector<16xf32>
        %swap3A_214 = vector.shape_cast %mul3A_209 : vector<16xf32> to vector<1x16xf32>
        tpu.vector_store %arg9[%swap3A_210, %swap3A_211], %swap3A_214 {strides = array<i32>} : memref<40x512xf32, #tpu.memory_space<vmem>>, vector<1x16xf32>,
        %get3A_215 = arith.index_cast %scan3A_179 : i32 to index
        %get3A_216 = arith.constant 48 : index
        %get3A_217 = tpu.vector_load %arg9[%get3A_215, %get3A_216] {strides = array<i32>} : memref<40x512xf32, #tpu.memory_space<vmem>>, vector<1x16xf32>,
        %get3A_218 = vector.shape_cast %get3A_217 : vector<1x16xf32> to vector<16xf32>
        %mul3A_219 = arith.constant 22.6274166 : f32
        %mul3A_220 = vector.broadcast %mul3A_219 : f32 to vector<16xf32>
        %mul3A_221 = arith.mulf %get3A_218, %mul3A_220 : vector<16xf32>
        %swap3A_222 = arith.index_cast %scan3A_179 : i32 to index
        %swap3A_223 = arith.constant 48 : index
        %swap3A_224 = tpu.vector_load %arg9[%swap3A_222, %swap3A_223] {strides = array<i32>} : memref<40x512xf32, #tpu.memory_space<vmem>>, vector<1x16xf32>,
        %swap3A_225 = vector.shape_cast %swap3A_224 : vector<1x16xf32> to vector<16xf32>
        %swap3A_226 = vector.shape_cast %mul3A_221 : vector<16xf32> to vector<1x16xf32>
        tpu.vector_store %arg9[%swap3A_222, %swap3A_223], %swap3A_226 {strides = array<i32>} : memref<40x512xf32, #tpu.memory_space<vmem>>, vector<1x16xf32>,
        %get3A_227 = arith.index_cast %scan3A_179 : i32 to index
        %get3A_228 = arith.constant 64 : index
        %get3A_229 = tpu.vector_load %arg9[%get3A_227, %get3A_228] {strides = array<i32>} : memref<40x512xf32, #tpu.memory_space<vmem>>, vector<1x16xf32>,
        %get3A_230 = vector.shape_cast %get3A_229 : vector<1x16xf32> to vector<16xf32>
        %mul3A_231 = arith.constant 22.6274166 : f32
        %mul3A_232 = vector.broadcast %mul3A_231 : f32 to vector<16xf32>
        %mul3A_233 = arith.mulf %get3A_230, %mul3A_232 : vector<16xf32>
        %swap3A_234 = arith.index_cast %scan3A_179 : i32 to index
        %swap3A_235 = arith.constant 64 : index
        %swap3A_236 = tpu.vector_load %arg9[%swap3A_234, %swap3A_235] {strides = array<i32>} : memref<40x512xf32, #tpu.memory_space<vmem>>, vector<1x16xf32>,
        %swap3A_237 = vector.shape_cast %swap3A_236 : vector<1x16xf32> to vector<16xf32>
        %swap3A_238 = vector.shape_cast %mul3A_233 : vector<16xf32> to vector<1x16xf32>
        tpu.vector_store %arg9[%swap3A_234, %swap3A_235], %swap3A_238 {strides = array<i32>} : memref<40x512xf32, #tpu.memory_space<vmem>>, vector<1x16xf32>,
        %get3A_239 = arith.index_cast %scan3A_179 : i32 to index
        %get3A_240 = arith.constant 80 : index
        %get3A_241 = tpu.vector_load %arg9[%get3A_239, %get3A_240] {strides = array<i32>} : memref<40x512xf32, #tpu.memory_space<vmem>>, vector<1x16xf32>,
        %get3A_242 = vector.shape_cast %get3A_241 : vector<1x16xf32> to vector<16xf32>
        %mul3A_243 = arith.constant 22.6274166 : f32
        %mul3A_244 = vector.broadcast %mul3A_243 : f32 to vector<16xf32>
        %mul3A_245 = arith.mulf %get3A_242, %mul3A_244 : vector<16xf32>
        %swap3A_246 = arith.index_cast %scan3A_179 : i32 to index
        %swap3A_247 = arith.constant 80 : index
        %swap3A_248 = tpu.vector_load %arg9[%swap3A_246, %swap3A_247] {strides = array<i32>} : memref<40x512xf32, #tpu.memory_space<vmem>>, vector<1x16xf32>,
        %swap3A_249 = vector.shape_cast %swap3A_248 : vector<1x16xf32> to vector<16xf32>
        %swap3A_250 = vector.shape_cast %mul3A_245 : vector<16xf32> to vector<1x16xf32>
        tpu.vector_store %arg9[%swap3A_246, %swap3A_247], %swap3A_250 {strides = array<i32>} : memref<40x512xf32, #tpu.memory_space<vmem>>, vector<1x16xf32>,
        %get3A_251 = arith.index_cast %scan3A_179 : i32 to index
        %get3A_252 = arith.constant 96 : index
        %get3A_253 = tpu.vector_load %arg9[%get3A_251, %get3A_252] {strides = array<i32>} : memref<40x512xf32, #tpu.memory_space<vmem>>, vector<1x16xf32>,
        %get3A_254 = vector.shape_cast %get3A_253 : vector<1x16xf32> to vector<16xf32>
        %mul3A_255 = arith.constant 22.6274166 : f32
        %mul3A_256 = vector.broadcast %mul3A_255 : f32 to vector<16xf32>
        %mul3A_257 = arith.mulf %get3A_254, %mul3A_256 : vector<16xf32>
        %swap3A_258 = arith.index_cast %scan3A_179 : i32 to index
        %swap3A_259 = arith.constant 96 : index
        %swap3A_260 = tpu.vector_load %arg9[%swap3A_258, %swap3A_259] {strides = array<i32>} : memref<40x512xf32, #tpu.memory_space<vmem>>, vector<1x16xf32>,
        %swap3A_261 = vector.shape_cast %swap3A_260 : vector<1x16xf32> to vector<16xf32>
        %swap3A_262 = vector.shape_cast %mul3A_257 : vector<16xf32> to vector<1x16xf32>
        tpu.vector_store %arg9[%swap3A_258, %swap3A_259], %swap3A_262 {strides = array<i32>} : memref<40x512xf32, #tpu.memory_space<vmem>>, vector<1x16xf32>,
        %get3A_263 = arith.index_cast %scan3A_179 : i32 to index
        %get3A_264 = arith.constant 112 : index
        %get3A_265 = tpu.vector_load %arg9[%get3A_263, %get3A_264] {strides = array<i32>} : memref<40x512xf32, #tpu.memory_space<vmem>>, vector<1x16xf32>,
        %get3A_266 = vector.shape_cast %get3A_265 : vector<1x16xf32> to vector<16xf32>
        %mul3A_267 = arith.constant 22.6274166 : f32
        %mul3A_268 = vector.broadcast %mul3A_267 : f32 to vector<16xf32>
        %mul3A_269 = arith.mulf %get3A_266, %mul3A_268 : vector<16xf32>
        %swap3A_270 = arith.index_cast %scan3A_179 : i32 to index
        %swap3A_271 = arith.constant 112 : index
        %swap3A_272 = tpu.vector_load %arg9[%swap3A_270, %swap3A_271] {strides = array<i32>} : memref<40x512xf32, #tpu.memory_space<vmem>>, vector<1x16xf32>,
        %swap3A_273 = vector.shape_cast %swap3A_272 : vector<1x16xf32> to vector<16xf32>
        %swap3A_274 = vector.shape_cast %mul3A_269 : vector<16xf32> to vector<1x16xf32>
        tpu.vector_store %arg9[%swap3A_270, %swap3A_271], %swap3A_274 {strides = array<i32>} : memref<40x512xf32, #tpu.memory_space<vmem>>, vector<1x16xf32>,
        %get3A_275 = arith.index_cast %scan3A_179 : i32 to index
        %get3A_276 = arith.constant 128 : index
        %get3A_277 = tpu.vector_load %arg9[%get3A_275, %get3A_276] {strides = array<i32>} : memref<40x512xf32, #tpu.memory_space<vmem>>, vector<1x16xf32>,
        %get3A_278 = vector.shape_cast %get3A_277 : vector<1x16xf32> to vector<16xf32>
        %mul3A_279 = arith.constant 22.6274166 : f32
        %mul3A_280 = vector.broadcast %mul3A_279 : f32 to vector<16xf32>
        %mul3A_281 = arith.mulf %get3A_278, %mul3A_280 : vector<16xf32>
        %swap3A_282 = arith.index_cast %scan3A_179 : i32 to index
        %swap3A_283 = arith.constant 128 : index
        %swap3A_284 = tpu.vector_load %arg9[%swap3A_282, %swap3A_283] {strides = array<i32>} : memref<40x512xf32, #tpu.memory_space<vmem>>, vector<1x16xf32>,
        %swap3A_285 = vector.shape_cast %swap3A_284 : vector<1x16xf32> to vector<16xf32>
        %swap3A_286 = vector.shape_cast %mul3A_281 : vector<16xf32> to vector<1x16xf32>
        tpu.vector_store %arg9[%swap3A_282, %swap3A_283], %swap3A_286 {strides = array<i32>} : memref<40x512xf32, #tpu.memory_space<vmem>>, vector<1x16xf32>,
        %get3A_287 = arith.index_cast %scan3A_179 : i32 to index
        %get3A_288 = arith.constant 144 : index
        %get3A_289 = tpu.vector_load %arg9[%get3A_287, %get3A_288] {strides = array<i32>} : memref<40x512xf32, #tpu.memory_space<vmem>>, vector<1x16xf32>,
        %get3A_290 = vector.shape_cast %get3A_289 : vector<1x16xf32> to vector<16xf32>
        %mul3A_291 = arith.constant 22.6274166 : f32
        %mul3A_292 = vector.broadcast %mul3A_291 : f32 to vector<16xf32>
        %mul3A_293 = arith.mulf %get3A_290, %mul3A_292 : vector<16xf32>
        %swap3A_294 = arith.index_cast %scan3A_179 : i32 to index
        %swap3A_295 = arith.constant 144 : index
        %swap3A_296 = tpu.vector_load %arg9[%swap3A_294, %swap3A_295] {strides = array<i32>} : memref<40x512xf32, #tpu.memory_space<vmem>>, vector<1x16xf32>,
        %swap3A_297 = vector.shape_cast %swap3A_296 : vector<1x16xf32> to vector<16xf32>
        %swap3A_298 = vector.shape_cast %mul3A_293 : vector<16xf32> to vector<1x16xf32>
        tpu.vector_store %arg9[%swap3A_294, %swap3A_295], %swap3A_298 {strides = array<i32>} : memref<40x512xf32, #tpu.memory_space<vmem>>, vector<1x16xf32>,
        %get3A_299 = arith.index_cast %scan3A_179 : i32 to index
        %get3A_300 = arith.constant 160 : index
        %get3A_301 = tpu.vector_load %arg9[%get3A_299, %get3A_300] {strides = array<i32>} : memref<40x512xf32, #tpu.memory_space<vmem>>, vector<1x16xf32>,
        %get3A_302 = vector.shape_cast %get3A_301 : vector<1x16xf32> to vector<16xf32>
        %mul3A_303 = arith.constant 22.6274166 : f32
        %mul3A_304 = vector.broadcast %mul3A_303 : f32 to vector<16xf32>
        %mul3A_305 = arith.mulf %get3A_302, %mul3A_304 : vector<16xf32>
        %swap3A_306 = arith.index_cast %scan3A_179 : i32 to index
        %swap3A_307 = arith.constant 160 : index
        %swap3A_308 = tpu.vector_load %arg9[%swap3A_306, %swap3A_307] {strides = array<i32>} : memref<40x512xf32, #tpu.memory_space<vmem>>, vector<1x16xf32>,
        %swap3A_309 = vector.shape_cast %swap3A_308 : vector<1x16xf32> to vector<16xf32>
        %swap3A_310 = vector.shape_cast %mul3A_305 : vector<16xf32> to vector<1x16xf32>
        tpu.vector_store %arg9[%swap3A_306, %swap3A_307], %swap3A_310 {strides = array<i32>} : memref<40x512xf32, #tpu.memory_space<vmem>>, vector<1x16xf32>,
        %get3A_311 = arith.index_cast %scan3A_179 : i32 to index
        %get3A_312 = arith.constant 176 : index
        %get3A_313 = tpu.vector_load %arg9[%get3A_311, %get3A_312] {strides = array<i32>} : memref<40x512xf32, #tpu.memory_space<vmem>>, vector<1x16xf32>,
        %get3A_314 = vector.shape_cast %get3A_313 : vector<1x16xf32> to vector<16xf32>
        %mul3A_315 = arith.constant 22.6274166 : f32
        %mul3A_316 = vector.broadcast %mul3A_315 : f32 to vector<16xf32>
        %mul3A_317 = arith.mulf %get3A_314, %mul3A_316 : vector<16xf32>
        %swap3A_318 = arith.index_cast %scan3A_179 : i32 to index
        %swap3A_319 = arith.constant 176 : index
        %swap3A_320 = tpu.vector_load %arg9[%swap3A_318, %swap3A_319] {strides = array<i32>} : memref<40x512xf32, #tpu.memory_space<vmem>>, vector<1x16xf32>,
        %swap3A_321 = vector.shape_cast %swap3A_320 : vector<1x16xf32> to vector<16xf32>
        %swap3A_322 = vector.shape_cast %mul3A_317 : vector<16xf32> to vector<1x16xf32>
        tpu.vector_store %arg9[%swap3A_318, %swap3A_319], %swap3A_322 {strides = array<i32>} : memref<40x512xf32, #tpu.memory_space<vmem>>, vector<1x16xf32>,
        %get3A_323 = arith.index_cast %scan3A_179 : i32 to index
        %get3A_324 = arith.constant 192 : index
        %get3A_325 = tpu.vector_load %arg9[%get3A_323, %get3A_324] {strides = array<i32>} : memref<40x512xf32, #tpu.memory_space<vmem>>, vector<1x16xf32>,
        %get3A_326 = vector.shape_cast %get3A_325 : vector<1x16xf32> to vector<16xf32>
        %mul3A_327 = arith.constant 22.6274166 : f32
        %mul3A_328 = vector.broadcast %mul3A_327 : f32 to vector<16xf32>
        %mul3A_329 = arith.mulf %get3A_326, %mul3A_328 : vector<16xf32>
        %swap3A_330 = arith.index_cast %scan3A_179 : i32 to index
        %swap3A_331 = arith.constant 192 : index
        %swap3A_332 = tpu.vector_load %arg9[%swap3A_330, %swap3A_331] {strides = array<i32>} : memref<40x512xf32, #tpu.memory_space<vmem>>, vector<1x16xf32>,
        %swap3A_333 = vector.shape_cast %swap3A_332 : vector<1x16xf32> to vector<16xf32>
        %swap3A_334 = vector.shape_cast %mul3A_329 : vector<16xf32> to vector<1x16xf32>
        tpu.vector_store %arg9[%swap3A_330, %swap3A_331], %swap3A_334 {strides = array<i32>} : memref<40x512xf32, #tpu.memory_space<vmem>>, vector<1x16xf32>,
        %get3A_335 = arith.index_cast %scan3A_179 : i32 to index
        %get3A_336 = arith.constant 208 : index
        %get3A_337 = tpu.vector_load %arg9[%get3A_335, %get3A_336] {strides = array<i32>} : memref<40x512xf32, #tpu.memory_space<vmem>>, vector<1x16xf32>,
        %get3A_338 = vector.shape_cast %get3A_337 : vector<1x16xf32> to vector<16xf32>
        %mul3A_339 = arith.constant 22.6274166 : f32
        %mul3A_340 = vector.broadcast %mul3A_339 : f32 to vector<16xf32>
        %mul3A_341 = arith.mulf %get3A_338, %mul3A_340 : vector<16xf32>
        %swap3A_342 = arith.index_cast %scan3A_179 : i32 to index
        %swap3A_343 = arith.constant 208 : index
        %swap3A_344 = tpu.vector_load %arg9[%swap3A_342, %swap3A_343] {strides = array<i32>} : memref<40x512xf32, #tpu.memory_space<vmem>>, vector<1x16xf32>,
        %swap3A_345 = vector.shape_cast %swap3A_344 : vector<1x16xf32> to vector<16xf32>
        %swap3A_346 = vector.shape_cast %mul3A_341 : vector<16xf32> to vector<1x16xf32>
        tpu.vector_store %arg9[%swap3A_342, %swap3A_343], %swap3A_346 {strides = array<i32>} : memref<40x512xf32, #tpu.memory_space<vmem>>, vector<1x16xf32>,
        %get3A_347 = arith.index_cast %scan3A_179 : i32 to index
        %get3A_348 = arith.constant 224 : index
        %get3A_349 = tpu.vector_load %arg9[%get3A_347, %get3A_348] {strides = array<i32>} : memref<40x512xf32, #tpu.memory_space<vmem>>, vector<1x16xf32>,
        %get3A_350 = vector.shape_cast %get3A_349 : vector<1x16xf32> to vector<16xf32>
        %mul3A_351 = arith.constant 22.6274166 : f32
        %mul3A_352 = vector.broadcast %mul3A_351 : f32 to vector<16xf32>
        %mul3A_353 = arith.mulf %get3A_350, %mul3A_352 : vector<16xf32>
        %swap3A_354 = arith.index_cast %scan3A_179 : i32 to index
        %swap3A_355 = arith.constant 224 : index
        %swap3A_356 = tpu.vector_load %arg9[%swap3A_354, %swap3A_355] {strides = array<i32>} : memref<40x512xf32, #tpu.memory_space<vmem>>, vector<1x16xf32>,
        %swap3A_357 = vector.shape_cast %swap3A_356 : vector<1x16xf32> to vector<16xf32>
        %swap3A_358 = vector.shape_cast %mul3A_353 : vector<16xf32> to vector<1x16xf32>
        tpu.vector_store %arg9[%swap3A_354, %swap3A_355], %swap3A_358 {strides = array<i32>} : memref<40x512xf32, #tpu.memory_space<vmem>>, vector<1x16xf32>,
        %get3A_359 = arith.index_cast %scan3A_179 : i32 to index
        %get3A_360 = arith.constant 240 : index
        %get3A_361 = tpu.vector_load %arg9[%get3A_359, %get3A_360] {strides = array<i32>} : memref<40x512xf32, #tpu.memory_space<vmem>>, vector<1x16xf32>,
        %get3A_362 = vector.shape_cast %get3A_361 : vector<1x16xf32> to vector<16xf32>
        %mul3A_363 = arith.constant 22.6274166 : f32
        %mul3A_364 = vector.broadcast %mul3A_363 : f32 to vector<16xf32>
        %mul3A_365 = arith.mulf %get3A_362, %mul3A_364 : vector<16xf32>
        %swap3A_366 = arith.index_cast %scan3A_179 : i32 to index
        %swap3A_367 = arith.constant 240 : index
        %swap3A_368 = tpu.vector_load %arg9[%swap3A_366, %swap3A_367] {strides = array<i32>} : memref<40x512xf32, #tpu.memory_space<vmem>>, vector<1x16xf32>,
        %swap3A_369 = vector.shape_cast %swap3A_368 : vector<1x16xf32> to vector<16xf32>
        %swap3A_370 = vector.shape_cast %mul3A_365 : vector<16xf32> to vector<1x16xf32>
        tpu.vector_store %arg9[%swap3A_366, %swap3A_367], %swap3A_370 {strides = array<i32>} : memref<40x512xf32, #tpu.memory_space<vmem>>, vector<1x16xf32>,
        %get3A_371 = arith.index_cast %scan3A_179 : i32 to index
        %get3A_372 = arith.constant 256 : index
        %get3A_373 = tpu.vector_load %arg9[%get3A_371, %get3A_372] {strides = array<i32>} : memref<40x512xf32, #tpu.memory_space<vmem>>, vector<1x16xf32>,
        %get3A_374 = vector.shape_cast %get3A_373 : vector<1x16xf32> to vector<16xf32>
        %mul3A_375 = arith.constant 22.6274166 : f32
        %mul3A_376 = vector.broadcast %mul3A_375 : f32 to vector<16xf32>
        %mul3A_377 = arith.mulf %get3A_374, %mul3A_376 : vector<16xf32>
        %swap3A_378 = arith.index_cast %scan3A_179 : i32 to index
        %swap3A_379 = arith.constant 256 : index
        %swap3A_380 = tpu.vector_load %arg9[%swap3A_378, %swap3A_379] {strides = array<i32>} : memref<40x512xf32, #tpu.memory_space<vmem>>, vector<1x16xf32>,
        %swap3A_381 = vector.shape_cast %swap3A_380 : vector<1x16xf32> to vector<16xf32>
        %swap3A_382 = vector.shape_cast %mul3A_377 : vector<16xf32> to vector<1x16xf32>
        tpu.vector_store %arg9[%swap3A_378, %swap3A_379], %swap3A_382 {strides = array<i32>} : memref<40x512xf32, #tpu.memory_space<vmem>>, vector<1x16xf32>,
        %get3A_383 = arith.index_cast %scan3A_179 : i32 to index
        %get3A_384 = arith.constant 272 : index
        %get3A_385 = tpu.vector_load %arg9[%get3A_383, %get3A_384] {strides = array<i32>} : memref<40x512xf32, #tpu.memory_space<vmem>>, vector<1x16xf32>,
        %get3A_386 = vector.shape_cast %get3A_385 : vector<1x16xf32> to vector<16xf32>
        %mul3A_387 = arith.constant 22.6274166 : f32
        %mul3A_388 = vector.broadcast %mul3A_387 : f32 to vector<16xf32>
        %mul3A_389 = arith.mulf %get3A_386, %mul3A_388 : vector<16xf32>
        %swap3A_390 = arith.index_cast %scan3A_179 : i32 to index
        %swap3A_391 = arith.constant 272 : index
        %swap3A_392 = tpu.vector_load %arg9[%swap3A_390, %swap3A_391] {strides = array<i32>} : memref<40x512xf32, #tpu.memory_space<vmem>>, vector<1x16xf32>,
        %swap3A_393 = vector.shape_cast %swap3A_392 : vector<1x16xf32> to vector<16xf32>
        %swap3A_394 = vector.shape_cast %mul3A_389 : vector<16xf32> to vector<1x16xf32>
        tpu.vector_store %arg9[%swap3A_390, %swap3A_391], %swap3A_394 {strides = array<i32>} : memref<40x512xf32, #tpu.memory_space<vmem>>, vector<1x16xf32>,
        %get3A_395 = arith.index_cast %scan3A_179 : i32 to index
        %get3A_396 = arith.constant 288 : index
        %get3A_397 = tpu.vector_load %arg9[%get3A_395, %get3A_396] {strides = array<i32>} : memref<40x512xf32, #tpu.memory_space<vmem>>, vector<1x16xf32>,
        %get3A_398 = vector.shape_cast %get3A_397 : vector<1x16xf32> to vector<16xf32>
        %mul3A_399 = arith.constant 22.6274166 : f32
        %mul3A_400 = vector.broadcast %mul3A_399 : f32 to vector<16xf32>
        %mul3A_401 = arith.mulf %get3A_398, %mul3A_400 : vector<16xf32>
        %swap3A_402 = arith.index_cast %scan3A_179 : i32 to index
        %swap3A_403 = arith.constant 288 : index
        %swap3A_404 = tpu.vector_load %arg9[%swap3A_402, %swap3A_403] {strides = array<i32>} : memref<40x512xf32, #tpu.memory_space<vmem>>, vector<1x16xf32>,
        %swap3A_405 = vector.shape_cast %swap3A_404 : vector<1x16xf32> to vector<16xf32>
        %swap3A_406 = vector.shape_cast %mul3A_401 : vector<16xf32> to vector<1x16xf32>
        tpu.vector_store %arg9[%swap3A_402, %swap3A_403], %swap3A_406 {strides = array<i32>} : memref<40x512xf32, #tpu.memory_space<vmem>>, vector<1x16xf32>,
        %get3A_407 = arith.index_cast %scan3A_179 : i32 to index
        %get3A_408 = arith.constant 304 : index
        %get3A_409 = tpu.vector_load %arg9[%get3A_407, %get3A_408] {strides = array<i32>} : memref<40x512xf32, #tpu.memory_space<vmem>>, vector<1x16xf32>,
        %get3A_410 = vector.shape_cast %get3A_409 : vector<1x16xf32> to vector<16xf32>
        %mul3A_411 = arith.constant 22.6274166 : f32
        %mul3A_412 = vector.broadcast %mul3A_411 : f32 to vector<16xf32>
        %mul3A_413 = arith.mulf %get3A_410, %mul3A_412 : vector<16xf32>
        %swap3A_414 = arith.index_cast %scan3A_179 : i32 to index
        %swap3A_415 = arith.constant 304 : index
        %swap3A_416 = tpu.vector_load %arg9[%swap3A_414, %swap3A_415] {strides = array<i32>} : memref<40x512xf32, #tpu.memory_space<vmem>>, vector<1x16xf32>,
        %swap3A_417 = vector.shape_cast %swap3A_416 : vector<1x16xf32> to vector<16xf32>
        %swap3A_418 = vector.shape_cast %mul3A_413 : vector<16xf32> to vector<1x16xf32>
        tpu.vector_store %arg9[%swap3A_414, %swap3A_415], %swap3A_418 {strides = array<i32>} : memref<40x512xf32, #tpu.memory_space<vmem>>, vector<1x16xf32>,
        %get3A_419 = arith.index_cast %scan3A_179 : i32 to index
        %get3A_420 = arith.constant 320 : index
        %get3A_421 = tpu.vector_load %arg9[%get3A_419, %get3A_420] {strides = array<i32>} : memref<40x512xf32, #tpu.memory_space<vmem>>, vector<1x16xf32>,
        %get3A_422 = vector.shape_cast %get3A_421 : vector<1x16xf32> to vector<16xf32>
        %mul3A_423 = arith.constant 22.6274166 : f32
        %mul3A_424 = vector.broadcast %mul3A_423 : f32 to vector<16xf32>
        %mul3A_425 = arith.mulf %get3A_422, %mul3A_424 : vector<16xf32>
        %swap3A_426 = arith.index_cast %scan3A_179 : i32 to index
        %swap3A_427 = arith.constant 320 : index
        %swap3A_428 = tpu.vector_load %arg9[%swap3A_426, %swap3A_427] {strides = array<i32>} : memref<40x512xf32, #tpu.memory_space<vmem>>, vector<1x16xf32>,
        %swap3A_429 = vector.shape_cast %swap3A_428 : vector<1x16xf32> to vector<16xf32>
        %swap3A_430 = vector.shape_cast %mul3A_425 : vector<16xf32> to vector<1x16xf32>
        tpu.vector_store %arg9[%swap3A_426, %swap3A_427], %swap3A_430 {strides = array<i32>} : memref<40x512xf32, #tpu.memory_space<vmem>>, vector<1x16xf32>,
        %get3A_431 = arith.index_cast %scan3A_179 : i32 to index
        %get3A_432 = arith.constant 336 : index
        %get3A_433 = tpu.vector_load %arg9[%get3A_431, %get3A_432] {strides = array<i32>} : memref<40x512xf32, #tpu.memory_space<vmem>>, vector<1x16xf32>,
        %get3A_434 = vector.shape_cast %get3A_433 : vector<1x16xf32> to vector<16xf32>
        %mul3A_435 = arith.constant 22.6274166 : f32
        %mul3A_436 = vector.broadcast %mul3A_435 : f32 to vector<16xf32>
        %mul3A_437 = arith.mulf %get3A_434, %mul3A_436 : vector<16xf32>
        %swap3A_438 = arith.index_cast %scan3A_179 : i32 to index
        %swap3A_439 = arith.constant 336 : index
        %swap3A_440 = tpu.vector_load %arg9[%swap3A_438, %swap3A_439] {strides = array<i32>} : memref<40x512xf32, #tpu.memory_space<vmem>>, vector<1x16xf32>,
        %swap3A_441 = vector.shape_cast %swap3A_440 : vector<1x16xf32> to vector<16xf32>
        %swap3A_442 = vector.shape_cast %mul3A_437 : vector<16xf32> to vector<1x16xf32>
        tpu.vector_store %arg9[%swap3A_438, %swap3A_439], %swap3A_442 {strides = array<i32>} : memref<40x512xf32, #tpu.memory_space<vmem>>, vector<1x16xf32>,
        %get3A_443 = arith.index_cast %scan3A_179 : i32 to index
        %get3A_444 = arith.constant 352 : index
        %get3A_445 = tpu.vector_load %arg9[%get3A_443, %get3A_444] {strides = array<i32>} : memref<40x512xf32, #tpu.memory_space<vmem>>, vector<1x16xf32>,
        %get3A_446 = vector.shape_cast %get3A_445 : vector<1x16xf32> to vector<16xf32>
        %mul3A_447 = arith.constant 22.6274166 : f32
        %mul3A_448 = vector.broadcast %mul3A_447 : f32 to vector<16xf32>
        %mul3A_449 = arith.mulf %get3A_446, %mul3A_448 : vector<16xf32>
        %swap3A_450 = arith.index_cast %scan3A_179 : i32 to index
        %swap3A_451 = arith.constant 352 : index
        %swap3A_452 = tpu.vector_load %arg9[%swap3A_450, %swap3A_451] {strides = array<i32>} : memref<40x512xf32, #tpu.memory_space<vmem>>, vector<1x16xf32>,
        %swap3A_453 = vector.shape_cast %swap3A_452 : vector<1x16xf32> to vector<16xf32>
        %swap3A_454 = vector.shape_cast %mul3A_449 : vector<16xf32> to vector<1x16xf32>
        tpu.vector_store %arg9[%swap3A_450, %swap3A_451], %swap3A_454 {strides = array<i32>} : memref<40x512xf32, #tpu.memory_space<vmem>>, vector<1x16xf32>,
        %get3A_455 = arith.index_cast %scan3A_179 : i32 to index
        %get3A_456 = arith.constant 368 : index
        %get3A_457 = tpu.vector_load %arg9[%get3A_455, %get3A_456] {strides = array<i32>} : memref<40x512xf32, #tpu.memory_space<vmem>>, vector<1x16xf32>,
        %get3A_458 = vector.shape_cast %get3A_457 : vector<1x16xf32> to vector<16xf32>
        %mul3A_459 = arith.constant 22.6274166 : f32
        %mul3A_460 = vector.broadcast %mul3A_459 : f32 to vector<16xf32>
        %mul3A_461 = arith.mulf %get3A_458, %mul3A_460 : vector<16xf32>
        %swap3A_462 = arith.index_cast %scan3A_179 : i32 to index
        %swap3A_463 = arith.constant 368 : index
        %swap3A_464 = tpu.vector_load %arg9[%swap3A_462, %swap3A_463] {strides = array<i32>} : memref<40x512xf32, #tpu.memory_space<vmem>>, vector<1x16xf32>,
        %swap3A_465 = vector.shape_cast %swap3A_464 : vector<1x16xf32> to vector<16xf32>
        %swap3A_466 = vector.shape_cast %mul3A_461 : vector<16xf32> to vector<1x16xf32>
        tpu.vector_store %arg9[%swap3A_462, %swap3A_463], %swap3A_466 {strides = array<i32>} : memref<40x512xf32, #tpu.memory_space<vmem>>, vector<1x16xf32>,
        %get3A_467 = arith.index_cast %scan3A_179 : i32 to index
        %get3A_468 = arith.constant 384 : index
        %get3A_469 = tpu.vector_load %arg9[%get3A_467, %get3A_468] {strides = array<i32>} : memref<40x512xf32, #tpu.memory_space<vmem>>, vector<1x16xf32>,
        %get3A_470 = vector.shape_cast %get3A_469 : vector<1x16xf32> to vector<16xf32>
        %mul3A_471 = arith.constant 22.6274166 : f32
        %mul3A_472 = vector.broadcast %mul3A_471 : f32 to vector<16xf32>
        %mul3A_473 = arith.mulf %get3A_470, %mul3A_472 : vector<16xf32>
        %swap3A_474 = arith.index_cast %scan3A_179 : i32 to index
        %swap3A_475 = arith.constant 384 : index
        %swap3A_476 = tpu.vector_load %arg9[%swap3A_474, %swap3A_475] {strides = array<i32>} : memref<40x512xf32, #tpu.memory_space<vmem>>, vector<1x16xf32>,
        %swap3A_477 = vector.shape_cast %swap3A_476 : vector<1x16xf32> to vector<16xf32>
        %swap3A_478 = vector.shape_cast %mul3A_473 : vector<16xf32> to vector<1x16xf32>
        tpu.vector_store %arg9[%swap3A_474, %swap3A_475], %swap3A_478 {strides = array<i32>} : memref<40x512xf32, #tpu.memory_space<vmem>>, vector<1x16xf32>,
        %get3A_479 = arith.index_cast %scan3A_179 : i32 to index
        %get3A_480 = arith.constant 400 : index
        %get3A_481 = tpu.vector_load %arg9[%get3A_479, %get3A_480] {strides = array<i32>} : memref<40x512xf32, #tpu.memory_space<vmem>>, vector<1x16xf32>,
        %get3A_482 = vector.shape_cast %get3A_481 : vector<1x16xf32> to vector<16xf32>
        %mul3A_483 = arith.constant 22.6274166 : f32
        %mul3A_484 = vector.broadcast %mul3A_483 : f32 to vector<16xf32>
        %mul3A_485 = arith.mulf %get3A_482, %mul3A_484 : vector<16xf32>
        %swap3A_486 = arith.index_cast %scan3A_179 : i32 to index
        %swap3A_487 = arith.constant 400 : index
        %swap3A_488 = tpu.vector_load %arg9[%swap3A_486, %swap3A_487] {strides = array<i32>} : memref<40x512xf32, #tpu.memory_space<vmem>>, vector<1x16xf32>,
        %swap3A_489 = vector.shape_cast %swap3A_488 : vector<1x16xf32> to vector<16xf32>
        %swap3A_490 = vector.shape_cast %mul3A_485 : vector<16xf32> to vector<1x16xf32>
        tpu.vector_store %arg9[%swap3A_486, %swap3A_487], %swap3A_490 {strides = array<i32>} : memref<40x512xf32, #tpu.memory_space<vmem>>, vector<1x16xf32>,
        %get3A_491 = arith.index_cast %scan3A_179 : i32 to index
        %get3A_492 = arith.constant 416 : index
        %get3A_493 = tpu.vector_load %arg9[%get3A_491, %get3A_492] {strides = array<i32>} : memref<40x512xf32, #tpu.memory_space<vmem>>, vector<1x16xf32>,
        %get3A_494 = vector.shape_cast %get3A_493 : vector<1x16xf32> to vector<16xf32>
        %mul3A_495 = arith.constant 22.6274166 : f32
        %mul3A_496 = vector.broadcast %mul3A_495 : f32 to vector<16xf32>
        %mul3A_497 = arith.mulf %get3A_494, %mul3A_496 : vector<16xf32>
        %swap3A_498 = arith.index_cast %scan3A_179 : i32 to index
        %swap3A_499 = arith.constant 416 : index
        %swap3A_500 = tpu.vector_load %arg9[%swap3A_498, %swap3A_499] {strides = array<i32>} : memref<40x512xf32, #tpu.memory_space<vmem>>, vector<1x16xf32>,
        %swap3A_501 = vector.shape_cast %swap3A_500 : vector<1x16xf32> to vector<16xf32>
        %swap3A_502 = vector.shape_cast %mul3A_497 : vector<16xf32> to vector<1x16xf32>
        tpu.vector_store %arg9[%swap3A_498, %swap3A_499], %swap3A_502 {strides = array<i32>} : memref<40x512xf32, #tpu.memory_space<vmem>>, vector<1x16xf32>,
        %get3A_503 = arith.index_cast %scan3A_179 : i32 to index
        %get3A_504 = arith.constant 432 : index
        %get3A_505 = tpu.vector_load %arg9[%get3A_503, %get3A_504] {strides = array<i32>} : memref<40x512xf32, #tpu.memory_space<vmem>>, vector<1x16xf32>,
        %get3A_506 = vector.shape_cast %get3A_505 : vector<1x16xf32> to vector<16xf32>
        %mul3A_507 = arith.constant 22.6274166 : f32
        %mul3A_508 = vector.broadcast %mul3A_507 : f32 to vector<16xf32>
        %mul3A_509 = arith.mulf %get3A_506, %mul3A_508 : vector<16xf32>
        %swap3A_510 = arith.index_cast %scan3A_179 : i32 to index
        %swap3A_511 = arith.constant 432 : index
        %swap3A_512 = tpu.vector_load %arg9[%swap3A_510, %swap3A_511] {strides = array<i32>} : memref<40x512xf32, #tpu.memory_space<vmem>>, vector<1x16xf32>,
        %swap3A_513 = vector.shape_cast %swap3A_512 : vector<1x16xf32> to vector<16xf32>
        %swap3A_514 = vector.shape_cast %mul3A_509 : vector<16xf32> to vector<1x16xf32>
        tpu.vector_store %arg9[%swap3A_510, %swap3A_511], %swap3A_514 {strides = array<i32>} : memref<40x512xf32, #tpu.memory_space<vmem>>, vector<1x16xf32>,
        %get3A_515 = arith.index_cast %scan3A_179 : i32 to index
        %get3A_516 = arith.constant 448 : index
        %get3A_517 = tpu.vector_load %arg9[%get3A_515, %get3A_516] {strides = array<i32>} : memref<40x512xf32, #tpu.memory_space<vmem>>, vector<1x16xf32>,
        %get3A_518 = vector.shape_cast %get3A_517 : vector<1x16xf32> to vector<16xf32>
        %mul3A_519 = arith.constant 22.6274166 : f32
        %mul3A_520 = vector.broadcast %mul3A_519 : f32 to vector<16xf32>
        %mul3A_521 = arith.mulf %get3A_518, %mul3A_520 : vector<16xf32>
        %swap3A_522 = arith.index_cast %scan3A_179 : i32 to index
        %swap3A_523 = arith.constant 448 : index
        %swap3A_524 = tpu.vector_load %arg9[%swap3A_522, %swap3A_523] {strides = array<i32>} : memref<40x512xf32, #tpu.memory_space<vmem>>, vector<1x16xf32>,
        %swap3A_525 = vector.shape_cast %swap3A_524 : vector<1x16xf32> to vector<16xf32>
        %swap3A_526 = vector.shape_cast %mul3A_521 : vector<16xf32> to vector<1x16xf32>
        tpu.vector_store %arg9[%swap3A_522, %swap3A_523], %swap3A_526 {strides = array<i32>} : memref<40x512xf32, #tpu.memory_space<vmem>>, vector<1x16xf32>,
        %get3A_527 = arith.index_cast %scan3A_179 : i32 to index
        %get3A_528 = arith.constant 464 : index
        %get3A_529 = tpu.vector_load %arg9[%get3A_527, %get3A_528] {strides = array<i32>} : memref<40x512xf32, #tpu.memory_space<vmem>>, vector<1x16xf32>,
        %get3A_530 = vector.shape_cast %get3A_529 : vector<1x16xf32> to vector<16xf32>
        %mul3A_531 = arith.constant 22.6274166 : f32
        %mul3A_532 = vector.broadcast %mul3A_531 : f32 to vector<16xf32>
        %mul3A_533 = arith.mulf %get3A_530, %mul3A_532 : vector<16xf32>
        %swap3A_534 = arith.index_cast %scan3A_179 : i32 to index
        %swap3A_535 = arith.constant 464 : index
        %swap3A_536 = tpu.vector_load %arg9[%swap3A_534, %swap3A_535] {strides = array<i32>} : memref<40x512xf32, #tpu.memory_space<vmem>>, vector<1x16xf32>,
        %swap3A_537 = vector.shape_cast %swap3A_536 : vector<1x16xf32> to vector<16xf32>
        %swap3A_538 = vector.shape_cast %mul3A_533 : vector<16xf32> to vector<1x16xf32>
        tpu.vector_store %arg9[%swap3A_534, %swap3A_535], %swap3A_538 {strides = array<i32>} : memref<40x512xf32, #tpu.memory_space<vmem>>, vector<1x16xf32>,
        %get3A_539 = arith.index_cast %scan3A_179 : i32 to index
        %get3A_540 = arith.constant 480 : index
        %get3A_541 = tpu.vector_load %arg9[%get3A_539, %get3A_540] {strides = array<i32>} : memref<40x512xf32, #tpu.memory_space<vmem>>, vector<1x16xf32>,
        %get3A_542 = vector.shape_cast %get3A_541 : vector<1x16xf32> to vector<16xf32>
        %mul3A_543 = arith.constant 22.6274166 : f32
        %mul3A_544 = vector.broadcast %mul3A_543 : f32 to vector<16xf32>
        %mul3A_545 = arith.mulf %get3A_542, %mul3A_544 : vector<16xf32>
        %swap3A_546 = arith.index_cast %scan3A_179 : i32 to index
        %swap3A_547 = arith.constant 480 : index
        %swap3A_548 = tpu.vector_load %arg9[%swap3A_546, %swap3A_547] {strides = array<i32>} : memref<40x512xf32, #tpu.memory_space<vmem>>, vector<1x16xf32>,
        %swap3A_549 = vector.shape_cast %swap3A_548 : vector<1x16xf32> to vector<16xf32>
        %swap3A_550 = vector.shape_cast %mul3A_545 : vector<16xf32> to vector<1x16xf32>
        tpu.vector_store %arg9[%swap3A_546, %swap3A_547], %swap3A_550 {strides = array<i32>} : memref<40x512xf32, #tpu.memory_space<vmem>>, vector<1x16xf32>,
        %get3A_551 = arith.index_cast %scan3A_179 : i32 to index
        %get3A_552 = arith.constant 496 : index
        %get3A_553 = tpu.vector_load %arg9[%get3A_551, %get3A_552] {strides = array<i32>} : memref<40x512xf32, #tpu.memory_space<vmem>>, vector<1x16xf32>,
        %get3A_554 = vector.shape_cast %get3A_553 : vector<1x16xf32> to vector<16xf32>
        %mul3A_555 = arith.constant 22.6274166 : f32
        %mul3A_556 = vector.broadcast %mul3A_555 : f32 to vector<16xf32>
        %mul3A_557 = arith.mulf %get3A_554, %mul3A_556 : vector<16xf32>
        %swap3A_558 = arith.index_cast %scan3A_179 : i32 to index
        %swap3A_559 = arith.constant 496 : index
        %swap3A_560 = tpu.vector_load %arg9[%swap3A_558, %swap3A_559] {strides = array<i32>} : memref<40x512xf32, #tpu.memory_space<vmem>>, vector<1x16xf32>,
        %swap3A_561 = vector.shape_cast %swap3A_560 : vector<1x16xf32> to vector<16xf32>
        %swap3A_562 = vector.shape_cast %mul3A_557 : vector<16xf32> to vector<1x16xf32>
        tpu.vector_store %arg9[%swap3A_558, %swap3A_559], %swap3A_562 {strides = array<i32>} : memref<40x512xf32, #tpu.memory_space<vmem>>, vector<1x16xf32>,
        %scan3A_563 = arith.constant 0 : i32
        scf.yield %scan3A_563 : i32
      }
      %scan3A_156 = arith.constant 40 : i32
      %sub3A_157 = arith.constant 1 : i32
      %sub3A_158 = arith.subi %add3A_143, %sub3A_157 : i32
      %mul3A_159 = arith.constant 40 : i32
      %mul3A_160 = arith.muli %sub3A_158, %mul3A_159 : i32
      %add3A_161 = arith.addi %mul3A_2, %mul3A_160 : i32
      %dma_wait3A_162 = arith.constant 0 : i32
      %dma_wait3A_163 = tpu.memref_slice %arg4[%add3A_161, %dma_wait3A_162] : memref<204800x512xf32, #tpu.memory_space<hbm>> -> memref<40x512xf32, #tpu.memory_space<hbm>>
      %dma_wait3A_164 = arith.constant 0 : i32
      %dma_wait3A_165 = tpu.memref_slice %arg4[%add3A_161, %dma_wait3A_164] : memref<204800x512xf32, #tpu.memory_space<hbm>> -> memref<40x512xf32, #tpu.memory_space<hbm>>
      tpu.wait_dma2 semaphore(%arg14 : memref<!tpu.dma_semaphore, #tpu.memory_space<semaphore_mem>>) src(%arg8 : memref<40x512xf32, #tpu.memory_space<vmem>>) dst(%dma_wait3A_165 : memref<40x512xf32, #tpu.memory_space<hbm>>)
      %mul3A_166 = arith.constant 40 : i32
      %mul3A_167 = arith.muli %add3A_143, %mul3A_166 : i32
      %add3A_168 = arith.addi %mul3A_2, %mul3A_167 : i32
      %dma_start3A_169 = arith.constant 0 : i32
      %dma_start3A_170 = tpu.memref_slice %arg4[%add3A_168, %dma_start3A_169] : memref<204800x512xf32, #tpu.memory_space<hbm>> -> memref<40x512xf32, #tpu.memory_space<hbm>>
      %dma_start3A_171 = arith.constant 0 : i32
      %dma_start3A_172 = tpu.memref_slice %arg4[%add3A_168, %dma_start3A_171] : memref<204800x512xf32, #tpu.memory_space<hbm>> -> memref<40x512xf32, #tpu.memory_space<hbm>>
      tpu.enqueue_dma source(%arg9 : memref<40x512xf32, #tpu.memory_space<vmem>>) target(%dma_start3A_172 : memref<40x512xf32, #tpu.memory_space<hbm>>) target_semaphore(%arg14 : memref<!tpu.dma_semaphore, #tpu.memory_space<semaphore_mem>>)
      %lt3A_173 = arith.constant 39 : i32
      %lt3A_174 = arith.cmpi slt, %scan3A_28, %lt3A_173 : i32
      %convert_element_type3A_175 = arith.extui %lt3A_174 : i1 to i32
      %cond3A_176 = arith.constant 0 : i32
      %cond3A_177 = arith.cmpi ne, %convert_element_type3A_175, %cond3A_176 : i32
      scf.if %cond3A_177 {
        %add3A_179 = arith.constant 4 : i32
        %add3A_180 = arith.addi %add3A_143, %add3A_179 : i32
        %sub3A_181 = arith.constant 1 : i32
        %sub3A_182 = arith.subi %add3A_180, %sub3A_181 : i32
        %mul3A_183 = arith.constant 40 : i32
        %mul3A_184 = arith.muli %sub3A_182, %mul3A_183 : i32
        %dma_start3A_185 = tpu.memref_slice %arg5[%mul3A_184] : memref<6400xi32, #tpu.memory_space<vmem>> -> memref<40xi32, #tpu.memory_space<vmem>>
        %dma_start3A_186 = arith.constant 0 : i32
        %dma_start3A_187 = arith.constant 0 : i32
        %dma_start3A_188 = tpu.memref_slice %arg3[%dma_start3A_186, %dma_start3A_187] : memref<100000x512xf32, #tpu.memory_space<hbm>> -> memref<100000x512xf32, #tpu.memory_space<hbm>>
        tpu.enqueue_indirect_dma source(%dma_start3A_188 : memref<100000x512xf32, #tpu.memory_space<hbm>>) target(%arg8 : memref<40x512xf32, #tpu.memory_space<vmem>>) offsets(%dma_start3A_185 : memref<40xi32, #tpu.memory_space<vmem>>) semaphore(%arg12 : memref<!tpu.dma_semaphore, #tpu.memory_space<semaphore_mem>>)
      } else {
      }
      %scan3A_178 = arith.constant 0 : i32
      scf.yield %scan3A_178 : i32
    }
    %scan3A_22 = arith.constant 40 : i32
    %add3A_23 = arith.constant 6360 : i32
    %add3A_24 = arith.addi %mul3A_2, %add3A_23 : i32
    %dma_wait3A = arith.constant 0 : i32
    %dma_wait3A_25 = tpu.memref_slice %arg4[%add3A_24, %dma_wait3A] : memref<204800x512xf32, #tpu.memory_space<hbm>> -> memref<40x512xf32, #tpu.memory_space<hbm>>
    %dma_wait3A_26 = arith.constant 0 : i32
    %dma_wait3A_27 = tpu.memref_slice %arg4[%add3A_24, %dma_wait3A_26] : memref<204800x512xf32, #tpu.memory_space<hbm>> -> memref<40x512xf32, #tpu.memory_space<hbm>>
    tpu.wait_dma2 semaphore(%arg14 : memref<!tpu.dma_semaphore, #tpu.memory_space<semaphore_mem>>) src(%arg9 : memref<40x512xf32, #tpu.memory_space<vmem>>) dst(%dma_wait3A_27 : memref<40x512xf32, #tpu.memory_space<hbm>>)
    return
  }
}

</mosaic_0001>

<sc_bundles>
// kernel: kernel.3.cloned.1.call-start
scs
__scs_entry_jumppad:
0x0: {  	(pc) =	sbr.rel $0x88, $3  }
0x1: {  	(tag) =	ssettag $0x0;
	lr =	simm.s32 $0x1  }
0x2: {  	[smem:$0x3F9F] =	sst lr;
	_ =	strace $0xD0000000  }
0x3: {  	_ = 	snop  }
0x4: {  	_ = 	snop  }
0x5: {  	_ = 	snop  }
0x6: {  	_ = 	snop  }
0x7: {  	_ = 	snop  }
__scs_overlays_trampoline_lowered:
0x8: {  	[smem:$0x3FAE] =	sst s0  }
0x9: {  	[smem:$0x3FAF] =	sst s1  }
0xa: {  	[smem:$0x3FB0] =	sst s2  }
0xb: {  	[smem:$0x3FB1] =	sst s3  }
0xc: {  	[smem:$0x3FB2] =	sst s4  }
0xd: {  	[smem:$0x3FB3] =	sst s5  }
0xe: {  	[smem:$0x3FB4] =	sst s6  }
0xf: {  	[smem:$0x3FB5] =	sst s7  }
0x10: {  	[smem:$0x3FB6] =	sst s8  }
0x11: {  	[smem:$0x3FB7] =	sst s9;
	s0 =	simm.s32 @!p0 $0x0  }
0x12: {  	s1 =	sld [smem:$0x3F9D];
	s0 =	simm.s32 @p0 $0x1  }
0x13: {  	[smem:$0x3FB8] =	sst s0;
	s0 =	simm.s32 @!p1 $0x0  }
0x14: {  	s2 =	sld [smem:$0x3F9C];
	s0 =	simm.s32 @p1 $0x1  }
0x15: {  	[smem:$0x3FB9] =	sst s0;
	s0 =	simm.s32 @!p2 $0x0  }
0x16: {  	s3 =	sld [smem:$0x3FDB];
	s0 =	simm.s32 @p2 $0x1  }
0x17: {  	s4 =	simm.s32 $0x1BF5;
	[smem:$0x3FBB] =	sst s0  }
0x18: {  	s0 =	sld [smem:$0x3F9E];
	_ =	swait.ge [sflag:s4], $0x0  }
0x19: {  	s7 =	sld [smem:$0x3F9F]  }
0x1a: {  	s8 =	sadd.s32 $0xFFFFE003, lr  }
0x1b: {  	s9 =	sadd.s32 $0xFFFFFEF7, lr;
	s5 =	simm.s32 $0xFFFFFFFF;
	p2 =	slt.u32 s8, $0xFFFFF086  }
0x1c: {  	p1 =	slt.u32 s9, $0xF7A;
	s5 =	simm.s32 @!p2 $0x0  }
0x1d: {  	s5 =	simm.s32 @p1 $0x1;
	p0 =	seq.s32 s7, s2  }
0x1e: {  	s7 =	smul.u32 @!p0 $0xF7A, s2;
	p2 =	seq.s32 @!p0 s5, $0x0  }
0x1f: {  	s9 =	smul.u32 $0xF7A, s1;
	s8 =	simm.s32 @!p0 $0x1BF5;
	p2 =	por !p2, p0  }
0x20: {  	[sflag:s8] =	ssyncset.s32 @!p0 $0xFFFFF086;
	s6 =	sadd.s32 @!p0 s3, s7;
	s7 =	simm.s32 @!p0 $0x108  }
0x21: {  	s3 =	sadd.s32 s3, s9;
	s6 =	sadd.s32 @!p0 $0x88, s6;
	s7 =	simm.s32 @p2 $0x1082  }
0x22: {  	[simem:s7], [sflag:s8] =	dma.local @!p0 [hbm:s6], $0xF7A  }
0x23: {  	s9 =	sor.u32 $0xD0000000, s2;
	s6 =	simm.s32 $0x108;
	_ =	swait.ge @!p0 [sflag:s8], $0x0  }
0x24: {  	s3 =	sadd.s32 $0x88, s3;
	s6 =	simm.s32 @!p1 $0x1082;
	[sflag:s4] =	ssyncset.s32 $0xFFFFF086  }
0x25: {  	[simem:s6], [sflag:s4] =	dma.local [hbm:s3], $0xF7A  }
0x26: {  	[smem:$0x3F9F] =	sst s1;
	(tag) =	ssettag s2;
	_ =	strace s9  }
0x27: {  	s1 =	sld [smem:$0x3FAF]  }
0x28: {  	s2 =	sld [smem:$0x3FB0]  }
0x29: {  	s4 =	sld [smem:$0x3FB2]  }
0x2a: {  	p0 =	seq.s32 s5, $0x0;
	s5 =	sld [smem:$0x3FB3]  }
0x2b: {  	s6 =	sld [smem:$0x3FB4]  }
0x2c: {  	s7 =	sld [smem:$0x3FB5]  }
0x2d: {  	s3 =	simm.s32 $0x108;
	s8 =	sld [smem:$0x3FB6]  }
0x2e: {  	s3 =	simm.s32 @!p0 $0x1082;
	s9 =	sld [smem:$0x3FB7]  }
0x2f: {  	lr =	sadd.s32 s0, s3;
	s0 =	sld [smem:$0x3FAE]  }
0x30: {  	s3 =	sld [smem:$0x3FB1]  }
0x31: {  	[smem:$0x3FBA] =	sst s10  }
0x32: {  	s10 =	sld [smem:$0x3FB8];
	_ =	sdelay $0x3  }
0x33: {  	p0 =	seq.s32 s10, $0x1;
	s10 =	sld [smem:$0x3FBA];
	_ =	sdelay $0x3  }
0x34: {  	[smem:$0x3FBA] =	sst s10  }
0x35: {  	s10 =	sld [smem:$0x3FB9];
	_ =	sdelay $0x3  }
0x36: {  	p1 =	seq.s32 s10, $0x1;
	s10 =	sld [smem:$0x3FBA];
	_ =	sdelay $0x3  }
0x37: {  	[smem:$0x3FBA] =	sst s10  }
0x38: {  	s10 =	sld [smem:$0x3FBB]  }
0x39: {  	_ = 	snop;
	(pc) =	sbr.ind lr, $3  }
0x3a: {  	_ = 	snop  }
0x3b: {  	_ = 	snop  }
0x3c: {  	p2 =	seq.s32 s10, $0x1;
	s10 =	sld [smem:$0x3FBA]  }
0x3d: {  	_ =	shalt  }
0x3e: {  	_ =	shalt  }
0x3f: {  	_ =	shalt  }
0x40: {  	_ =	shalt  }
0x41: {  	_ =	shalt  }
0x42: {  	_ =	shalt  }
0x43: {  	_ =	shalt  }
0x44: {  	_ =	shalt  }
0x45: {  	_ =	shalt  }
0x46: {  	_ =	shalt  }
0x47: {  	_ =	shalt  }
0x48: {  	_ =	shalt  }
0x49: {  	_ =	shalt  }
0x4a: {  	_ =	shalt  }
0x4b: {  	_ =	shalt  }
0x4c: {  	_ =	shalt  }
0x4d: {  	_ =	shalt  }
0x4e: {  	_ =	shalt  }
0x4f: {  	_ =	shalt  }
0x50: {  	_ =	shalt  }
0x51: {  	_ =	shalt  }
0x52: {  	_ =	shalt  }
0x53: {  	_ =	shalt  }
0x54: {  	_ =	shalt  }
0x55: {  	_ =	shalt  }
0x56: {  	_ =	shalt  }
0x57: {  	_ =	shalt  }
0x58: {  	_ =	shalt  }
0x59: {  	_ =	shalt  }
0x5a: {  	_ =	shalt  }
0x5b: {  	_ =	shalt  }
0x5c: {  	_ =	shalt  }
0x5d: {  	_ =	shalt  }
0x5e: {  	_ =	shalt  }
0x5f: {  	_ =	shalt  }
0x60: {  	_ =	shalt  }
0x61: {  	_ =	shalt  }
0x62: {  	_ =	shalt  }
0x63: {  	_ =	shalt  }
0x64: {  	_ =	shalt  }
0x65: {  	_ =	shalt  }
0x66: {  	_ =	shalt  }
0x67: {  	_ =	shalt  }
0x68: {  	_ =	shalt  }
0x69: {  	_ =	shalt  }
0x6a: {  	_ =	shalt  }
0x6b: {  	_ =	shalt  }
0x6c: {  	_ =	shalt  }
0x6d: {  	_ =	shalt  }
0x6e: {  	_ =	shalt  }
0x6f: {  	_ =	shalt  }
0x70: {  	_ =	shalt  }
0x71: {  	_ =	shalt  }
0x72: {  	_ =	shalt  }
0x73: {  	_ =	shalt  }
0x74: {  	_ =	shalt  }
0x75: {  	_ =	shalt  }
0x76: {  	_ =	shalt  }
0x77: {  	_ =	shalt  }
0x78: {  	_ =	shalt  }
0x79: {  	_ =	shalt  }
0x7a: {  	_ =	shalt  }
0x7b: {  	_ =	shalt  }
0x7c: {  	_ =	shalt  }
0x7d: {  	_ =	shalt  }
0x7e: {  	_ =	shalt  }
0x7f: {  	_ =	shalt  }
0x80: {  	_ =	shalt  }
0x81: {  	_ =	shalt  }
0x82: {  	_ =	shalt  }
0x83: {  	_ =	shalt  }
0x84: {  	_ =	shalt  }
0x85: {  	_ =	shalt  }
0x86: {  	_ =	shalt  }
0x87: {  	_ =	shalt  }
.Lfunc_end0:
.L_simem_size_0:
called_computation_lowered:
.L_overlay_start_0:
0x88: {  	s2 =	sld [smem:$0x3FD9]  }
0x89: {  	s3 =	sld [smem:$0x3FFE];
	_ =	sdelay $0x1  }
0x8a: {  	s1 =	srdreg.scid  }
0x8b: {  	s0 =	sand.u32 $0x1, s1  }
0x8c: {  	s17 =	sshll.u32 s0, $0xA;
	s2 =	sadd.s32 s3, s2  }
0x8d: {  	s2 =	sadd.s32 s2, s17  }
0x8e: {  	[smem:$0x3FC6] =	sst s2  }
0x8f: {  	_ = 	snop  }
0x90: {  	s2 =	sld [smem:$0x3FC8]  }
0x91: {  	s18 =	sld [smem:$0x3FD0];
	(tm) =	ssettm $0x1  }
0x92: {  	s4 =	sld [smem:$0x3FFB];
	_ =	sdelay $0x3  }
0x93: {  	_ =	strace s4  }
0x94: {  	s4 =	sld [smem:$0x3FFC];
	_ =	sdelay $0x3  }
0x95: {  	_ =	strace s4  }
0x96: {  	s4 =	sld [smem:$0x3FFD];
	_ =	sdelay $0x3  }
0x97: {  	_ =	strace s4  }
0x98: {  	_ =	strace $0x8FFFFFFF  }
0x99: {  	s19 =	sld [smem:$0x3FDB];
	_ =	sdelay $0x1  }
0x9a: {  	s5 =	simm.s32 $_scs_section_size  }
0x9b: {  	s6 =	simm.s32 $_size__tile_overlayer_lowered;
	s7 =	simm.s32 $_tile_overlayer_lowered  }
0x9c: {  	s22 =	simm.s32 $0x1BFF;
	s21 =	sshll.u32 s7, $0x1;
	s4 =	sadd.s32 s5, s19  }
0x9d: {  	s8 =	simm.s32 $0x0;
	s20 =	sshll.u32 s6, $0x1;
	s6 =	sadd.s32 s21, s4  }
0x9e: {  	[timem:s8], [sflag:s22] =	dma.local [hbm:s6], s20  }
0x9f: {  	_ =	swait.ge [sflag:s22], s20  }
0xa0: {  	s5 =	ssub.s32 $0x0, s20;
	[sflag:s22] =	ssyncset.done $0x0  }
0xa1: {  	[sflag:s22] =	ssyncadd.s32 s5;
	_ =	sdelay $0x1  }
0xa2: {  	s23 =	simm.s32 $0x1B8B  }
0xa3: {  	_ =	swait.ge [sflag:s23], $0x1  }
0xa4: {  	[sflag:s23] =	ssyncset.done $0x0  }
0xa5: {  	s25 =	simm.s32 $0x1B8E;
	s24 =	sld [smem:$0x3FFE];
	[sflag:s23] =	ssyncadd.s32 $0xFFFFFFFF  }
0xa6: {  	s26 =	simm.s32 $execute0_lowered;
	[smem:$0x3FD2] =	sst s25  }
0xa7: {  	s6 =	sshll.u32 s26, $0x1;
	_ =	strace $0x80000046;
	[dreg:$0x1] =	wrdreg $0xFFFFFFFF  }
0xa8: {  	s28 =	simm.s32 $_size_execute0_lowered;
	s4 =	sadd.s32 s4, s6;
	[dreg:$0x0] =	wrdreg $0x0  }
0xa9: {  	s6 =	sshll.u32 s28, $0x1;
	[dreg:$0x2] =	wrdreg s4  }
0xaa: {  	[dreg:$0x3] =	wrdreg s6  }
0xab: {  	[dreg:$0x4] =	wrdreg $0xC0  }
0xac: {  	_ =	task [dreg:s8], $0x5FFFF  }
0xad: {  	[dreg:$0x1] =	wrdreg $0xFFFFFFFF  }
0xae: {  	[dreg:$0x0] =	wrdreg $0x60  }
0xaf: {  	[dreg:$0x2] =	wrdreg s24  }
0xb0: {  	[dreg:$0x3] =	wrdreg s2  }
0xb1: {  	[dreg:$0x4] =	wrdreg s18  }
0xb2: {  	[dreg:$0x5] =	wrdreg $0x9  }
0xb3: {  	_ =	task.clear_ibuf [dreg:s8], $0x6FFFF;
	_ =	strace $0x90000046  }
0xb4: {  	s29 =	simm.s32 $0x9;
	_ =	strace $0x80000048  }
0xb5: {  	_ =	swait.ge [sflag:s29], $0x1  }
0xb6: {  	[sflag:s29] =	ssyncadd.s32 $0xFFFFFFFF  }
0xb7: {  	_ =	strace $0x90000048  }
0xb8: {  	_ =	sfence  }
0xb9: {  	s30 =	sld [smem:$0x0];
	_ =	sdelay $0x2  }
0xba: {  	s31 =	sshll.u32 s1, $0xD;
	s1 =	sshrl.u32 s1, $0x2  }
0xbb: {  	s3 =	sand.u32 $0x4000, s31;
	s1 =	sadd.s32 s1, s30  }
0xbc: {  	s0 =	sor.u32 s3, s0;
	s1 =	sshll.u32 s1, $0x11  }
0xbd: {  	s0 =	sor.u32 s1, s0  }
0xbe: {  	s0 =	sadd.s32 $0x8F2B, s0  }
0xbf: {  	[sflag:s0] =	ssyncadd.remote.s32 $0x1  }
0xc0: {  	_ =	sfence.sel $0xFFFF  }
0xc1: {  	[dreg:$0x0] =	wrdreg $0xFFFFFFFF;
	(pc) =	sbr.abs _section_cstart, $3  }
0xc2: {  	[dreg:$0x1] =	wrdreg $0xFFFFFFFF  }
0xc3: {  	_ =	task.clear_ibuf [dreg:s8], $0x2FFFF;
	_ =	strace $0x9FFFFFFF  }
0xc4: {  	(tm) =	ssettm $0x7FFFFFFF  }
0xc5: {  	_ =	shalt  }
tec
execute0_lowered:
.L_overlay_start_1:
0x0: {  	(tag) =	ssettag $0x1  }
0x1: {  	s0 =	srdreg.scid;
	s2 =	stileid.u32  }
0x2: {  	s1 =	rddreg [dreg:$0x0];
	s5 =	simm.s32 $0x0;
	s12 =	simm.s32 $0x1900  }
0x3: {  	s22 =	simm.s32 $0x6900;
	s23 =	simm.s32 $0x1;
	s24 =	simm.s32 $0x10900  }
0x4: {  	s29 =	simm.s32 $0x12900;
	s30 =	simm.s32 $0x13100;
	s31 =	simm.s32 $0x13900  }
0x5: {  	s10 =	simm.s32 $0x15100;
	s11 =	simm.s32 $0x2;
	s13 =	simm.s32 $0x5  }
0x6: {  	s14 =	simm.s32 $0x3;
	s3 =	sshll.u32 s2, $0x1;
	s2 =	rddreg [dreg:$0x1]  }
0x7: {  	s15 =	simm.s32 $0x4;
	s0 =	sand.u32 $0x1, s0;
	[smem:$0x7FF] =	sst s5  }
0x8: {  	s17 =	simm.s32 $0x0;
	s4 =	sor.u32 s0, s3;
	s3 =	rddreg [dreg:$0x2]  }
0x9: {  	s0 =	ssub.s32 $0x2, s0;
	_ =	strace $0x80000047;
	s4 =	smul.u32 $0x1900, s4  }
.Ltmp0:
0xa: {  	s7 =	sadd.s32 $0x100, s2;
	s28 =	sshrl.u32 s0, $0x1;
	(pc) =	sbr.rel .LBB2_1-.Ltmp0, $4  }
0xb: {  	s0 =	ssub.s32 s0, s28;
	s6 =	sshrl.u32 s4, $0x3;
	s8 =	sor.u32 $0x28, s4  }
0xc: {  	v2 =	vlaneseq.u32;
	s9 =	sor.u32 $0x50, s4;
	s0 =	smax.u32 s0, $0x1;
	s1 =	sadd.s32 s6, s1  }
0xd: {  	vm0 =	vmmov $0xffff;
	v1 =	vshrl.u32 v2, $0x3;
	[dreg:$0x5] =	wrdreg s0;
	s0 =	simm.s32 $0xB900;
	s1 =	sadd.s32 $0x400, s1  }
0xe: {  	v0 =	vand.u32 $0x7, v2;
	v2 =	vor.u32 $0x8, v2;
	v1 =	vmul.u32 $0x8, v1;
	s6 =	simm.s32 $0x14900;
	[dreg:$0x4] =	wrdreg s1;
	s1 =	simm.s32 $0x14100  }
.LBB2_12:
0xf: {  	_ =	swait.ge [sflag:s13], $0x5000  }
0x10: {  	s17 =	rddreg [dreg:$0x6]  }
0x11: {  	s16 =	rddreg [dreg:$0x5];
	s17 =	sadd.s32 $0x1, s17  }
0x12: {  	p0 =	sne.s32 s17, s16  }
.Ltmp1:
0x13: {  	_ = 	snop;
	(pc) =	sbr.rel @!p0 .LBB2_13-.Ltmp1, $3  }
0x14: {  	_ =	sdelay $0x1  }
0x15: {  	[sflag:s13] =	ssyncset.done $0x0  }
0x16: {  	[sflag:s13] =	ssyncadd.s32 $0xFFFFB000  }
.LBB2_1:
0x17: {  	[dreg:$0x6] =	wrdreg s17  }
0x18: {  	s16 =	rddreg [dreg:$0x4];
	s21 =	simm.s32 $0x6  }
0x19: {  	[tilespmem:s5], [sflag:$0x6] =	stream.linear.gather [hbm4b:s16+s5], $0x1900, $0x38;
	[tilespmem:$0x15900] =	vst v63  }
0x1a: {  	_ =	swait.ge [sflag:s21], $0x1900  }
0x1b: {  	[sflag:s21] =	ssyncset.done $0x0  }
0x1c: {  	[sflag:s21] =	ssyncadd.s32 $0xFFFFE700  }
0x1d: {  	v3 =	vld [tilespmem:$0x0];
	_ =	sdelay $0x4  }
0x1e: {  	v4 =	vshll.u32 v3, $0x2  }
0x1f: {  	v3 =	vand.u32 $0x7, v3;
	v4 =	vand.u32 $0xFFFFFFE0, v4  }
0x20: {  	v3 =	vor.u32 v3, v4  }
0x21: {  	v4 =	vperm.xlane v3, v0;
	_ =	sdelay $0x1  }
0x22: {  	v4 =	vadd.s32 v1, v4;
	_ =	sdelay $0x1  }
0x23: {  	v3 =	vperm.xlane v3, v2;
	_ =	sdelay $0x1  }
0x24: {  	v3 =	vadd.s32 v1, v3  }
0x25: {  	[tilespmem:s12], [sflag:$0x1] =	stream.indirect_vreg.gather [hbm4b:s2+s5], $0x80, v4, vm0, $0xb8;
	[tilespmem:$0x15900] =	vst v63  }
0x26: {  	s25 =	simm.s32 $0x2100  }
0x27: {  	[tilespmem:s25], [sflag:$0x1] =	stream.indirect_vreg.gather [hbm4b:s7+s5], $0x80, v4, vm0, $0xb8;
	[tilespmem:$0x15900] =	vst v63  }
0x28: {  	s26 =	simm.s32 $0x2900  }
0x29: {  	[tilespmem:s26], [sflag:$0x1] =	stream.indirect_vreg.gather [hbm4b:s2+s5], $0x80, v3, vm0, $0xb8;
	[tilespmem:$0x15900] =	vst v63  }
0x2a: {  	s28 =	simm.s32 $0x3100  }
0x2b: {  	[tilespmem:s28], [sflag:$0x1] =	stream.indirect_vreg.gather [hbm4b:s7+s5], $0x80, v3, vm0, $0xb8;
	[tilespmem:$0x15900] =	vst v63  }
0x2c: {  	v3 =	vld [tilespmem:$0x10];
	_ =	sdelay $0x4  }
0x2d: {  	v56 =	vshll.u32 v3, $0x2  }
0x2e: {  	v3 =	vand.u32 $0x7, v3;
	v4 =	vand.u32 $0xFFFFFFE0, v56  }
0x2f: {  	v3 =	vor.u32 v3, v4  }
0x30: {  	v4 =	vperm.xlane v3, v0;
	_ =	sdelay $0x1  }
0x31: {  	v4 =	vadd.s32 v1, v4;
	_ =	sdelay $0x1  }
0x32: {  	v3 =	vperm.xlane v3, v2;
	_ =	sdelay $0x1  }
0x33: {  	s17 =	simm.s32 $0x3900;
	v3 =	vadd.s32 v1, v3  }
0x34: {  	[tilespmem:s17], [sflag:$0x1] =	stream.indirect_vreg.gather [hbm4b:s2+s5], $0x80, v4, vm0, $0xb8;
	[tilespmem:$0x15900] =	vst v63  }
0x35: {  	s18 =	simm.s32 $0x4100  }
0x36: {  	[tilespmem:s18], [sflag:$0x1] =	stream.indirect_vreg.gather [hbm4b:s7+s5], $0x80, v4, vm0, $0xb8;
	[tilespmem:$0x15900] =	vst v63  }
0x37: {  	s19 =	simm.s32 $0x4900  }
0x38: {  	[tilespmem:s19], [sflag:$0x1] =	stream.indirect_vreg.gather [hbm4b:s2+s5], $0x80, v3, vm0, $0xb8;
	[tilespmem:$0x15900] =	vst v63  }
0x39: {  	s20 =	simm.s32 $0x5100  }
0x3a: {  	[tilespmem:s20], [sflag:$0x1] =	stream.indirect_vreg.gather [hbm4b:s7+s5], $0x80, v3, vm0, $0xb8;
	[tilespmem:$0x15900] =	vst v63  }
0x3b: {  	v3 =	vld.msk [tilespmem:$0x20], $0xff;
	_ =	sdelay $0x4  }
0x3c: {  	v57 =	vshll.u32 v3, $0x2  }
0x3d: {  	v3 =	vand.u32 $0x7, v3;
	v4 =	vand.u32 $0xFFFFFFE0, v57  }
0x3e: {  	v3 =	vor.u32 v3, v4  }
0x3f: {  	v3 =	vperm.xlane v3, v0;
	_ =	sdelay $0x1  }
0x40: {  	v3 =	vadd.s32 v1, v3;
	_ =	sdelay $0x3  }
0x41: {  	s21 =	simm.s32 $0x5900  }
0x42: {  	[tilespmem:s21], [sflag:$0x1] =	stream.indirect_vreg.gather [hbm4b:s2+s5], $0x80, v3, vm0, $0xb8;
	[tilespmem:$0x15900] =	vst v63  }
0x43: {  	s25 =	simm.s32 $0x6100  }
0x44: {  	[tilespmem:s25], [sflag:$0x1] =	stream.indirect_vreg.gather [hbm4b:s7+s5], $0x80, v3, vm0, $0xb8;
	[tilespmem:$0x15900] =	vst v63  }
0x45: {  	v3 =	vld [tilespmem:$0x28];
	_ =	sdelay $0x4  }
0x46: {  	v58 =	vshll.u32 v3, $0x2  }
0x47: {  	v3 =	vand.u32 $0x7, v3;
	v4 =	vand.u32 $0xFFFFFFE0, v58  }
0x48: {  	v3 =	vor.u32 v3, v4  }
0x49: {  	v4 =	vperm.xlane v3, v0;
	_ =	sdelay $0x1  }
0x4a: {  	v4 =	vadd.s32 v1, v4;
	_ =	sdelay $0x1  }
0x4b: {  	v3 =	vperm.xlane v3, v2;
	_ =	sdelay $0x1  }
0x4c: {  	v3 =	vadd.s32 v1, v3  }
0x4d: {  	[tilespmem:s22], [sflag:$0x2] =	stream.indirect_vreg.gather [hbm4b:s2+s5], $0x80, v4, vm0, $0xb8;
	[tilespmem:$0x15900] =	vst v63  }
0x4e: {  	s26 =	simm.s32 $0x7100  }
0x4f: {  	[tilespmem:s26], [sflag:$0x2] =	stream.indirect_vreg.gather [hbm4b:s7+s5], $0x80, v4, vm0, $0xb8;
	[tilespmem:$0x15900] =	vst v63  }
0x50: {  	s28 =	simm.s32 $0x7900  }
0x51: {  	[tilespmem:s28], [sflag:$0x2] =	stream.indirect_vreg.gather [hbm4b:s2+s5], $0x80, v3, vm0, $0xb8;
	[tilespmem:$0x15900] =	vst v63  }
0x52: {  	s17 =	simm.s32 $0x8100  }
0x53: {  	[tilespmem:s17], [sflag:$0x2] =	stream.indirect_vreg.gather [hbm4b:s7+s5], $0x80, v3, vm0, $0xb8;
	[tilespmem:$0x15900] =	vst v63  }
0x54: {  	v3 =	vld [tilespmem:$0x38];
	_ =	sdelay $0x4  }
0x55: {  	v59 =	vshll.u32 v3, $0x2  }
0x56: {  	v3 =	vand.u32 $0x7, v3;
	v4 =	vand.u32 $0xFFFFFFE0, v59  }
0x57: {  	v3 =	vor.u32 v3, v4  }
0x58: {  	v4 =	vperm.xlane v3, v0;
	_ =	sdelay $0x1  }
0x59: {  	v4 =	vadd.s32 v1, v4;
	_ =	sdelay $0x1  }
0x5a: {  	v3 =	vperm.xlane v3, v2;
	_ =	sdelay $0x1  }
0x5b: {  	s18 =	simm.s32 $0x8900;
	v3 =	vadd.s32 v1, v3  }
0x5c: {  	[tilespmem:s18], [sflag:$0x2] =	stream.indirect_vreg.gather [hbm4b:s2+s5], $0x80, v4, vm0, $0xb8;
	[tilespmem:$0x15900] =	vst v63  }
0x5d: {  	s19 =	simm.s32 $0x9100  }
0x5e: {  	[tilespmem:s19], [sflag:$0x2] =	stream.indirect_vreg.gather [hbm4b:s7+s5], $0x80, v4, vm0, $0xb8;
	[tilespmem:$0x15900] =	vst v63  }
0x5f: {  	s20 =	simm.s32 $0x9900  }
0x60: {  	[tilespmem:s20], [sflag:$0x2] =	stream.indirect_vreg.gather [hbm4b:s2+s5], $0x80, v3, vm0, $0xb8;
	[tilespmem:$0x15900] =	vst v63  }
0x61: {  	s21 =	simm.s32 $0xA100  }
0x62: {  	[tilespmem:s21], [sflag:$0x2] =	stream.indirect_vreg.gather [hbm4b:s7+s5], $0x80, v3, vm0, $0xb8;
	[tilespmem:$0x15900] =	vst v63  }
0x63: {  	v3 =	vld.msk [tilespmem:$0x48], $0xff;
	_ =	sdelay $0x4  }
0x64: {  	v60 =	vshll.u32 v3, $0x2  }
0x65: {  	v3 =	vand.u32 $0x7, v3;
	v4 =	vand.u32 $0xFFFFFFE0, v60  }
0x66: {  	v3 =	vor.u32 v3, v4  }
0x67: {  	v3 =	vperm.xlane v3, v0;
	_ =	sdelay $0x1  }
0x68: {  	v3 =	vadd.s32 v1, v3;
	_ =	sdelay $0x3  }
0x69: {  	s25 =	simm.s32 $0xA900  }
0x6a: {  	[tilespmem:s25], [sflag:$0x2] =	stream.indirect_vreg.gather [hbm4b:s2+s5], $0x80, v3, vm0, $0xb8;
	[tilespmem:$0x15900] =	vst v63  }
0x6b: {  	s26 =	simm.s32 $0xB100  }
0x6c: {  	[tilespmem:s26], [sflag:$0x2] =	stream.indirect_vreg.gather [hbm4b:s7+s5], $0x80, v3, vm0, $0xb8;
	[tilespmem:$0x15900] =	vst v63  }
0x6d: {  	v3 =	vld [tilespmem:$0x50];
	_ =	sdelay $0x4  }
0x6e: {  	v61 =	vshll.u32 v3, $0x2  }
0x6f: {  	v3 =	vand.u32 $0x7, v3;
	v4 =	vand.u32 $0xFFFFFFE0, v61  }
0x70: {  	v3 =	vor.u32 v3, v4  }
0x71: {  	v4 =	vperm.xlane v3, v0;
	_ =	sdelay $0x1  }
0x72: {  	v4 =	vadd.s32 v1, v4;
	_ =	sdelay $0x1  }
0x73: {  	v3 =	vperm.xlane v3, v2;
	_ =	sdelay $0x1  }
0x74: {  	v3 =	vadd.s32 v1, v3  }
0x75: {  	[tilespmem:s0], [sflag:$0x3] =	stream.indirect_vreg.gather [hbm4b:s2+s5], $0x80, v4, vm0, $0xb8;
	[tilespmem:$0x15900] =	vst v63  }
0x76: {  	s28 =	simm.s32 $0xC100  }
0x77: {  	[tilespmem:s28], [sflag:$0x3] =	stream.indirect_vreg.gather [hbm4b:s7+s5], $0x80, v4, vm0, $0xb8;
	[tilespmem:$0x15900] =	vst v63  }
0x78: {  	s17 =	simm.s32 $0xC900  }
0x79: {  	[tilespmem:s17], [sflag:$0x3] =	stream.indirect_vreg.gather [hbm4b:s2+s5], $0x80, v3, vm0, $0xb8;
	[tilespmem:$0x15900] =	vst v63  }
0x7a: {  	s18 =	simm.s32 $0xD100  }
0x7b: {  	[tilespmem:s18], [sflag:$0x3] =	stream.indirect_vreg.gather [hbm4b:s7+s5], $0x80, v3, vm0, $0xb8;
	[tilespmem:$0x15900] =	vst v63  }
0x7c: {  	v3 =	vld [tilespmem:$0x60];
	_ =	sdelay $0x4  }
0x7d: {  	v62 =	vshll.u32 v3, $0x2  }
0x7e: {  	v3 =	vand.u32 $0x7, v3;
	v4 =	vand.u32 $0xFFFFFFE0, v62  }
0x7f: {  	v3 =	vor.u32 v3, v4  }
0x80: {  	v4 =	vperm.xlane v3, v0;
	_ =	sdelay $0x1  }
0x81: {  	v4 =	vadd.s32 v1, v4;
	_ =	sdelay $0x1  }
0x82: {  	v3 =	vperm.xlane v3, v2;
	_ =	sdelay $0x1  }
0x83: {  	s19 =	simm.s32 $0xD900;
	v3 =	vadd.s32 v1, v3  }
0x84: {  	[tilespmem:s19], [sflag:$0x3] =	stream.indirect_vreg.gather [hbm4b:s2+s5], $0x80, v4, vm0, $0xb8;
	[tilespmem:$0x15900] =	vst v63  }
0x85: {  	s20 =	simm.s32 $0xE100  }
0x86: {  	[tilespmem:s20], [sflag:$0x3] =	stream.indirect_vreg.gather [hbm4b:s7+s5], $0x80, v4, vm0, $0xb8;
	[tilespmem:$0x15900] =	vst v63  }
0x87: {  	s21 =	simm.s32 $0xE900  }
0x88: {  	[tilespmem:s21], [sflag:$0x3] =	stream.indirect_vreg.gather [hbm4b:s2+s5], $0x80, v3, vm0, $0xb8;
	[tilespmem:$0x15900] =	vst v63  }
0x89: {  	s25 =	simm.s32 $0xF100  }
0x8a: {  	[tilespmem:s25], [sflag:$0x3] =	stream.indirect_vreg.gather [hbm4b:s7+s5], $0x80, v3, vm0, $0xb8;
	[tilespmem:$0x15900] =	vst v63  }
0x8b: {  	v3 =	vld.msk [tilespmem:$0x70], $0xff;
	_ =	sdelay $0x4  }
0x8c: {  	v63 =	vshll.u32 v3, $0x2  }
0x8d: {  	v3 =	vand.u32 $0x7, v3;
	v4 =	vand.u32 $0xFFFFFFE0, v63  }
0x8e: {  	v3 =	vor.u32 v3, v4  }
0x8f: {  	v3 =	vperm.xlane v3, v0;
	_ =	sdelay $0x1  }
0x90: {  	v3 =	vadd.s32 v1, v3;
	_ =	sdelay $0x3  }
0x91: {  	s26 =	simm.s32 $0xF900  }
0x92: {  	[tilespmem:s26], [sflag:$0x3] =	stream.indirect_vreg.gather [hbm4b:s2+s5], $0x80, v3, vm0, $0xb8;
	[tilespmem:$0x15900] =	vst v63  }
0x93: {  	s16 =	simm.s32 $0x0;
	s28 =	simm.s32 $0x10100  }
0x94: {  	[tilespmem:s28], [sflag:$0x3] =	stream.indirect_vreg.gather [hbm4b:s7+s5], $0x80, v3, vm0, $0xb8;
	[tilespmem:$0x15900] =	vst v63  }
.LBB2_2:
0x95: {  	_ =	swait.ge [sflag:s23], $0x5000;
	s17 =	simm.s32 $0x0  }
0x96: {  	[sflag:s23] =	ssyncset.done $0x0;
	s18 =	sand.u32 $0x7000, s17;
	s17 =	sand.u32 $0x380, s17  }
0x97: {  	[sflag:s23] =	ssyncadd.s32 $0xFFFFB000;
	s17 =	sor.u32 s17, s18  }
0x98: {  	v3 =	vld [tilespmem:s17+$0x1D70]  }
0x99: {  	v4 =	vld [tilespmem:s17+$0x2100]  }
0x9a: {  	v5 =	vld [tilespmem:s17+$0x2110]  }
0x9b: {  	v6 =	vld [tilespmem:s17+$0x1D60]  }
0x9c: {  	v7 =	vld [tilespmem:s17+$0x1D50]  }
0x9d: {  	v8 =	vld [tilespmem:s17+$0x2120]  }
0x9e: {  	v9 =	vld [tilespmem:s17+$0x1D40]  }
0x9f: {  	v10 =	vld [tilespmem:s17+$0x2570]  }
0xa0: {  	v11 =	vld [tilespmem:s17+$0x2510]  }
0xa1: {  	v12 =	vld [tilespmem:s17+$0x2550]  }
0xa2: {  	v16 =	vld [tilespmem:s17+$0x2130]  }
0xa3: {  	v17 =	vld [tilespmem:s17+$0x2140]  }
0xa4: {  	v14 =	vld [tilespmem:s17+$0x2500]  }
0xa5: {  	v13 =	vld [tilespmem:s17+$0x2540]  }
0xa6: {  	v15 =	vld [tilespmem:s17+$0x1D30];
	v11 =	vmul.f32 $2.262741660e+01, v11  }
0xa7: {  	v18 =	vld [tilespmem:s17+$0x1D20];
	v10 =	vmul.f32 $2.262741660e+01, v10  }
0xa8: {  	v19 =	vld [tilespmem:s17+$0x1D10];
	v12 =	vmul.f32 $2.262741660e+01, v12;
	[tilespmem:s17+$0x2510] =	vst v11  }
0xa9: {  	v20 =	vld [tilespmem:s17+$0x1960];
	v14 =	vmul.f32 $2.262741660e+01, v14;
	[tilespmem:s17+$0x2570] =	vst v10  }
0xaa: {  	v24 =	vld [tilespmem:s17+$0x1900];
	v11 =	vmul.f32 $2.262741660e+01, v13;
	[tilespmem:s17+$0x2550] =	vst v12  }
0xab: {  	v15 =	vmul.f32 $2.262741660e+01, v15;
	v10 =	vld [tilespmem:s17+$0x2520];
	[tilespmem:s17+$0x2500] =	vst v14  }
0xac: {  	v13 =	vld [tilespmem:s17+$0x1D00];
	[tilespmem:s17+$0x2540] =	vst v11;
	v11 =	vmul.f32 $2.262741660e+01, v18  }
0xad: {  	v12 =	vld [tilespmem:s17+$0x1970];
	[tilespmem:s17+$0x1D30] =	vst v15;
	v18 =	vmul.f32 $2.262741660e+01, v9;
	v9 =	vmul.f32 $2.262741660e+01, v19  }
0xae: {  	v22 =	vld [tilespmem:s17+$0x2160];
	v21 =	vmul.f32 $2.262741660e+01, v7;
	v20 =	vmul.f32 $2.262741660e+01, v20;
	[tilespmem:s17+$0x1D20] =	vst v11  }
0xaf: {  	v19 =	vld [tilespmem:s17+$0x2150];
	v11 =	vmul.f32 $2.262741660e+01, v6;
	[tilespmem:s17+$0x1D10] =	vst v9;
	v9 =	vmul.f32 $2.262741660e+01, v8  }
0xb0: {  	v23 =	vld [tilespmem:s17+$0x2170];
	[tilespmem:s17+$0x1960] =	vst v20;
	v8 =	vmul.f32 $2.262741660e+01, v24;
	v7 =	vmul.f32 $2.262741660e+01, v10  }
0xb1: {  	v14 =	vld [tilespmem:s17+$0x1910];
	[tilespmem:s17+$0x1D50] =	vst v21;
	v6 =	vmul.f32 $2.262741660e+01, v13;
	v10 =	vmul.f32 $2.262741660e+01, v3  }
0xb2: {  	v15 =	vld [tilespmem:s17+$0x1940];
	[tilespmem:s17+$0x1D40] =	vst v18;
	v3 =	vmul.f32 $2.262741660e+01, v12;
	v12 =	vmul.f32 $2.262741660e+01, v4  }
0xb3: {  	v13 =	vmul.f32 $2.262741660e+01, v5;
	v4 =	vmul.f32 $2.262741660e+01, v16;
	v16 =	vld [tilespmem:s17+$0x1920];
	[tilespmem:s17+$0x2520] =	vst v7  }
0xb4: {  	[tilespmem:s17+$0x1D00] =	vst v6;
	v7 =	vmul.f32 $2.262741660e+01, v17;
	v5 =	vmul.f32 $2.262741660e+01, v19;
	v17 =	vld [tilespmem:s17+$0x1930]  }
0xb5: {  	s19 =	simm.s32 $0x80;
	s18 =	simm.s32 $0x200;
	v18 =	vld [tilespmem:s17+$0x2530];
	[tilespmem:s17+$0x1970] =	vst v3;
	v6 =	vmul.f32 $2.262741660e+01, v22;
	v3 =	vmul.f32 $2.262741660e+01, v23  }
.LBB2_3:
0xb6: {  	s20 =	sand.u32 $0x7000, s18;
	s21 =	sand.u32 $0x380, s19;
	v14 =	vmul.f32 $2.262741660e+01, v14;
	[tilespmem:s17+$0x1D60] =	vst v11;
	v11 =	vld [tilespmem:s17+$0x2560]  }
0xb7: {  	p0 =	sne.s32 s18, $0x4E00;
	s18 =	sadd.s32 $0x200, s18;
	s20 =	sor.u32 s21, s20;
	v15 =	vmul.f32 $2.262741660e+01, v15;
	v19 =	vld [tilespmem:s17+$0x1950];
	[tilespmem:s17+$0x1D70] =	vst v10  }
0xb8: {  	v10 =	vld [tilespmem:s20+$0x1D70];
	v16 =	vmul.f32 $2.262741660e+01, v16;
	[tilespmem:s17+$0x2100] =	vst v12  }
0xb9: {  	v12 =	vld [tilespmem:s20+$0x2100];
	v17 =	vmul.f32 $2.262741660e+01, v17;
	[tilespmem:s17+$0x2110] =	vst v13  }
0xba: {  	v13 =	vld [tilespmem:s20+$0x2110];
	[tilespmem:s17+$0x1920] =	vst v16;
	v16 =	vmul.f32 $2.262741660e+01, v18  }
0xbb: {  	v18 =	vld [tilespmem:s20+$0x1D60];
	[tilespmem:s17+$0x1930] =	vst v17;
	v11 =	vmul.f32 $2.262741660e+01, v11  }
0xbc: {  	v17 =	vld [tilespmem:s20+$0x1D50];
	v19 =	vmul.f32 $2.262741660e+01, v19;
	[tilespmem:s17+$0x2120] =	vst v9  }
0xbd: {  	v9 =	vld [tilespmem:s20+$0x2120];
	[tilespmem:s17+$0x2530] =	vst v16  }
0xbe: {  	v16 =	vld [tilespmem:s20+$0x1D40];
	[tilespmem:s17+$0x1950] =	vst v19  }
0xbf: {  	v19 =	vld [tilespmem:s20+$0x2570];
	[tilespmem:s17+$0x1940] =	vst v15  }
0xc0: {  	v15 =	vld [tilespmem:s20+$0x2510];
	[tilespmem:s17+$0x2560] =	vst v11  }
0xc1: {  	v11 =	vld [tilespmem:s20+$0x2550];
	[tilespmem:s17+$0x2130] =	vst v4  }
0xc2: {  	v4 =	vld [tilespmem:s20+$0x2130];
	[tilespmem:s17+$0x2140] =	vst v7  }
0xc3: {  	v7 =	vld [tilespmem:s20+$0x2140];
	[tilespmem:s17+$0x1910] =	vst v14  }
0xc4: {  	v14 =	vld [tilespmem:s20+$0x2540];
	[tilespmem:s17+$0x2150] =	vst v5  }
0xc5: {  	v19 =	vmul.f32 $2.262741660e+01, v19;
	v5 =	vld [tilespmem:s20+$0x2500];
	[tilespmem:s17+$0x2160] =	vst v6  }
0xc6: {  	v6 =	vld [tilespmem:s20+$0x1D30];
	[tilespmem:s17+$0x1900] =	vst v8  }
0xc7: {  	v15 =	vmul.f32 $2.262741660e+01, v15;
	v8 =	vld [tilespmem:s20+$0x1D20];
	[tilespmem:s17+$0x2170] =	vst v3;
	s17 =	smov.u32 s20  }
0xc8: {  	v11 =	vmul.f32 $2.262741660e+01, v11;
	v3 =	vld [tilespmem:s17+$0x1D10];
	[tilespmem:s17+$0x2570] =	vst v19  }
0xc9: {  	v19 =	vmul.f32 $2.262741660e+01, v16;
	[tilespmem:s17+$0x2510] =	vst v15;
	v15 =	vld [tilespmem:s17+$0x2520];
	v14 =	vmul.f32 $2.262741660e+01, v14  }
0xca: {  	v20 =	vmul.f32 $2.262741660e+01, v17;
	v16 =	vld [tilespmem:s17+$0x1D00];
	v5 =	vmul.f32 $2.262741660e+01, v5;
	[tilespmem:s17+$0x2550] =	vst v11  }
0xcb: {  	v11 =	vmul.f32 $2.262741660e+01, v18;
	v17 =	vld [tilespmem:s17+$0x1970];
	v6 =	vmul.f32 $2.262741660e+01, v6;
	[tilespmem:s17+$0x2540] =	vst v14  }
0xcc: {  	v10 =	vmul.f32 $2.262741660e+01, v10;
	v18 =	vld [tilespmem:s17+$0x1960];
	v8 =	vmul.f32 $2.262741660e+01, v8;
	[tilespmem:s17+$0x2500] =	vst v5  }
0xcd: {  	v12 =	vmul.f32 $2.262741660e+01, v12;
	v3 =	vmul.f32 $2.262741660e+01, v3;
	[tilespmem:s17+$0x1D30] =	vst v6;
	v5 =	vld [tilespmem:s17+$0x2150]  }
0xce: {  	v13 =	vmul.f32 $2.262741660e+01, v13;
	[tilespmem:s17+$0x1D20] =	vst v8;
	v6 =	vld [tilespmem:s17+$0x2160];
	v8 =	vmul.f32 $2.262741660e+01, v15  }
0xcf: {  	v9 =	vmul.f32 $2.262741660e+01, v9;
	v15 =	vmul.f32 $2.262741660e+01, v16;
	[tilespmem:s17+$0x1D10] =	vst v3;
	v3 =	vld [tilespmem:s17+$0x2170]  }
0xd0: {  	v4 =	vmul.f32 $2.262741660e+01, v4;
	v21 =	vld [tilespmem:s17+$0x1900];
	v16 =	vmul.f32 $2.262741660e+01, v17;
	[tilespmem:s17+$0x2520] =	vst v8  }
.Ltmp2:
0xd1: {  	v7 =	vmul.f32 $2.262741660e+01, v7;
	v14 =	vld [tilespmem:s17+$0x1910];
	v8 =	vmul.f32 $2.262741660e+01, v18;
	[tilespmem:s17+$0x1D00] =	vst v15;
	(pc) =	sbr.rel @p0 .LBB2_3-.Ltmp2, $4  }
0xd2: {  	v15 =	vld [tilespmem:s17+$0x1940];
	[tilespmem:s17+$0x1970] =	vst v16;
	v5 =	vmul.f32 $2.262741660e+01, v5  }
0xd3: {  	v16 =	vld [tilespmem:s17+$0x1920];
	[tilespmem:s17+$0x1960] =	vst v8;
	v6 =	vmul.f32 $2.262741660e+01, v6  }
0xd4: {  	v17 =	vld [tilespmem:s17+$0x1930];
	[tilespmem:s17+$0x1D40] =	vst v19;
	v3 =	vmul.f32 $2.262741660e+01, v3  }
0xd5: {  	s19 =	sadd.s32 $0x80, s19;
	v8 =	vmul.f32 $2.262741660e+01, v21;
	[tilespmem:s17+$0x1D50] =	vst v20;
	v18 =	vld [tilespmem:s17+$0x2530]  }
0xd6: {  	[tilespmem:s17+$0x1D60] =	vst v11  }
0xd7: {  	[tilespmem:s17+$0x1D70] =	vst v10  }
0xd8: {  	[tilespmem:s17+$0x2100] =	vst v12  }
0xd9: {  	[tilespmem:s17+$0x2110] =	vst v13  }
0xda: {  	[tilespmem:s17+$0x2120] =	vst v9  }
0xdb: {  	[tilespmem:s17+$0x2130] =	vst v4  }
0xdc: {  	[tilespmem:s17+$0x2140] =	vst v7  }
0xdd: {  	[tilespmem:s17+$0x2150] =	vst v5  }
0xde: {  	[tilespmem:s17+$0x2160] =	vst v6  }
0xdf: {  	v11 =	vld [tilespmem:s17+$0x1950];
	[tilespmem:s17+$0x2170] =	vst v3;
	v9 =	vmul.f32 $2.262741660e+01, v15  }
0xe0: {  	v12 =	vld [tilespmem:s17+$0x2560];
	[tilespmem:s17+$0x1900] =	vst v8;
	v10 =	vmul.f32 $2.262741660e+01, v16  }
0xe1: {  	v16 =	vmul.f32 $2.262741660e+01, v17;
	[tilespmem:s17+$0x1940] =	vst v9  }
0xe2: {  	v9 =	vmul.f32 $2.262741660e+01, v14;
	[tilespmem:s17+$0x1920] =	vst v10  }
0xe3: {  	v10 =	vmul.f32 $2.262741660e+01, v18;
	[tilespmem:s17+$0x1930] =	vst v16  }
0xe4: {  	v11 =	vmul.f32 $2.262741660e+01, v11;
	[tilespmem:s17+$0x1910] =	vst v9  }
0xe5: {  	[tilespmem:s17+$0x2530] =	vst v10;
	v10 =	vmul.f32 $2.262741660e+01, v12  }
0xe6: {  	p0 =	seq.s32 s16, $0x0;
	s18 =	smul.u32 $0xA0, s16;
	[tilespmem:s17+$0x1950] =	vst v11  }
0xe7: {  	[tilespmem:s17+$0x2560] =	vst v10;
	s17 =	simm.s32 @!p0 $0x5  }
0xe8: {  	s19 =	sadd.s32 s4, s18;
	_ =	swait.ge @!p0 [sflag:s17], $0x5000  }
0xe9: {  	s19 =	sshll.u32 s19, $0x6;
	[sflag:s17] =	ssyncset.done @!p0 $0x0  }
0xea: {  	s20 =	simm.s32 $0x0;
	s19 =	sadd.s32 s3, s19;
	[sflag:s17] =	ssyncadd.s32 @!p0 $0xFFFFB000  }
0xeb: {  	[hbm4b:s19+s20] =	stream.linear.scatter [tilespmem:s12], [sflag:$0x5], $0x5000, $0x38;
	[tilespmem:$0x15900] =	vst v63  }
0xec: {  	v3 =	vld [tilespmem:s18+$0x78];
	_ =	sdelay $0x4  }
0xed: {  	v4 =	vshll.u32 v3, $0x2  }
0xee: {  	v3 =	vand.u32 $0x7, v3;
	v4 =	vand.u32 $0xFFFFFFE0, v4  }
0xef: {  	v3 =	vor.u32 v3, v4  }
0xf0: {  	v4 =	vperm.xlane v3, v0;
	_ =	sdelay $0x1  }
0xf1: {  	v4 =	vadd.s32 v1, v4;
	_ =	sdelay $0x1  }
0xf2: {  	v3 =	vperm.xlane v3, v2;
	_ =	sdelay $0x1  }
0xf3: {  	v3 =	vadd.s32 v1, v3  }
0xf4: {  	[tilespmem:s24], [sflag:$0x4] =	stream.indirect_vreg.gather [hbm4b:s2+s20], $0x80, v4, vm0, $0xb8;
	[tilespmem:$0x15900] =	vst v63  }
0xf5: {  	s21 =	simm.s32 $0x11100  }
0xf6: {  	[tilespmem:s21], [sflag:$0x4] =	stream.indirect_vreg.gather [hbm4b:s7+s20], $0x80, v4, vm0, $0xb8;
	[tilespmem:$0x15900] =	vst v63  }
0xf7: {  	s25 =	simm.s32 $0x11900  }
0xf8: {  	[tilespmem:s25], [sflag:$0x4] =	stream.indirect_vreg.gather [hbm4b:s2+s20], $0x80, v3, vm0, $0xb8;
	[tilespmem:$0x15900] =	vst v63  }
0xf9: {  	s26 =	simm.s32 $0x12100  }
0xfa: {  	[tilespmem:s26], [sflag:$0x4] =	stream.indirect_vreg.gather [hbm4b:s7+s20], $0x80, v3, vm0, $0xb8;
	[tilespmem:$0x15900] =	vst v63  }
0xfb: {  	v3 =	vld [tilespmem:s18+$0x88];
	_ =	sdelay $0x4  }
0xfc: {  	v4 =	vshll.u32 v3, $0x2  }
0xfd: {  	v3 =	vand.u32 $0x7, v3;
	v4 =	vand.u32 $0xFFFFFFE0, v4  }
0xfe: {  	v3 =	vor.u32 v3, v4  }
0xff: {  	v4 =	vperm.xlane v3, v0;
	_ =	sdelay $0x1  }
0x100: {  	v4 =	vadd.s32 v1, v4;
	_ =	sdelay $0x1  }
0x101: {  	v3 =	vperm.xlane v3, v2;
	_ =	sdelay $0x1  }
0x102: {  	v3 =	vadd.s32 v1, v3  }
0x103: {  	[tilespmem:s29], [sflag:$0x4] =	stream.indirect_vreg.gather [hbm4b:s2+s20], $0x80, v4, vm0, $0xb8;
	[tilespmem:$0x15900] =	vst v63  }
0x104: {  	_ = 	snop  }
0x105: {  	[tilespmem:s30], [sflag:$0x4] =	stream.indirect_vreg.gather [hbm4b:s7+s20], $0x80, v4, vm0, $0xb8;
	[tilespmem:$0x15900] =	vst v63  }
0x106: {  	_ = 	snop  }
0x107: {  	[tilespmem:s31], [sflag:$0x4] =	stream.indirect_vreg.gather [hbm4b:s2+s20], $0x80, v3, vm0, $0xb8;
	[tilespmem:$0x15900] =	vst v63  }
0x108: {  	_ = 	snop  }
0x109: {  	[tilespmem:s1], [sflag:$0x4] =	stream.indirect_vreg.gather [hbm4b:s7+s20], $0x80, v3, vm0, $0xb8;
	[tilespmem:$0x15900] =	vst v63  }
0x10a: {  	v3 =	vld.msk [tilespmem:s18+$0x98], $0xff;
	_ =	sdelay $0x4  }
0x10b: {  	v4 =	vshll.u32 v3, $0x2  }
0x10c: {  	v3 =	vand.u32 $0x7, v3;
	v4 =	vand.u32 $0xFFFFFFE0, v4  }
0x10d: {  	v3 =	vor.u32 v3, v4  }
0x10e: {  	v3 =	vperm.xlane v3, v0;
	_ =	sdelay $0x1  }
0x10f: {  	v3 =	vadd.s32 v1, v3;
	_ =	sdelay $0x4  }
0x110: {  	[tilespmem:s6], [sflag:$0x4] =	stream.indirect_vreg.gather [hbm4b:s2+s20], $0x80, v3, vm0, $0xb8;
	[tilespmem:$0x15900] =	vst v63  }
0x111: {  	_ = 	snop  }
0x112: {  	[tilespmem:s10], [sflag:$0x4] =	stream.indirect_vreg.gather [hbm4b:s7+s20], $0x80, v3, vm0, $0xb8;
	[tilespmem:$0x15900] =	vst v63  }
0x113: {  	_ =	swait.ge [sflag:s11], $0x5000  }
0x114: {  	s28 =	sand.u32 $0x7000, s20;
	s19 =	sand.u32 $0x380, s20;
	[sflag:s11] =	ssyncset.done $0x0  }
0x115: {  	s19 =	sor.u32 s19, s28;
	[sflag:s11] =	ssyncadd.s32 $0xFFFFB000  }
0x116: {  	v3 =	vld [tilespmem:s19+$0x6D70]  }
0x117: {  	v4 =	vld [tilespmem:s19+$0x7100]  }
0x118: {  	v5 =	vld [tilespmem:s19+$0x7110]  }
0x119: {  	v6 =	vld [tilespmem:s19+$0x6D60]  }
0x11a: {  	v7 =	vld [tilespmem:s19+$0x6D50]  }
0x11b: {  	v8 =	vld [tilespmem:s19+$0x7120]  }
0x11c: {  	v9 =	vld [tilespmem:s19+$0x6D40]  }
0x11d: {  	v10 =	vld [tilespmem:s19+$0x7570]  }
0x11e: {  	v11 =	vld [tilespmem:s19+$0x7510]  }
0x11f: {  	v12 =	vld [tilespmem:s19+$0x7550]  }
0x120: {  	v16 =	vld [tilespmem:s19+$0x7130]  }
0x121: {  	v17 =	vld [tilespmem:s19+$0x7140]  }
0x122: {  	v14 =	vld [tilespmem:s19+$0x7500]  }
0x123: {  	v13 =	vld [tilespmem:s19+$0x7540]  }
0x124: {  	v15 =	vld [tilespmem:s19+$0x6D30];
	v11 =	vmul.f32 $2.262741660e+01, v11  }
0x125: {  	v18 =	vld [tilespmem:s19+$0x6D20];
	v10 =	vmul.f32 $2.262741660e+01, v10  }
0x126: {  	v19 =	vld [tilespmem:s19+$0x6D10];
	v12 =	vmul.f32 $2.262741660e+01, v12;
	[tilespmem:s19+$0x7510] =	vst v11  }
0x127: {  	v24 =	vld [tilespmem:s19+$0x6900];
	v14 =	vmul.f32 $2.262741660e+01, v14;
	[tilespmem:s19+$0x7570] =	vst v10  }
0x128: {  	v10 =	vld [tilespmem:s19+$0x7520];
	v11 =	vmul.f32 $2.262741660e+01, v13;
	[tilespmem:s19+$0x7550] =	vst v12  }
0x129: {  	v15 =	vmul.f32 $2.262741660e+01, v15;
	v13 =	vld [tilespmem:s19+$0x6D00];
	[tilespmem:s19+$0x7500] =	vst v14  }
0x12a: {  	v12 =	vld [tilespmem:s19+$0x6970];
	[tilespmem:s19+$0x7540] =	vst v11;
	v11 =	vmul.f32 $2.262741660e+01, v18  }
0x12b: {  	v20 =	vld [tilespmem:s19+$0x6960];
	[tilespmem:s19+$0x6D30] =	vst v15;
	v18 =	vmul.f32 $2.262741660e+01, v9;
	v9 =	vmul.f32 $2.262741660e+01, v19  }
0x12c: {  	v22 =	vld [tilespmem:s19+$0x7160];
	v21 =	vmul.f32 $2.262741660e+01, v7;
	[tilespmem:s19+$0x6D20] =	vst v11;
	v11 =	vmul.f32 $2.262741660e+01, v6  }
0x12d: {  	v23 =	vld [tilespmem:s19+$0x7170];
	[tilespmem:s19+$0x6D10] =	vst v9;
	v9 =	vmul.f32 $2.262741660e+01, v8;
	v8 =	vmul.f32 $2.262741660e+01, v24  }
0x12e: {  	[tilespmem:s19+$0x6D50] =	vst v21;
	v19 =	vld [tilespmem:s19+$0x7150];
	v7 =	vmul.f32 $2.262741660e+01, v10;
	v6 =	vmul.f32 $2.262741660e+01, v13  }
0x12f: {  	v14 =	vld [tilespmem:s19+$0x6910];
	[tilespmem:s19+$0x6D40] =	vst v18;
	v10 =	vmul.f32 $2.262741660e+01, v3;
	v3 =	vmul.f32 $2.262741660e+01, v12  }
0x130: {  	v15 =	vld [tilespmem:s19+$0x6940];
	v12 =	vmul.f32 $2.262741660e+01, v4;
	v4 =	vmul.f32 $2.262741660e+01, v20;
	[tilespmem:s19+$0x7520] =	vst v7  }
0x131: {  	v13 =	vmul.f32 $2.262741660e+01, v5;
	[tilespmem:s19+$0x6970] =	vst v3;
	v3 =	vmul.f32 $2.262741660e+01, v16;
	v16 =	vld [tilespmem:s19+$0x6920]  }
0x132: {  	v5 =	vmul.f32 $2.262741660e+01, v22;
	[tilespmem:s19+$0x6D00] =	vst v6;
	v7 =	vmul.f32 $2.262741660e+01, v17;
	v17 =	vld [tilespmem:s19+$0x6930]  }
0x133: {  	s17 =	sadd.s32 $0x78, s18;
	s21 =	simm.s32 $0x80;
	s20 =	simm.s32 $0x200;
	v18 =	vld [tilespmem:s19+$0x7530];
	[tilespmem:s19+$0x6960] =	vst v4;
	v4 =	vmul.f32 $2.262741660e+01, v19;
	v6 =	vmul.f32 $2.262741660e+01, v23  }
.LBB2_5:
0x134: {  	s25 =	sand.u32 $0x7000, s20;
	s26 =	sand.u32 $0x380, s21;
	v14 =	vmul.f32 $2.262741660e+01, v14;
	[tilespmem:s19+$0x6D60] =	vst v11;
	v11 =	vld [tilespmem:s19+$0x7560]  }
0x135: {  	p0 =	sne.s32 s20, $0x4E00;
	s20 =	sadd.s32 $0x200, s20;
	s25 =	sor.u32 s26, s25;
	v15 =	vmul.f32 $2.262741660e+01, v15;
	v19 =	vld [tilespmem:s19+$0x6950];
	[tilespmem:s19+$0x6D70] =	vst v10  }
0x136: {  	v10 =	vld [tilespmem:s25+$0x6D70];
	v16 =	vmul.f32 $2.262741660e+01, v16;
	[tilespmem:s19+$0x7100] =	vst v12  }
0x137: {  	v12 =	vld [tilespmem:s25+$0x7100];
	v17 =	vmul.f32 $2.262741660e+01, v17;
	[tilespmem:s19+$0x7110] =	vst v13  }
0x138: {  	v13 =	vld [tilespmem:s25+$0x7110];
	[tilespmem:s19+$0x6920] =	vst v16;
	v16 =	vmul.f32 $2.262741660e+01, v18  }
0x139: {  	v18 =	vld [tilespmem:s25+$0x6D60];
	[tilespmem:s19+$0x6930] =	vst v17;
	v11 =	vmul.f32 $2.262741660e+01, v11  }
0x13a: {  	v17 =	vld [tilespmem:s25+$0x6D50];
	v19 =	vmul.f32 $2.262741660e+01, v19;
	[tilespmem:s19+$0x7120] =	vst v9  }
0x13b: {  	v9 =	vld [tilespmem:s25+$0x7120];
	[tilespmem:s19+$0x7530] =	vst v16  }
0x13c: {  	v16 =	vld [tilespmem:s25+$0x6D40];
	[tilespmem:s19+$0x6950] =	vst v19  }
0x13d: {  	v19 =	vld [tilespmem:s25+$0x7570];
	[tilespmem:s19+$0x6940] =	vst v15  }
0x13e: {  	v15 =	vld [tilespmem:s25+$0x7510];
	[tilespmem:s19+$0x7560] =	vst v11  }
0x13f: {  	v11 =	vld [tilespmem:s25+$0x7550];
	[tilespmem:s19+$0x7130] =	vst v3  }
0x140: {  	v3 =	vld [tilespmem:s25+$0x7130];
	[tilespmem:s19+$0x7140] =	vst v7  }
0x141: {  	v7 =	vld [tilespmem:s25+$0x7140];
	[tilespmem:s19+$0x6910] =	vst v14  }
0x142: {  	v14 =	vld [tilespmem:s25+$0x7540];
	[tilespmem:s19+$0x7150] =	vst v4  }
0x143: {  	v19 =	vmul.f32 $2.262741660e+01, v19;
	v4 =	vld [tilespmem:s25+$0x7500];
	[tilespmem:s19+$0x7160] =	vst v5  }
0x144: {  	v5 =	vld [tilespmem:s25+$0x6D30];
	[tilespmem:s19+$0x6900] =	vst v8  }
0x145: {  	v15 =	vmul.f32 $2.262741660e+01, v15;
	v8 =	vld [tilespmem:s25+$0x6D20];
	[tilespmem:s19+$0x7170] =	vst v6;
	s19 =	smov.u32 s25  }
0x146: {  	v11 =	vmul.f32 $2.262741660e+01, v11;
	v6 =	vld [tilespmem:s19+$0x6D10];
	[tilespmem:s19+$0x7570] =	vst v19  }
0x147: {  	v19 =	vmul.f32 $2.262741660e+01, v16;
	[tilespmem:s19+$0x7510] =	vst v15;
	v15 =	vld [tilespmem:s19+$0x7520];
	v14 =	vmul.f32 $2.262741660e+01, v14  }
0x148: {  	v20 =	vmul.f32 $2.262741660e+01, v17;
	v16 =	vld [tilespmem:s19+$0x6D00];
	v4 =	vmul.f32 $2.262741660e+01, v4;
	[tilespmem:s19+$0x7550] =	vst v11  }
0x149: {  	v11 =	vmul.f32 $2.262741660e+01, v18;
	v17 =	vld [tilespmem:s19+$0x6970];
	v5 =	vmul.f32 $2.262741660e+01, v5;
	[tilespmem:s19+$0x7540] =	vst v14  }
0x14a: {  	v10 =	vmul.f32 $2.262741660e+01, v10;
	v18 =	vld [tilespmem:s19+$0x6960];
	v8 =	vmul.f32 $2.262741660e+01, v8;
	[tilespmem:s19+$0x7500] =	vst v4  }
0x14b: {  	v12 =	vmul.f32 $2.262741660e+01, v12;
	v4 =	vmul.f32 $2.262741660e+01, v6;
	[tilespmem:s19+$0x6D30] =	vst v5;
	v5 =	vld [tilespmem:s19+$0x7150]  }
0x14c: {  	v13 =	vmul.f32 $2.262741660e+01, v13;
	[tilespmem:s19+$0x6D20] =	vst v8;
	v6 =	vld [tilespmem:s19+$0x7160];
	v8 =	vmul.f32 $2.262741660e+01, v15  }
0x14d: {  	v9 =	vmul.f32 $2.262741660e+01, v9;
	v15 =	vmul.f32 $2.262741660e+01, v16;
	[tilespmem:s19+$0x6D10] =	vst v4;
	v21 =	vld [tilespmem:s19+$0x7170]  }
0x14e: {  	v3 =	vmul.f32 $2.262741660e+01, v3;
	v22 =	vld [tilespmem:s19+$0x6900];
	v4 =	vmul.f32 $2.262741660e+01, v17;
	[tilespmem:s19+$0x7520] =	vst v8  }
.Ltmp3:
0x14f: {  	v7 =	vmul.f32 $2.262741660e+01, v7;
	v14 =	vld [tilespmem:s19+$0x6910];
	v8 =	vmul.f32 $2.262741660e+01, v18;
	[tilespmem:s19+$0x6D00] =	vst v15;
	(pc) =	sbr.rel @p0 .LBB2_5-.Ltmp3, $4  }
0x150: {  	v15 =	vld [tilespmem:s19+$0x6940];
	[tilespmem:s19+$0x6970] =	vst v4;
	v4 =	vmul.f32 $2.262741660e+01, v5  }
0x151: {  	v16 =	vld [tilespmem:s19+$0x6920];
	[tilespmem:s19+$0x6960] =	vst v8;
	v5 =	vmul.f32 $2.262741660e+01, v6  }
0x152: {  	v17 =	vld [tilespmem:s19+$0x6930];
	[tilespmem:s19+$0x6D40] =	vst v19;
	v6 =	vmul.f32 $2.262741660e+01, v21  }
0x153: {  	s21 =	sadd.s32 $0x80, s21;
	v8 =	vmul.f32 $2.262741660e+01, v22;
	[tilespmem:s19+$0x6D50] =	vst v20;
	v18 =	vld [tilespmem:s19+$0x7530]  }
0x154: {  	[tilespmem:s19+$0x6D60] =	vst v11  }
0x155: {  	[tilespmem:s19+$0x6D70] =	vst v10  }
0x156: {  	[tilespmem:s19+$0x7100] =	vst v12  }
0x157: {  	[tilespmem:s19+$0x7110] =	vst v13  }
0x158: {  	[tilespmem:s19+$0x7120] =	vst v9  }
0x159: {  	[tilespmem:s19+$0x7130] =	vst v3  }
0x15a: {  	[tilespmem:s19+$0x7140] =	vst v7  }
0x15b: {  	[tilespmem:s19+$0x7150] =	vst v4  }
0x15c: {  	[tilespmem:s19+$0x7160] =	vst v5  }
0x15d: {  	v11 =	vld [tilespmem:s19+$0x6950];
	[tilespmem:s19+$0x7170] =	vst v6;
	v9 =	vmul.f32 $2.262741660e+01, v15  }
0x15e: {  	v12 =	vld [tilespmem:s19+$0x7560];
	[tilespmem:s19+$0x6900] =	vst v8;
	v10 =	vmul.f32 $2.262741660e+01, v16  }
0x15f: {  	v16 =	vmul.f32 $2.262741660e+01, v17;
	[tilespmem:s19+$0x6940] =	vst v9  }
0x160: {  	v9 =	vmul.f32 $2.262741660e+01, v14;
	[tilespmem:s19+$0x6920] =	vst v10  }
0x161: {  	v10 =	vmul.f32 $2.262741660e+01, v18;
	[tilespmem:s19+$0x6930] =	vst v16  }
0x162: {  	v11 =	vmul.f32 $2.262741660e+01, v11;
	[tilespmem:s19+$0x6910] =	vst v9  }
0x163: {  	[tilespmem:s19+$0x7530] =	vst v10;
	v10 =	vmul.f32 $2.262741660e+01, v12  }
0x164: {  	[tilespmem:s19+$0x6950] =	vst v11  }
0x165: {  	[tilespmem:s19+$0x7560] =	vst v10  }
0x166: {  	s25 =	sadd.s32 s18, s8;
	_ =	swait.ge [sflag:s13], $0x5000  }
0x167: {  	p0 =	seq.s32 s16, $0x27;
	s19 =	sshll.u32 s25, $0x6;
	[sflag:s13] =	ssyncset.done $0x0  }
0x168: {  	s20 =	smul.u32 @!p0 $0x280, s16;
	s19 =	sadd.s32 s3, s19;
	[sflag:s13] =	ssyncadd.s32 $0xFFFFB000  }
0x169: {  	[hbm4b:s19+s5] =	stream.linear.scatter [tilespmem:s22], [sflag:$0x5], $0x5000, $0x38;
	[tilespmem:$0x15900] =	vst v63  }
0x16a: {  	s19 =	sshra.s32 @!p0 s20, $0x2  }
0x16b: {  	v3 =	vld @!p0 [tilespmem:s19+$0xA0];
	_ =	sdelay $0x4  }
0x16c: {  	v4 =	vshll.u32 @!p0 v3, $0x2  }
0x16d: {  	v5 =	vlaneseq.u32 @!p0;
	v3 =	vand.u32 @!p0 $0x7, v3;
	v4 =	vand.u32 @!p0 $0xFFFFFFE0, v4  }
0x16e: {  	v6 =	vshrl.u32 @!p0 v5, $0x3;
	v3 =	vor.u32 @!p0 v3, v4;
	v4 =	vand.u32 @!p0 $0x7, v5  }
0x16f: {  	v6 =	vmul.u32 @!p0 $0x8, v6;
	v7 =	vperm.xlane @!p0 v3, v4;
	_ =	sdelay $0x1  }
0x170: {  	v7 =	vadd.s32 @!p0 v6, v7  }
0x171: {  	v5 =	vor.u32 @!p0 $0x8, v5  }
0x172: {  	v3 =	vperm.xlane @!p0 v3, v5;
	_ =	sdelay $0x1  }
0x173: {  	vm1 =	vmmov @!p0 $0xffff;
	s21 =	simm.s32 @!p0 $0x1900;
	s20 =	simm.s32 @!p0 $0x0;
	v3 =	vadd.s32 @!p0 v6, v3  }
0x174: {  	[tilespmem:s21], [sflag:$0x1] =	stream.indirect_vreg.gather @!p0 [hbm4b:s2+s20], $0x80, v7, vm1, $0xb8;
	[tilespmem:$0x15900] =	vst v63  }
0x175: {  	s21 =	simm.s32 @!p0 $0x2100  }
0x176: {  	[tilespmem:s21], [sflag:$0x1] =	stream.indirect_vreg.gather @!p0 [hbm4b:s7+s20], $0x80, v7, vm1, $0xb8;
	[tilespmem:$0x15900] =	vst v63  }
0x177: {  	s21 =	simm.s32 @!p0 $0x2900  }
0x178: {  	[tilespmem:s21], [sflag:$0x1] =	stream.indirect_vreg.gather @!p0 [hbm4b:s2+s20], $0x80, v3, vm1, $0xb8;
	[tilespmem:$0x15900] =	vst v63  }
0x179: {  	s21 =	simm.s32 @!p0 $0x3100  }
0x17a: {  	[tilespmem:s21], [sflag:$0x1] =	stream.indirect_vreg.gather @!p0 [hbm4b:s7+s20], $0x80, v3, vm1, $0xb8;
	[tilespmem:$0x15900] =	vst v63  }
0x17b: {  	v3 =	vld @!p0 [tilespmem:s19+$0xB0];
	_ =	sdelay $0x4  }
0x17c: {  	v7 =	vshll.u32 @!p0 v3, $0x2  }
0x17d: {  	v3 =	vand.u32 @!p0 $0x7, v3;
	v7 =	vand.u32 @!p0 $0xFFFFFFE0, v7  }
0x17e: {  	v3 =	vor.u32 @!p0 v3, v7  }
0x17f: {  	v7 =	vperm.xlane @!p0 v3, v4;
	_ =	sdelay $0x1  }
0x180: {  	v7 =	vadd.s32 @!p0 v6, v7;
	_ =	sdelay $0x1  }
0x181: {  	v3 =	vperm.xlane @!p0 v3, v5;
	_ =	sdelay $0x1  }
0x182: {  	s21 =	simm.s32 @!p0 $0x3900;
	v3 =	vadd.s32 @!p0 v6, v3  }
0x183: {  	[tilespmem:s21], [sflag:$0x1] =	stream.indirect_vreg.gather @!p0 [hbm4b:s2+s20], $0x80, v7, vm1, $0xb8;
	[tilespmem:$0x15900] =	vst v63  }
0x184: {  	s21 =	simm.s32 @!p0 $0x4100  }
0x185: {  	[tilespmem:s21], [sflag:$0x1] =	stream.indirect_vreg.gather @!p0 [hbm4b:s7+s20], $0x80, v7, vm1, $0xb8;
	[tilespmem:$0x15900] =	vst v63  }
0x186: {  	s21 =	simm.s32 @!p0 $0x4900  }
0x187: {  	[tilespmem:s21], [sflag:$0x1] =	stream.indirect_vreg.gather @!p0 [hbm4b:s2+s20], $0x80, v3, vm1, $0xb8;
	[tilespmem:$0x15900] =	vst v63  }
0x188: {  	s21 =	simm.s32 @!p0 $0x5100  }
0x189: {  	[tilespmem:s21], [sflag:$0x1] =	stream.indirect_vreg.gather @!p0 [hbm4b:s7+s20], $0x80, v3, vm1, $0xb8;
	[tilespmem:$0x15900] =	vst v63  }
0x18a: {  	v3 =	vld.msk @!p0 [tilespmem:s19+$0xC0], $0xff;
	_ =	sdelay $0x4  }
0x18b: {  	v5 =	vshll.u32 @!p0 v3, $0x2  }
0x18c: {  	v3 =	vand.u32 @!p0 $0x7, v3;
	v5 =	vand.u32 @!p0 $0xFFFFFFE0, v5  }
0x18d: {  	v3 =	vor.u32 @!p0 v3, v5  }
0x18e: {  	v3 =	vperm.xlane @!p0 v3, v4;
	_ =	sdelay $0x1  }
0x18f: {  	v3 =	vadd.s32 @!p0 v6, v3;
	_ =	sdelay $0x3  }
0x190: {  	s21 =	simm.s32 @!p0 $0x5900  }
0x191: {  	[tilespmem:s21], [sflag:$0x1] =	stream.indirect_vreg.gather @!p0 [hbm4b:s2+s20], $0x80, v3, vm1, $0xb8;
	[tilespmem:$0x15900] =	vst v63  }
0x192: {  	s21 =	simm.s32 @!p0 $0x6100  }
0x193: {  	[tilespmem:s21], [sflag:$0x1] =	stream.indirect_vreg.gather @!p0 [hbm4b:s7+s20], $0x80, v3, vm1, $0xb8;
	[tilespmem:$0x15900] =	vst v63  }
0x194: {  	s26 =	simm.s32 $0x0;
	_ =	swait.ge [sflag:s14], $0x5000  }
0x195: {  	s28 =	sand.u32 $0x7000, s26;
	s20 =	sand.u32 $0x380, s26;
	[sflag:s14] =	ssyncset.done $0x0  }
0x196: {  	s20 =	sor.u32 s20, s28;
	[sflag:s14] =	ssyncadd.s32 $0xFFFFB000  }
0x197: {  	v3 =	vld [tilespmem:s20+$0xBD70]  }
0x198: {  	v4 =	vld [tilespmem:s20+$0xC100]  }
0x199: {  	v5 =	vld [tilespmem:s20+$0xC110]  }
0x19a: {  	v6 =	vld [tilespmem:s20+$0xBD60]  }
0x19b: {  	v7 =	vld [tilespmem:s20+$0xBD50]  }
0x19c: {  	v8 =	vld [tilespmem:s20+$0xC120]  }
0x19d: {  	v9 =	vld [tilespmem:s20+$0xBD40]  }
0x19e: {  	v10 =	vld [tilespmem:s20+$0xC570]  }
0x19f: {  	v11 =	vld [tilespmem:s20+$0xC510]  }
0x1a0: {  	v12 =	vld [tilespmem:s20+$0xC550]  }
0x1a1: {  	v16 =	vld [tilespmem:s20+$0xC130]  }
0x1a2: {  	v17 =	vld [tilespmem:s20+$0xC140]  }
0x1a3: {  	v14 =	vld [tilespmem:s20+$0xC500]  }
0x1a4: {  	v13 =	vld [tilespmem:s20+$0xC540]  }
0x1a5: {  	v15 =	vld [tilespmem:s20+$0xBD30];
	v11 =	vmul.f32 $2.262741660e+01, v11  }
0x1a6: {  	v18 =	vld [tilespmem:s20+$0xBD20];
	v10 =	vmul.f32 $2.262741660e+01, v10  }
0x1a7: {  	v19 =	vld [tilespmem:s20+$0xBD10];
	v12 =	vmul.f32 $2.262741660e+01, v12;
	[tilespmem:s20+$0xC510] =	vst v11  }
0x1a8: {  	v24 =	vld [tilespmem:s20+$0xB900];
	v14 =	vmul.f32 $2.262741660e+01, v14;
	[tilespmem:s20+$0xC570] =	vst v10  }
0x1a9: {  	v10 =	vld [tilespmem:s20+$0xC520];
	v11 =	vmul.f32 $2.262741660e+01, v13;
	[tilespmem:s20+$0xC550] =	vst v12  }
0x1aa: {  	v15 =	vmul.f32 $2.262741660e+01, v15;
	v13 =	vld [tilespmem:s20+$0xBD00];
	[tilespmem:s20+$0xC500] =	vst v14  }
0x1ab: {  	v12 =	vld [tilespmem:s20+$0xB970];
	[tilespmem:s20+$0xC540] =	vst v11;
	v11 =	vmul.f32 $2.262741660e+01, v18  }
0x1ac: {  	v20 =	vld [tilespmem:s20+$0xB960];
	[tilespmem:s20+$0xBD30] =	vst v15;
	v18 =	vmul.f32 $2.262741660e+01, v9;
	v9 =	vmul.f32 $2.262741660e+01, v19  }
0x1ad: {  	v22 =	vld [tilespmem:s20+$0xC160];
	v21 =	vmul.f32 $2.262741660e+01, v7;
	[tilespmem:s20+$0xBD20] =	vst v11;
	v11 =	vmul.f32 $2.262741660e+01, v6  }
0x1ae: {  	v19 =	vld [tilespmem:s20+$0xC150];
	[tilespmem:s20+$0xBD10] =	vst v9;
	v9 =	vmul.f32 $2.262741660e+01, v8;
	v8 =	vmul.f32 $2.262741660e+01, v24  }
0x1af: {  	v23 =	vld [tilespmem:s20+$0xC170];
	[tilespmem:s20+$0xBD50] =	vst v21;
	v7 =	vmul.f32 $2.262741660e+01, v10;
	v6 =	vmul.f32 $2.262741660e+01, v13  }
0x1b0: {  	v14 =	vld [tilespmem:s20+$0xB910];
	[tilespmem:s20+$0xBD40] =	vst v18;
	v10 =	vmul.f32 $2.262741660e+01, v3;
	v3 =	vmul.f32 $2.262741660e+01, v12  }
0x1b1: {  	v15 =	vld [tilespmem:s20+$0xB940];
	v12 =	vmul.f32 $2.262741660e+01, v4;
	v4 =	vmul.f32 $2.262741660e+01, v20;
	[tilespmem:s20+$0xC520] =	vst v7  }
0x1b2: {  	v13 =	vmul.f32 $2.262741660e+01, v5;
	[tilespmem:s20+$0xB970] =	vst v3;
	v3 =	vmul.f32 $2.262741660e+01, v16;
	v16 =	vld [tilespmem:s20+$0xB920]  }
0x1b3: {  	[tilespmem:s20+$0xBD00] =	vst v6;
	v7 =	vmul.f32 $2.262741660e+01, v17;
	v5 =	vmul.f32 $2.262741660e+01, v19;
	v17 =	vld [tilespmem:s20+$0xB930]  }
0x1b4: {  	s25 =	simm.s32 $0x80;
	s21 =	simm.s32 $0x200;
	v18 =	vld [tilespmem:s20+$0xC530];
	[tilespmem:s20+$0xB960] =	vst v4;
	v6 =	vmul.f32 $2.262741660e+01, v22;
	v4 =	vmul.f32 $2.262741660e+01, v23  }
.LBB2_7:
0x1b5: {  	s26 =	sand.u32 $0x7000, s21;
	s28 =	sand.u32 $0x380, s25;
	v14 =	vmul.f32 $2.262741660e+01, v14;
	[tilespmem:s20+$0xBD60] =	vst v11;
	v11 =	vld [tilespmem:s20+$0xC560]  }
0x1b6: {  	p1 =	sne.s32 s21, $0x4E00;
	s21 =	sadd.s32 $0x200, s21;
	s26 =	sor.u32 s28, s26;
	v15 =	vmul.f32 $2.262741660e+01, v15;
	v19 =	vld [tilespmem:s20+$0xB950];
	[tilespmem:s20+$0xBD70] =	vst v10  }
0x1b7: {  	v10 =	vld [tilespmem:s26+$0xBD70];
	v16 =	vmul.f32 $2.262741660e+01, v16;
	[tilespmem:s20+$0xC100] =	vst v12  }
0x1b8: {  	v12 =	vld [tilespmem:s26+$0xC100];
	v17 =	vmul.f32 $2.262741660e+01, v17;
	[tilespmem:s20+$0xC110] =	vst v13  }
0x1b9: {  	v13 =	vld [tilespmem:s26+$0xC110];
	[tilespmem:s20+$0xB920] =	vst v16;
	v16 =	vmul.f32 $2.262741660e+01, v18  }
0x1ba: {  	v18 =	vld [tilespmem:s26+$0xBD60];
	[tilespmem:s20+$0xB930] =	vst v17;
	v11 =	vmul.f32 $2.262741660e+01, v11  }
0x1bb: {  	v17 =	vld [tilespmem:s26+$0xBD50];
	v19 =	vmul.f32 $2.262741660e+01, v19;
	[tilespmem:s20+$0xC120] =	vst v9  }
0x1bc: {  	v9 =	vld [tilespmem:s26+$0xC120];
	[tilespmem:s20+$0xC530] =	vst v16  }
0x1bd: {  	v16 =	vld [tilespmem:s26+$0xBD40];
	[tilespmem:s20+$0xB950] =	vst v19  }
0x1be: {  	v19 =	vld [tilespmem:s26+$0xC570];
	[tilespmem:s20+$0xB940] =	vst v15  }
0x1bf: {  	v15 =	vld [tilespmem:s26+$0xC510];
	[tilespmem:s20+$0xC560] =	vst v11  }
0x1c0: {  	v11 =	vld [tilespmem:s26+$0xC550];
	[tilespmem:s20+$0xC130] =	vst v3  }
0x1c1: {  	v3 =	vld [tilespmem:s26+$0xC130];
	[tilespmem:s20+$0xC140] =	vst v7  }
0x1c2: {  	v7 =	vld [tilespmem:s26+$0xC140];
	[tilespmem:s20+$0xB910] =	vst v14  }
0x1c3: {  	v14 =	vld [tilespmem:s26+$0xC540];
	[tilespmem:s20+$0xC150] =	vst v5  }
0x1c4: {  	v19 =	vmul.f32 $2.262741660e+01, v19;
	v5 =	vld [tilespmem:s26+$0xC500];
	[tilespmem:s20+$0xC160] =	vst v6  }
0x1c5: {  	v6 =	vld [tilespmem:s26+$0xBD30];
	[tilespmem:s20+$0xB900] =	vst v8  }
0x1c6: {  	v15 =	vmul.f32 $2.262741660e+01, v15;
	v8 =	vld [tilespmem:s26+$0xBD20];
	[tilespmem:s20+$0xC170] =	vst v4;
	s20 =	smov.u32 s26  }
0x1c7: {  	v11 =	vmul.f32 $2.262741660e+01, v11;
	v4 =	vld [tilespmem:s20+$0xBD10];
	[tilespmem:s20+$0xC570] =	vst v19  }
0x1c8: {  	v19 =	vmul.f32 $2.262741660e+01, v16;
	[tilespmem:s20+$0xC510] =	vst v15;
	v15 =	vld [tilespmem:s20+$0xC520];
	v14 =	vmul.f32 $2.262741660e+01, v14  }
0x1c9: {  	v20 =	vmul.f32 $2.262741660e+01, v17;
	v16 =	vld [tilespmem:s20+$0xBD00];
	v5 =	vmul.f32 $2.262741660e+01, v5;
	[tilespmem:s20+$0xC550] =	vst v11  }
0x1ca: {  	v11 =	vmul.f32 $2.262741660e+01, v18;
	v17 =	vld [tilespmem:s20+$0xB970];
	v6 =	vmul.f32 $2.262741660e+01, v6;
	[tilespmem:s20+$0xC540] =	vst v14  }
0x1cb: {  	v10 =	vmul.f32 $2.262741660e+01, v10;
	v18 =	vld [tilespmem:s20+$0xB960];
	v8 =	vmul.f32 $2.262741660e+01, v8;
	[tilespmem:s20+$0xC500] =	vst v5  }
0x1cc: {  	v12 =	vmul.f32 $2.262741660e+01, v12;
	v4 =	vmul.f32 $2.262741660e+01, v4;
	[tilespmem:s20+$0xBD30] =	vst v6;
	v5 =	vld [tilespmem:s20+$0xC150]  }
0x1cd: {  	v13 =	vmul.f32 $2.262741660e+01, v13;
	[tilespmem:s20+$0xBD20] =	vst v8;
	v6 =	vld [tilespmem:s20+$0xC160];
	v8 =	vmul.f32 $2.262741660e+01, v15  }
0x1ce: {  	v9 =	vmul.f32 $2.262741660e+01, v9;
	v15 =	vmul.f32 $2.262741660e+01, v16;
	[tilespmem:s20+$0xBD10] =	vst v4;
	v4 =	vld [tilespmem:s20+$0xC170]  }
0x1cf: {  	v3 =	vmul.f32 $2.262741660e+01, v3;
	v21 =	vld [tilespmem:s20+$0xB900];
	v16 =	vmul.f32 $2.262741660e+01, v17;
	[tilespmem:s20+$0xC520] =	vst v8  }
.Ltmp4:
0x1d0: {  	v7 =	vmul.f32 $2.262741660e+01, v7;
	v14 =	vld [tilespmem:s20+$0xB910];
	v8 =	vmul.f32 $2.262741660e+01, v18;
	[tilespmem:s20+$0xBD00] =	vst v15;
	(pc) =	sbr.rel @p1 .LBB2_7-.Ltmp4, $4  }
0x1d1: {  	v15 =	vld [tilespmem:s20+$0xB940];
	[tilespmem:s20+$0xB970] =	vst v16;
	v5 =	vmul.f32 $2.262741660e+01, v5  }
0x1d2: {  	v16 =	vld [tilespmem:s20+$0xB920];
	[tilespmem:s20+$0xB960] =	vst v8;
	v6 =	vmul.f32 $2.262741660e+01, v6  }
0x1d3: {  	v17 =	vld [tilespmem:s20+$0xB930];
	[tilespmem:s20+$0xBD40] =	vst v19;
	v4 =	vmul.f32 $2.262741660e+01, v4  }
0x1d4: {  	s25 =	sadd.s32 $0x80, s25;
	v8 =	vmul.f32 $2.262741660e+01, v21;
	[tilespmem:s20+$0xBD50] =	vst v20;
	v18 =	vld [tilespmem:s20+$0xC530]  }
0x1d5: {  	[tilespmem:s20+$0xBD60] =	vst v11  }
0x1d6: {  	[tilespmem:s20+$0xBD70] =	vst v10  }
0x1d7: {  	[tilespmem:s20+$0xC100] =	vst v12  }
0x1d8: {  	[tilespmem:s20+$0xC110] =	vst v13  }
0x1d9: {  	[tilespmem:s20+$0xC120] =	vst v9  }
0x1da: {  	[tilespmem:s20+$0xC130] =	vst v3  }
0x1db: {  	[tilespmem:s20+$0xC140] =	vst v7  }
0x1dc: {  	[tilespmem:s20+$0xC150] =	vst v5  }
0x1dd: {  	[tilespmem:s20+$0xC160] =	vst v6  }
0x1de: {  	v11 =	vld [tilespmem:s20+$0xB950];
	[tilespmem:s20+$0xC170] =	vst v4;
	v9 =	vmul.f32 $2.262741660e+01, v15  }
0x1df: {  	v12 =	vld [tilespmem:s20+$0xC560];
	[tilespmem:s20+$0xB900] =	vst v8;
	v10 =	vmul.f32 $2.262741660e+01, v16  }
0x1e0: {  	v16 =	vmul.f32 $2.262741660e+01, v17;
	[tilespmem:s20+$0xB940] =	vst v9  }
0x1e1: {  	v9 =	vmul.f32 $2.262741660e+01, v14;
	[tilespmem:s20+$0xB920] =	vst v10  }
0x1e2: {  	v10 =	vmul.f32 $2.262741660e+01, v18;
	[tilespmem:s20+$0xB930] =	vst v16  }
0x1e3: {  	v11 =	vmul.f32 $2.262741660e+01, v11;
	[tilespmem:s20+$0xB910] =	vst v9  }
0x1e4: {  	[tilespmem:s20+$0xC530] =	vst v10;
	v10 =	vmul.f32 $2.262741660e+01, v12  }
0x1e5: {  	[tilespmem:s20+$0xB950] =	vst v11  }
0x1e6: {  	[tilespmem:s20+$0xC560] =	vst v10  }
0x1e7: {  	s18 =	sadd.s32 s18, s9;
	_ =	swait.ge [sflag:s13], $0x5000  }
0x1e8: {  	s18 =	sshll.u32 s18, $0x6;
	[sflag:s13] =	ssyncset.done $0x0  }
0x1e9: {  	s18 =	sadd.s32 s3, s18;
	[sflag:s13] =	ssyncadd.s32 $0xFFFFB000  }
0x1ea: {  	[hbm4b:s18+s5] =	stream.linear.scatter [tilespmem:s0], [sflag:$0x5], $0x5000, $0x38;
	[tilespmem:$0x15900] =	vst v63  }
0x1eb: {  	v3 =	vld @!p0 [tilespmem:s19+$0xC8];
	_ =	sdelay $0x4  }
0x1ec: {  	v4 =	vshll.u32 @!p0 v3, $0x2  }
0x1ed: {  	v5 =	vlaneseq.u32 @!p0;
	v3 =	vand.u32 @!p0 $0x7, v3;
	v4 =	vand.u32 @!p0 $0xFFFFFFE0, v4  }
0x1ee: {  	v6 =	vshrl.u32 @!p0 v5, $0x3;
	v3 =	vor.u32 @!p0 v3, v4;
	v4 =	vand.u32 @!p0 $0x7, v5  }
0x1ef: {  	v6 =	vmul.u32 @!p0 $0x8, v6;
	v7 =	vperm.xlane @!p0 v3, v4;
	_ =	sdelay $0x1  }
0x1f0: {  	v7 =	vadd.s32 @!p0 v6, v7  }
0x1f1: {  	v5 =	vor.u32 @!p0 $0x8, v5  }
0x1f2: {  	v3 =	vperm.xlane @!p0 v3, v5;
	_ =	sdelay $0x1  }
0x1f3: {  	s20 =	simm.s32 @!p0 $0x6900;
	s18 =	simm.s32 @!p0 $0x0;
	v3 =	vadd.s32 @!p0 v6, v3  }
0x1f4: {  	[tilespmem:s20], [sflag:$0x2] =	stream.indirect_vreg.gather @!p0 [hbm4b:s2+s18], $0x80, v7, vm1, $0xb8;
	[tilespmem:$0x15900] =	vst v63  }
0x1f5: {  	s20 =	simm.s32 @!p0 $0x7100  }
0x1f6: {  	[tilespmem:s20], [sflag:$0x2] =	stream.indirect_vreg.gather @!p0 [hbm4b:s7+s18], $0x80, v7, vm1, $0xb8;
	[tilespmem:$0x15900] =	vst v63  }
0x1f7: {  	s20 =	simm.s32 @!p0 $0x7900  }
0x1f8: {  	[tilespmem:s20], [sflag:$0x2] =	stream.indirect_vreg.gather @!p0 [hbm4b:s2+s18], $0x80, v3, vm1, $0xb8;
	[tilespmem:$0x15900] =	vst v63  }
0x1f9: {  	s20 =	simm.s32 @!p0 $0x8100  }
0x1fa: {  	[tilespmem:s20], [sflag:$0x2] =	stream.indirect_vreg.gather @!p0 [hbm4b:s7+s18], $0x80, v3, vm1, $0xb8;
	[tilespmem:$0x15900] =	vst v63  }
0x1fb: {  	v3 =	vld @!p0 [tilespmem:s19+$0xD8];
	_ =	sdelay $0x4  }
0x1fc: {  	v7 =	vshll.u32 @!p0 v3, $0x2  }
0x1fd: {  	v3 =	vand.u32 @!p0 $0x7, v3;
	v7 =	vand.u32 @!p0 $0xFFFFFFE0, v7  }
0x1fe: {  	v3 =	vor.u32 @!p0 v3, v7  }
0x1ff: {  	v7 =	vperm.xlane @!p0 v3, v4;
	_ =	sdelay $0x1  }
0x200: {  	v7 =	vadd.s32 @!p0 v6, v7;
	_ =	sdelay $0x1  }
0x201: {  	v3 =	vperm.xlane @!p0 v3, v5;
	_ =	sdelay $0x1  }
0x202: {  	s20 =	simm.s32 @!p0 $0x8900;
	v3 =	vadd.s32 @!p0 v6, v3  }
0x203: {  	[tilespmem:s20], [sflag:$0x2] =	stream.indirect_vreg.gather @!p0 [hbm4b:s2+s18], $0x80, v7, vm1, $0xb8;
	[tilespmem:$0x15900] =	vst v63  }
0x204: {  	s20 =	simm.s32 @!p0 $0x9100  }
0x205: {  	[tilespmem:s20], [sflag:$0x2] =	stream.indirect_vreg.gather @!p0 [hbm4b:s7+s18], $0x80, v7, vm1, $0xb8;
	[tilespmem:$0x15900] =	vst v63  }
0x206: {  	s20 =	simm.s32 @!p0 $0x9900  }
0x207: {  	[tilespmem:s20], [sflag:$0x2] =	stream.indirect_vreg.gather @!p0 [hbm4b:s2+s18], $0x80, v3, vm1, $0xb8;
	[tilespmem:$0x15900] =	vst v63  }
0x208: {  	s20 =	simm.s32 @!p0 $0xA100  }
0x209: {  	[tilespmem:s20], [sflag:$0x2] =	stream.indirect_vreg.gather @!p0 [hbm4b:s7+s18], $0x80, v3, vm1, $0xb8;
	[tilespmem:$0x15900] =	vst v63  }
0x20a: {  	v3 =	vld.msk @!p0 [tilespmem:s19+$0xE8], $0xff;
	_ =	sdelay $0x4  }
0x20b: {  	v5 =	vshll.u32 @!p0 v3, $0x2  }
0x20c: {  	v3 =	vand.u32 @!p0 $0x7, v3;
	v5 =	vand.u32 @!p0 $0xFFFFFFE0, v5  }
0x20d: {  	v3 =	vor.u32 @!p0 v3, v5  }
0x20e: {  	v3 =	vperm.xlane @!p0 v3, v4;
	_ =	sdelay $0x1  }
0x20f: {  	v3 =	vadd.s32 @!p0 v6, v3;
	_ =	sdelay $0x3  }
0x210: {  	s19 =	simm.s32 @!p0 $0xA900  }
0x211: {  	[tilespmem:s19], [sflag:$0x2] =	stream.indirect_vreg.gather @!p0 [hbm4b:s2+s18], $0x80, v3, vm1, $0xb8;
	[tilespmem:$0x15900] =	vst v63  }
0x212: {  	s19 =	simm.s32 @!p0 $0xB100  }
0x213: {  	[tilespmem:s19], [sflag:$0x2] =	stream.indirect_vreg.gather @!p0 [hbm4b:s7+s18], $0x80, v3, vm1, $0xb8;
	[tilespmem:$0x15900] =	vst v63  }
0x214: {  	s26 =	simm.s32 $0x0;
	_ =	swait.ge [sflag:s15], $0x5000  }
0x215: {  	s28 =	sand.u32 $0x7000, s26;
	s18 =	sand.u32 $0x380, s26;
	[sflag:s15] =	ssyncset.done $0x0  }
0x216: {  	s19 =	sor.u32 s18, s28;
	[sflag:s15] =	ssyncadd.s32 $0xFFFFB000  }
0x217: {  	s18 =	sadd.s32 $0x10900, s19;
	v3 =	vld [tilespmem:s19+$0x10900]  }
0x218: {  	v4 =	vld [tilespmem:s18+$0x810]  }
0x219: {  	v5 =	vld [tilespmem:s18+$0x800]  }
0x21a: {  	v6 =	vld [tilespmem:s18+$0x470]  }
0x21b: {  	v7 =	vld [tilespmem:s18+$0x450]  }
0x21c: {  	v8 =	vld [tilespmem:s18+$0x440]  }
0x21d: {  	v9 =	vld [tilespmem:s18+$0x430]  }
0x21e: {  	v10 =	vld [tilespmem:s18+$0x420]  }
0x21f: {  	v11 =	vld [tilespmem:s18+$0x410]  }
0x220: {  	v12 =	vld [tilespmem:s18+$0xC70]  }
0x221: {  	v13 =	vld [tilespmem:s18+$0x400]  }
0x222: {  	v14 =	vld [tilespmem:s18+$0xC20]  }
0x223: {  	v15 =	vld [tilespmem:s18+$0xC40];
	v3 =	vmul.f32 $2.262741660e+01, v3  }
0x224: {  	v17 =	vld [tilespmem:s18+$0x460];
	v10 =	vmul.f32 $2.262741660e+01, v10  }
0x225: {  	v18 =	vld [tilespmem:s18+$0x830];
	v11 =	vmul.f32 $2.262741660e+01, v11;
	[tilespmem:s19+$0x10900] =	vst v3  }
0x226: {  	v13 =	vmul.f32 $2.262741660e+01, v13;
	v3 =	vld [tilespmem:s18+$0x70];
	[tilespmem:s18+$0x420] =	vst v10  }
0x227: {  	v14 =	vmul.f32 $2.262741660e+01, v14;
	[tilespmem:s18+$0x410] =	vst v11;
	v16 =	vld [tilespmem:s18+$0x30]  }
0x228: {  	v9 =	vmul.f32 $2.262741660e+01, v9;
	v10 =	vmul.f32 $2.262741660e+01, v12;
	[tilespmem:s18+$0x400] =	vst v13;
	v12 =	vld [tilespmem:s18+$0x20]  }
0x229: {  	v8 =	vmul.f32 $2.262741660e+01, v8;
	[tilespmem:s18+$0xC20] =	vst v14;
	v11 =	vld [tilespmem:s18+$0x10]  }
0x22a: {  	v20 =	vld [tilespmem:s18+$0x40];
	[tilespmem:s18+$0x430] =	vst v9  }
0x22b: {  	v14 =	vld [tilespmem:s18+$0x840];
	[tilespmem:s18+$0x440] =	vst v8;
	v3 =	vmul.f32 $2.262741660e+01, v3  }
0x22c: {  	[tilespmem:s18+$0xC70] =	vst v10;
	v10 =	vld [tilespmem:s18+$0x820];
	v13 =	vmul.f32 $2.262741660e+01, v16  }
0x22d: {  	v12 =	vmul.f32 $2.262741660e+01, v12;
	v16 =	vld [tilespmem:s18+$0x860];
	[tilespmem:s18+$0x70] =	vst v3  }
0x22e: {  	v19 =	vmul.f32 $2.262741660e+01, v7;
	v11 =	vmul.f32 $2.262741660e+01, v11;
	v3 =	vld [tilespmem:s18+$0x850];
	[tilespmem:s18+$0x30] =	vst v13  }
0x22f: {  	v17 =	vmul.f32 $2.262741660e+01, v17;
	v13 =	vmul.f32 $2.262741660e+01, v15;
	[tilespmem:s18+$0x20] =	vst v12;
	v12 =	vld [tilespmem:s18+$0x870]  }
0x230: {  	v21 =	vmul.f32 $2.262741660e+01, v6;
	v7 =	vmul.f32 $2.262741660e+01, v5;
	[tilespmem:s18+$0x10] =	vst v11;
	v11 =	vld [tilespmem:s18+$0xC00]  }
0x231: {  	v6 =	vmul.f32 $2.262741660e+01, v4;
	v8 =	vmul.f32 $2.262741660e+01, v18;
	[tilespmem:s18+$0xC40] =	vst v13;
	v13 =	vld [tilespmem:s18+$0x50]  }
0x232: {  	[tilespmem:s18+$0x450] =	vst v19;
	v5 =	vmul.f32 $2.262741660e+01, v14;
	v4 =	vmul.f32 $2.262741660e+01, v10;
	v15 =	vld [tilespmem:s18+$0x60]  }
0x233: {  	[tilespmem:s18+$0x460] =	vst v17;
	v14 =	vld [tilespmem:s18+$0xC10];
	v10 =	vmul.f32 $2.262741660e+01, v16;
	v9 =	vmul.f32 $2.262741660e+01, v3  }
0x234: {  	s20 =	simm.s32 $0x80;
	s19 =	simm.s32 $0x200;
	[tilespmem:s18+$0x470] =	vst v21;
	v16 =	vld [tilespmem:s18+$0xC30];
	v3 =	vmul.f32 $2.262741660e+01, v12;
	v12 =	vmul.f32 $2.262741660e+01, v20  }
.LBB2_9:
0x235: {  	s21 =	sand.u32 $0x7000, s19;
	s25 =	sand.u32 $0x380, s20;
	[tilespmem:s18+$0x800] =	vst v7;
	v7 =	vmul.f32 $2.262741660e+01, v11;
	v11 =	vld [tilespmem:s18+$0xC50]  }
0x236: {  	p1 =	sne.s32 s19, $0x4E00;
	s19 =	sadd.s32 $0x200, s19;
	s21 =	sor.u32 s25, s21;
	v13 =	vmul.f32 $2.262741660e+01, v13;
	[tilespmem:s18+$0x810] =	vst v6;
	v6 =	vld [tilespmem:s18+$0xC60]  }
0x237: {  	s25 =	sadd.s32 $0x10900, s21;
	v17 =	vld [tilespmem:s21+$0x10900];
	v15 =	vmul.f32 $2.262741660e+01, v15;
	[tilespmem:s18+$0x820] =	vst v4  }
0x238: {  	v4 =	vld [tilespmem:s25+$0x810];
	[tilespmem:s18+$0x830] =	vst v8;
	v8 =	vmul.f32 $2.262741660e+01, v14  }
0x239: {  	v14 =	vld [tilespmem:s25+$0x800];
	[tilespmem:s18+$0x840] =	vst v5;
	v5 =	vmul.f32 $2.262741660e+01, v16  }
0x23a: {  	v16 =	vld [tilespmem:s25+$0x470];
	[tilespmem:s18+$0x850] =	vst v9;
	v9 =	vmul.f32 $2.262741660e+01, v11  }
0x23b: {  	v11 =	vld [tilespmem:s25+$0x460];
	[tilespmem:s18+$0x860] =	vst v10;
	v6 =	vmul.f32 $2.262741660e+01, v6  }
0x23c: {  	v10 =	vmul.f32 $2.262741660e+01, v17;
	v17 =	vld [tilespmem:s25+$0x450];
	[tilespmem:s18+$0x40] =	vst v12  }
0x23d: {  	v12 =	vld [tilespmem:s25+$0x440];
	[tilespmem:s18+$0xC60] =	vst v6  }
0x23e: {  	v6 =	vld [tilespmem:s25+$0x430];
	[tilespmem:s18+$0x60] =	vst v15  }
0x23f: {  	v15 =	vld [tilespmem:s25+$0x420];
	[tilespmem:s18+$0x50] =	vst v13  }
0x240: {  	v13 =	vld [tilespmem:s25+$0x410];
	[tilespmem:s18+$0xC50] =	vst v9  }
0x241: {  	v9 =	vld [tilespmem:s25+$0xC70];
	[tilespmem:s18+$0xC00] =	vst v7  }
0x242: {  	v7 =	vld [tilespmem:s25+$0x400];
	[tilespmem:s18+$0x870] =	vst v3  }
0x243: {  	v3 =	vld [tilespmem:s25+$0xC20];
	[tilespmem:s18+$0xC10] =	vst v8  }
0x244: {  	v8 =	vmul.f32 $2.262741660e+01, v15;
	v15 =	vld [tilespmem:s25+$0xC40];
	[tilespmem:s18+$0xC30] =	vst v5;
	s18 =	smov.u32 s25  }
0x245: {  	[tilespmem:s21+$0x10900] =	vst v10;
	v5 =	vld [tilespmem:s18+$0x70];
	v10 =	vmul.f32 $2.262741660e+01, v13  }
0x246: {  	v13 =	vld [tilespmem:s18+$0x30];
	[tilespmem:s18+$0x420] =	vst v8;
	v8 =	vmul.f32 $2.262741660e+01, v9  }
0x247: {  	v9 =	vld [tilespmem:s18+$0x20];
	v7 =	vmul.f32 $2.262741660e+01, v7;
	[tilespmem:s18+$0x410] =	vst v10;
	v10 =	vmul.f32 $2.262741660e+01, v6  }
0x248: {  	v12 =	vmul.f32 $2.262741660e+01, v12;
	v6 =	vld [tilespmem:s18+$0x10];
	v3 =	vmul.f32 $2.262741660e+01, v3;
	[tilespmem:s18+$0xC70] =	vst v8  }
0x249: {  	v17 =	vmul.f32 $2.262741660e+01, v17;
	[tilespmem:s18+$0x400] =	vst v7;
	v8 =	vld [tilespmem:s18+$0x820];
	v7 =	vmul.f32 $2.262741660e+01, v15  }
0x24a: {  	v18 =	vmul.f32 $2.262741660e+01, v11;
	v5 =	vmul.f32 $2.262741660e+01, v5;
	v11 =	vld [tilespmem:s18+$0x830];
	[tilespmem:s18+$0xC20] =	vst v3  }
0x24b: {  	v16 =	vmul.f32 $2.262741660e+01, v16;
	v3 =	vmul.f32 $2.262741660e+01, v13;
	v13 =	vld [tilespmem:s18+$0x840];
	[tilespmem:s18+$0xC40] =	vst v7  }
0x24c: {  	v7 =	vmul.f32 $2.262741660e+01, v14;
	v9 =	vmul.f32 $2.262741660e+01, v9;
	[tilespmem:s18+$0x70] =	vst v5;
	v14 =	vld [tilespmem:s18+$0x850]  }
0x24d: {  	v5 =	vmul.f32 $2.262741660e+01, v6;
	[tilespmem:s18+$0x30] =	vst v3;
	v6 =	vmul.f32 $2.262741660e+01, v4;
	v3 =	vld [tilespmem:s18+$0x860]  }
0x24e: {  	[tilespmem:s18+$0x20] =	vst v9;
	v4 =	vmul.f32 $2.262741660e+01, v8;
	v19 =	vld [tilespmem:s18+$0x870]  }
0x24f: {  	[tilespmem:s18+$0x10] =	vst v5;
	v20 =	vld [tilespmem:s18+$0x40];
	v8 =	vmul.f32 $2.262741660e+01, v11  }
.Ltmp5:
0x250: {  	[tilespmem:s18+$0x430] =	vst v10;
	v5 =	vmul.f32 $2.262741660e+01, v13;
	v11 =	vld [tilespmem:s18+$0xC00];
	(pc) =	sbr.rel @p1 .LBB2_9-.Ltmp5, $4  }
0x251: {  	v13 =	vld [tilespmem:s18+$0x50];
	[tilespmem:s18+$0x440] =	vst v12;
	v9 =	vmul.f32 $2.262741660e+01, v14  }
0x252: {  	v15 =	vld [tilespmem:s18+$0x60];
	[tilespmem:s18+$0x450] =	vst v17;
	v10 =	vmul.f32 $2.262741660e+01, v3  }
0x253: {  	[tilespmem:s18+$0x460] =	vst v18;
	v3 =	vmul.f32 $2.262741660e+01, v19;
	v14 =	vld [tilespmem:s18+$0xC10]  }
0x254: {  	s20 =	sadd.s32 $0x80, s20;
	v12 =	vmul.f32 $2.262741660e+01, v20;
	[tilespmem:s18+$0x470] =	vst v16;
	v16 =	vld [tilespmem:s18+$0xC30]  }
0x255: {  	[tilespmem:s18+$0x800] =	vst v7  }
0x256: {  	[tilespmem:s18+$0x810] =	vst v6  }
0x257: {  	[tilespmem:s18+$0x820] =	vst v4  }
0x258: {  	[tilespmem:s18+$0x830] =	vst v8  }
0x259: {  	[tilespmem:s18+$0x840] =	vst v5  }
0x25a: {  	[tilespmem:s18+$0x850] =	vst v9  }
0x25b: {  	[tilespmem:s18+$0x860] =	vst v10  }
0x25c: {  	v56 =	vld [tilespmem:s18+$0xC60];
	v61 =	vmul.f32 $2.262741660e+01, v11;
	[tilespmem:s18+$0x870] =	vst v3  }
0x25d: {  	v57 =	vld [tilespmem:s18+$0xC50];
	[tilespmem:s18+$0x40] =	vst v12;
	v60 =	vmul.f32 $2.262741660e+01, v13  }
0x25e: {  	v59 =	vmul.f32 $2.262741660e+01, v15;
	[tilespmem:s18+$0xC00] =	vst v61  }
0x25f: {  	[tilespmem:s18+$0x50] =	vst v60;
	v62 =	vmul.f32 $2.262741660e+01, v14  }
0x260: {  	[tilespmem:s18+$0x60] =	vst v59;
	v63 =	vmul.f32 $2.262741660e+01, v16  }
0x261: {  	v58 =	vmul.f32 $2.262741660e+01, v56;
	[tilespmem:s18+$0xC10] =	vst v62  }
0x262: {  	v4 =	vmul.f32 $2.262741660e+01, v57;
	[tilespmem:s18+$0xC30] =	vst v63  }
0x263: {  	[tilespmem:s18+$0xC60] =	vst v58  }
.Ltmp6:
0x264: {  	[tilespmem:s18+$0xC50] =	vst v4;
	(pc) =	sbr.rel @p0 .LBB2_12-.Ltmp6, $4  }
0x265: {  	s17 =	sadd.s32 s4, s17;
	_ =	swait.ge [sflag:s13], $0x5000  }
0x266: {  	s17 =	sshll.u32 s17, $0x6;
	[sflag:s13] =	ssyncset.done $0x0  }
0x267: {  	s17 =	sadd.s32 s3, s17;
	[sflag:s13] =	ssyncadd.s32 $0xFFFFB000  }
0x268: {  	[hbm4b:s17+s5] =	stream.linear.scatter [tilespmem:s24], [sflag:$0x5], $0x5000, $0x38;
	[tilespmem:$0x15900] =	vst v63  }
0x269: {  	s17 =	smul.u32 $0x280, s16;
	_ =	sdelay $0x1  }
0x26a: {  	s17 =	sshra.s32 s17, $0x2  }
0x26b: {  	v3 =	vld [tilespmem:s17+$0xF0];
	_ =	sdelay $0x4  }
0x26c: {  	v4 =	vshll.u32 v3, $0x2  }
0x26d: {  	v3 =	vand.u32 $0x7, v3;
	v4 =	vand.u32 $0xFFFFFFE0, v4  }
0x26e: {  	v3 =	vor.u32 v3, v4  }
0x26f: {  	v4 =	vperm.xlane v3, v0;
	_ =	sdelay $0x1  }
0x270: {  	v4 =	vadd.s32 v1, v4;
	_ =	sdelay $0x1  }
0x271: {  	v3 =	vperm.xlane v3, v2;
	_ =	sdelay $0x1  }
0x272: {  	v3 =	vadd.s32 v1, v3  }
0x273: {  	[tilespmem:s0], [sflag:$0x3] =	stream.indirect_vreg.gather [hbm4b:s2+s5], $0x80, v4, vm0, $0xb8;
	[tilespmem:$0x15900] =	vst v63  }
0x274: {  	s18 =	simm.s32 $0xC100  }
0x275: {  	[tilespmem:s18], [sflag:$0x3] =	stream.indirect_vreg.gather [hbm4b:s7+s5], $0x80, v4, vm0, $0xb8;
	[tilespmem:$0x15900] =	vst v63  }
0x276: {  	s26 =	simm.s32 $0xC900  }
0x277: {  	[tilespmem:s26], [sflag:$0x3] =	stream.indirect_vreg.gather [hbm4b:s2+s5], $0x80, v3, vm0, $0xb8;
	[tilespmem:$0x15900] =	vst v63  }
0x278: {  	s28 =	simm.s32 $0xD100  }
0x279: {  	[tilespmem:s28], [sflag:$0x3] =	stream.indirect_vreg.gather [hbm4b:s7+s5], $0x80, v3, vm0, $0xb8;
	[tilespmem:$0x15900] =	vst v63  }
0x27a: {  	v3 =	vld [tilespmem:s17+$0x100];
	_ =	sdelay $0x4  }
0x27b: {  	v62 =	vshll.u32 v3, $0x2  }
0x27c: {  	v3 =	vand.u32 $0x7, v3;
	v4 =	vand.u32 $0xFFFFFFE0, v62  }
0x27d: {  	v3 =	vor.u32 v3, v4  }
0x27e: {  	v4 =	vperm.xlane v3, v0;
	_ =	sdelay $0x1  }
0x27f: {  	v4 =	vadd.s32 v1, v4;
	_ =	sdelay $0x1  }
0x280: {  	v3 =	vperm.xlane v3, v2;
	_ =	sdelay $0x1  }
0x281: {  	s19 =	simm.s32 $0xD900;
	v3 =	vadd.s32 v1, v3  }
0x282: {  	[tilespmem:s19], [sflag:$0x3] =	stream.indirect_vreg.gather [hbm4b:s2+s5], $0x80, v4, vm0, $0xb8;
	[tilespmem:$0x15900] =	vst v63  }
0x283: {  	s20 =	simm.s32 $0xE100  }
0x284: {  	[tilespmem:s20], [sflag:$0x3] =	stream.indirect_vreg.gather [hbm4b:s7+s5], $0x80, v4, vm0, $0xb8;
	[tilespmem:$0x15900] =	vst v63  }
0x285: {  	s21 =	simm.s32 $0xE900  }
0x286: {  	[tilespmem:s21], [sflag:$0x3] =	stream.indirect_vreg.gather [hbm4b:s2+s5], $0x80, v3, vm0, $0xb8;
	[tilespmem:$0x15900] =	vst v63  }
0x287: {  	s25 =	simm.s32 $0xF100  }
0x288: {  	[tilespmem:s25], [sflag:$0x3] =	stream.indirect_vreg.gather [hbm4b:s7+s5], $0x80, v3, vm0, $0xb8;
	[tilespmem:$0x15900] =	vst v63  }
0x289: {  	v3 =	vld.msk [tilespmem:s17+$0x110], $0xff;
	_ =	sdelay $0x4  }
0x28a: {  	v63 =	vshll.u32 v3, $0x2  }
0x28b: {  	v3 =	vand.u32 $0x7, v3;
	v4 =	vand.u32 $0xFFFFFFE0, v63  }
0x28c: {  	v3 =	vor.u32 v3, v4  }
0x28d: {  	v3 =	vperm.xlane v3, v0;
	_ =	sdelay $0x1  }
0x28e: {  	v3 =	vadd.s32 v1, v3;
	_ =	sdelay $0x2  }
.Ltmp7:
0x28f: {  	_ = 	snop;
	(pc) =	sbr.rel .LBB2_2-.Ltmp7, $4  }
0x290: {  	s26 =	simm.s32 $0xF900  }
0x291: {  	[tilespmem:s26], [sflag:$0x3] =	stream.indirect_vreg.gather [hbm4b:s2+s5], $0x80, v3, vm0, $0xb8;
	[tilespmem:$0x15900] =	vst v63  }
0x292: {  	s16 =	sadd.s32 $0x1, s16;
	s28 =	simm.s32 $0x10100  }
0x293: {  	[tilespmem:s28], [sflag:$0x3] =	stream.indirect_vreg.gather [hbm4b:s7+s5], $0x80, v3, vm0, $0xb8;
	[tilespmem:$0x15900] =	vst v63  }
.LBB2_13:
0x294: {  	_ =	sfence.sel $0x180000  }
0x295: {  	[bflag:$0x0] =	sbarrier.arrive $0xFFFF  }
0x296: {  	_ =	strace $0x90000047  }
0x297: {  	s0 =	stileid.u32;
	[bflag:$0x2] =	sbarrier.arrive $0xFFFF  }
0x298: {  	p0 =	sne.s32 s0, $0x0;
	s0 =	rddreg [dreg:$0x3]  }
0x299: {  	s0 =	sadd.s32 @!p0 $0x100000, s0  }
0x29a: {  	[sflag:s0] =	ssyncadd.tile.s32 @!p0 $0x1;
	_ =	shalt  }
.Lfunc_end2:
_tile_overlayer_lowered:
.L_overlay_start_2:
0x29b: {  	(tag) =	ssettag $0x2  }
0x29c: {  	s0 =	rddreg [dreg:$0x0];
	s2 =	stileid.u32  }
0x29d: {  	s1 =	rddreg [dreg:$0x1];
	p0 =	sne.s32 s2, $0x0  }
0x29e: {  	s3 =	rddreg [dreg:$0x2];
	[bflag:$0x3] =	sbarrier.arrive $0xFFFF;
	s2 =	simm.s32 @!p0 $0x1C06  }
0x29f: {  	[timem:s3], [sflag:s2] =	dma.local @!p0 [hbm:s0], s1  }
0x2a0: {  	s0 =	simm.s32 @!p0 $0x6  }
0x2a1: {  	_ =	swait.ge @!p0 [sflag:s0], s1  }
0x2a2: {  	s1 =	ssub.s32 @!p0 $0x0, s1;
	[sflag:s0] =	ssyncset.done @!p0 $0x0  }
0x2a3: {  	[sflag:s0] =	ssyncadd.s32 @!p0 s1  }
0x2a4: {  	[bflag:$0x3] =	sbarrier.arrive $0xFFFF  }
0x2a5: {  	_ =	shalt  }

</sc_bundles>
